<compile_context>
chip_gen: v7x
topology: tpu7x:2x2x1
jax: 0.10.2.dev20260603
libtpu: 0.0.44.dev20260713+nightly
codegen_flags: <defaults>
</compile_context>

<pallas_src>
import dataclasses
import functools

import jax
import jax.numpy as jnp
from jax import lax
from jax.experimental import pallas as pl
from jax.experimental.pallas import tpu as pltpu
from jax.experimental.pallas import tpu_sc as plsc

N = 10000
E = 320000
NT = 10240
EP = 327680
CH = 128
RB = 16
EB = RB * CH
NO = EP // (32 * EB)
RPT = NT // 16
BLK = 1280
GRID = NT // BLK


def _sc_mesh():
    return plsc.VectorSubcoreMesh(core_axis_name="c", subcore_axis_name="s")


def _sc_params():
    cp = pltpu.CompilerParams()
    if "needs_layout_passes" in pltpu.CompilerParams.__dataclass_fields__:
        cp = dataclasses.replace(cp, needs_layout_passes=False)
    return cp


def _deg(dstB):
    @functools.partial(
        pl.kernel,
        out_type=jax.ShapeDtypeStruct((2 * NT, 16), jnp.float32),
        mesh=_sc_mesh(),
        compiler_params=_sc_params(),
        scratch_types=[
            pltpu.VMEM((RB, CH), jnp.int32),
            pltpu.VMEM((NT,), jnp.float32),
            pltpu.VMEM((16, RPT), jnp.float32),
            pltpu.VMEM((RPT, 16), jnp.float32),
            pltpu.VMEM_SHARED((16 * NT,), jnp.float32),
        ],
    )
    def run(dst_hbm, deg_out, idx_v, deg_l, buf16, res2, share):
        c = lax.axis_index("c")
        s = lax.axis_index("s")
        w = c * 16 + s

        @pl.loop(0, NT // 16)
        def _(i):
            deg_l[pl.ds(i * 16, 16)] = jnp.zeros((16,), jnp.float32)

        ones16 = jnp.ones((16,), jnp.float32)

        @pl.loop(0, NO)
        def _(ob):
            pltpu.sync_copy(dst_hbm.at[w * NO + ob], idx_v)

            @pl.loop(0, RB)
            def _(j):
                @pl.loop(0, CH // 16)
                def _(m):
                    idx = idx_v[j, pl.ds(m * 16, 16)]
                    plsc.addupdate_scatter(deg_l, [idx], ones16)

        pltpu.sync_copy(deg_l, share.at[pl.ds(s * NT, NT)])
        plsc.subcore_barrier()

        @pl.loop(0, 16)
        def _(t):
            pltpu.sync_copy(share.at[pl.ds(t * NT + s * RPT, RPT)], buf16.at[t])

        zer16 = jnp.zeros((16,), jnp.int32)
        lane = lax.iota(jnp.int32, 16)

        @pl.loop(0, RPT // 16)
        def _(i):
            v = jnp.zeros((16,), jnp.float32)
            for t in range(16):
                v = v + buf16[t, pl.ds(i * 16, 16)]
            plsc.store_scatter(res2, [i * 16 + lane, zer16], v)

        pltpu.sync_copy(res2, deg_out.at[pl.ds(c * NT + s * RPT, RPT)])

    return run(dstB)


def _agg(tab, srcB, dstB, zblk):
    @functools.partial(
        pl.kernel,
        out_type=jax.ShapeDtypeStruct((2 * NT, 128), jnp.float32),
        mesh=_sc_mesh(),
        scratch_types=[
            pltpu.VMEM((RB, CH), jnp.int32),
            pltpu.VMEM((RB, CH), jnp.int32),
            pltpu.VMEM((RB, CH), jnp.int32),
            pltpu.VMEM((RB, CH), jnp.int32),
            pltpu.VMEM((CH, 128), jnp.float32),
            pltpu.VMEM_SHARED((NT, 128), jnp.float32),
            pltpu.SemaphoreType.DMA,
        ],
    )
    def run(tab_hbm, src_hbm, dst_hbm, z_hbm, acc_out,
            srcv0, srcv1, dstv0, dstv1, buf, acc_sh, isem):
        c = lax.axis_index("c")
        s = lax.axis_index("s")
        w = c * 16 + s
        pltpu.sync_copy(z_hbm, acc_sh.at[pl.ds(s * RPT, RPT)])
        srcs, dsts = (srcv0, srcv1), (dstv0, dstv1)
        pend = (pltpu.async_copy(src_hbm.at[w * NO], srcv0, isem),
                pltpu.async_copy(dst_hbm.at[w * NO], dstv0, isem))
        plsc.subcore_barrier()

        for ob in range(NO):
            sv, dv = srcs[ob % 2], dsts[ob % 2]
            pend[0].wait()
            pend[1].wait()
            if ob + 1 < NO:
                pend = (pltpu.async_copy(src_hbm.at[w * NO + ob + 1],
                                         srcs[(ob + 1) % 2], isem),
                        pltpu.async_copy(dst_hbm.at[w * NO + ob + 1],
                                         dsts[(ob + 1) % 2], isem))

            @pl.loop(0, RB)
            def _(j, sv=sv, dv=dv):
                pltpu.sync_copy(tab_hbm.at[sv.at[j]], buf)
                pltpu.sync_copy(buf, acc_sh.at[dv.at[j]], add=True)

        plsc.subcore_barrier()
        pltpu.sync_copy(acc_sh.at[pl.ds(s * RPT, RPT)],
                        acc_out.at[pl.ds(c * NT + s * RPT, RPT)])

    return run(tab, srcB, dstB, zblk)


def _pre(xp, deg2):
    deg_lo, deg_hi = deg2[:NT], deg2[NT:]

    def body(x_ref, dlo_ref, dhi_ref, xs_ref, dinv_ref):
        i = pl.program_id(0)
        deg = 1.0 + dlo_ref[:, :1] + dhi_ref[:, :1]
        rows = lax.broadcasted_iota(jnp.int32, (BLK, 1), 0) + i * BLK
        dinv = jnp.where(rows < N, lax.rsqrt(deg), 0.0)
        dinv_ref[...] = dinv
        xs_ref[...] = x_ref[...] * dinv

    return pl.pallas_call(
        body,
        grid=(GRID,),
        in_specs=[
            pl.BlockSpec((BLK, 128), lambda i: (i, 0)),
            pl.BlockSpec((BLK, 16), lambda i: (i, 0)),
            pl.BlockSpec((BLK, 16), lambda i: (i, 0)),
        ],
        out_specs=[
            pl.BlockSpec((BLK, 128), lambda i: (i, 0)),
            pl.BlockSpec((BLK, 1), lambda i: (i, 0)),
        ],
        out_shape=[
            jax.ShapeDtypeStruct((NT, 128), jnp.float32),
            jax.ShapeDtypeStruct((NT, 1), jnp.float32),
        ],
    )(xp, deg_lo, deg_hi)


def _mmA(accx, xs, dinv, W1, b1r, W2):
    def body(alo, ahi, xs_ref, dv, w1_ref, b1_ref, w2_ref, out_ref):
        d = dv[...]
        xagg = (alo[0] + ahi[0] + xs_ref[...]) * d
        y1 = jnp.maximum(
            jnp.dot(xagg, w1_ref[...], preferred_element_type=jnp.float32)
            + b1_ref[...], 0.0)
        h2 = jnp.dot(y1, w2_ref[...], preferred_element_type=jnp.float32)
        out_ref[...] = h2 * d

    return pl.pallas_call(
        body,
        grid=(GRID,),
        in_specs=[
            pl.BlockSpec((1, BLK, 128), lambda i: (0, i, 0)),
            pl.BlockSpec((1, BLK, 128), lambda i: (1, i, 0)),
            pl.BlockSpec((BLK, 128), lambda i: (i, 0)),
            pl.BlockSpec((BLK, 1), lambda i: (i, 0)),
            pl.BlockSpec((128, 256), lambda i: (0, 0)),
            pl.BlockSpec((1, 256), lambda i: (0, 0)),
            pl.BlockSpec((256, 128), lambda i: (0, 0)),
        ],
        out_specs=pl.BlockSpec((BLK, 128), lambda i: (i, 0)),
        out_shape=jax.ShapeDtypeStruct((NT, 128), jnp.float32),
    )(accx, accx, xs, dinv, W1, b1r, W2)


def _mm3(acc2, hs2, dinv, b2r, Wfc, bfcr):
    def body(alo, ahi, h2, dv, b2_ref, wfc_ref, bfc_ref, out_ref):
        d = dv[...]
        y2 = jnp.maximum((alo[0] + ahi[0] + h2[...]) * d + b2_ref[...], 0.0)
        out_ref[...] = (jnp.dot(y2, wfc_ref[...], preferred_element_type=jnp.float32)
                        + bfc_ref[...])

    return pl.pallas_call(
        body,
        grid=(GRID,),
        in_specs=[
            pl.BlockSpec((1, BLK, 128), lambda i: (0, i, 0)),
            pl.BlockSpec((1, BLK, 128), lambda i: (1, i, 0)),
            pl.BlockSpec((BLK, 128), lambda i: (i, 0)),
            pl.BlockSpec((BLK, 1), lambda i: (i, 0)),
            pl.BlockSpec((1, 128), lambda i: (0, 0)),
            pl.BlockSpec((128, 1), lambda i: (0, 0)),
            pl.BlockSpec((1, 1), lambda i: (0, 0)),
        ],
        out_specs=pl.BlockSpec((BLK, 1), lambda i: (i, 0)),
        out_shape=jax.ShapeDtypeStruct((NT, 1), jnp.float32),
    )(acc2, acc2, hs2, dinv, b2r, Wfc, bfcr)


def kernel(x, edge_index, W1, b1, W2, b2, Wfc, bfc):
    xp = jnp.pad(x, ((0, NT - N), (0, 0)))
    src, dst = edge_index[0], edge_index[1]
    pad = jnp.full((EP - E,), N, dtype=jnp.int32)
    srcp = jnp.concatenate([src, pad])
    dstp = jnp.concatenate([dst, pad])
    srcB = srcp.reshape(32 * NO, RB, CH)
    dstB = dstp.reshape(32 * NO, RB, CH)

    zblk = jnp.zeros((RPT, 128), jnp.float32)
    b1r = b1.reshape(1, 256)
    b2r = b2.reshape(1, 128)
    bfcr = bfc.reshape(1, 1)

    deg2 = _deg(dstB)
    xs, dinv = _pre(xp, deg2)
    accx = _agg(xs, srcB, dstB, zblk)
    hs2 = _mmA(accx.reshape(2, NT, 128), xs, dinv, W1, b1r, W2)
    acc2 = _agg(hs2, srcB, dstB, zblk)
    out = _mm3(acc2.reshape(2, NT, 128), hs2, dinv, b2r, Wfc, bfcr)
    return out[:N]

# --- scband reference (transcript-rebuilt; emitter-appended) ---
"""Pipeline reference for scband-gcn-19258633355948 (READ-ONLY COPY).

The authoritative reference and input builder live on the scoring server;
editing this copy changes nothing except your own understanding.
"""

import jax, jax.numpy as jnp
import numpy as np

N = 10000
E = 320000
D_IN = 128

def setup_inputs(seed: int = 0) -> dict:
    key = jax.random.key(seed)
    ks = jax.random.split(key, 8)
    x = jax.random.normal(ks[0], (N, D_IN), dtype=jnp.float32)
    edge_index = jax.random.randint(ks[1], (2, E), 0, N, dtype=jnp.int32)
    W1 = jax.random.normal(ks[2], (D_IN, 256), dtype=jnp.float32) / np.sqrt(D_IN)
    b1 = jnp.zeros((256,), dtype=jnp.float32)
    W2 = jax.random.normal(ks[3], (256, 128), dtype=jnp.float32) / np.sqrt(256.0)
    b2 = jnp.zeros((128,), dtype=jnp.float32)
    Wfc = jax.random.normal(ks[4], (128, 1), dtype=jnp.float32) / np.sqrt(128.0)
    bfc = jnp.zeros((1,), dtype=jnp.float32)
    return {"x": x, "edge_index": edge_index, "W1": W1, "b1": b1, "W2": W2, "b2": b2, "Wfc": Wfc, "bfc": bfc}

def _gcn_conv(x, src, dst, W, b):
    # PyG GCNConv: linear transform, then symmetric-normalized aggregation with self-loops
    h = x @ W
    ones = jnp.ones(src.shape[0], dtype=h.dtype)
    deg = jnp.zeros((N,), dtype=h.dtype).at[dst].add(ones)
    dinv = jnp.where(deg > 0, jax.lax.rsqrt(jnp.maximum(deg, 1e-12)), 0.0)
    norm = dinv[src] * dinv[dst]
    msg = h[src] * norm[:, None]
    out = jnp.zeros((N, h.shape[1]), dtype=h.dtype).at[dst].add(msg)
    return out + b

def reference(x, edge_index, W1, b1, W2, b2, Wfc, bfc):
    loop = jnp.arange(N, dtype=edge_index.dtype)
    src = jnp.concatenate([edge_index[0], loop])
    dst = jnp.concatenate([edge_index[1], loop])
    h = jax.nn.relu(_gcn_conv(x, src, dst, W1, b1))
    # dropout is identity in eval mode
    h = jax.nn.relu(_gcn_conv(h, src, dst, W2, b2))
    out = h @ Wfc + bfc
    return out

if __name__ == "__main__":
    import jax
    _d = setup_inputs()
    print(jax.jit(kernel)(*tuple(_d.values())))

</pallas_src>

<mosaic_0001>
#map = affine_map<(d0, d1) -> (0, 0, 0)>
#map1 = affine_map<(d0, d1) -> (0, 0)>
module attributes {stable_mosaic.version = 14 : i64} {
  func.func @run(%arg0: i32, %arg1: i32, %arg2: memref<160x16x128xi32, #tpu.memory_space<hbm>>, %arg3: memref<20480x16xf32, #tpu.memory_space<hbm>>, %arg4: memref<16x128xi32, #tpu.memory_space<vmem>>, %arg5: memref<10240xf32, #tpu.memory_space<vmem>>, %arg6: memref<16x640xf32, #tpu.memory_space<vmem>>, %arg7: memref<640x16xf32, #tpu.memory_space<vmem>>, %arg8: memref<163840xf32, #tpu.memory_space<vmem_shared>>) attributes {dimension_semantics = [#tpu.dimension_semantics<core_parallel>, #tpu.dimension_semantics<subcore_parallel>], iteration_bounds = array<i64: 2, 16>, scalar_prefetch = 0 : i64, scratch_operands = 5 : i64, tpu.core_type = #tpu.core_type<sc_vector_subcore>, window_params = [{transform_indices = #map}, {transform_indices = #map1}]} {
    %mul3A = arith.constant 16 : i32
    %mul3A_0 = arith.muli %arg0, %mul3A : i32
    %add3A = arith.addi %mul3A_0, %arg1 : i32
    %scan3A = arith.constant 0 : i32
    %scan3A_1 = arith.constant 640 : i32
    %scan3A_2 = arith.addi %scan3A, %scan3A_1 : i32
    %scan3A_3 = arith.constant 1 : i32
    scf.for %scan3A_30 = %scan3A to %scan3A_2 step %scan3A_3  : i32 {
      %mul3A_31 = arith.constant 1 : i32
      %mul3A_32 = arith.muli %scan3A_30, %mul3A_31 : i32
      %add3A_33 = arith.constant 0 : i32
      %add3A_34 = arith.addi %add3A_33, %mul3A_32 : i32
      %broadcast_in_dim3A_35 = arith.constant 0.000000e+00 : f32
      %broadcast_in_dim3A_36 = vector.broadcast %broadcast_in_dim3A_35 : f32 to vector<16xf32>
      %mul3A_37 = arith.constant 16 : i32
      %mul3A_38 = arith.muli %add3A_34, %mul3A_37 : i32
      %swap3A = arith.index_cast %mul3A_38 : i32 to index
      %swap3A_39 = tpu.vector_load %arg5[%swap3A] {strides = array<i32>} : memref<10240xf32, #tpu.memory_space<vmem>>, vector<16xf32>,
      tpu.vector_store %arg5[%swap3A], %broadcast_in_dim3A_36 {strides = array<i32>} : memref<10240xf32, #tpu.memory_space<vmem>>, vector<16xf32>,
    }
    %scan3A_4 = arith.constant 640 : i32
    %broadcast_in_dim3A = arith.constant 1.000000e+00 : f32
    %broadcast_in_dim3A_5 = vector.broadcast %broadcast_in_dim3A : f32 to vector<16xf32>
    %scan3A_6 = arith.constant 0 : i32
    %scan3A_7 = arith.constant 5 : i32
    %scan3A_8 = arith.addi %scan3A_6, %scan3A_7 : i32
    %scan3A_9 = arith.constant 1 : i32
    scf.for %scan3A_30 = %scan3A_6 to %scan3A_8 step %scan3A_9  : i32 {
      %mul3A_31 = arith.constant 1 : i32
      %mul3A_32 = arith.muli %scan3A_30, %mul3A_31 : i32
      %add3A_33 = arith.constant 0 : i32
      %add3A_34 = arith.addi %add3A_33, %mul3A_32 : i32
      %mul3A_35 = arith.constant 5 : i32
      %mul3A_36 = arith.muli %add3A, %mul3A_35 : i32
      %add3A_37 = arith.addi %mul3A_36, %add3A_34 : i32
      "tpu.region"() ({
        %run_scoped3A = tpu.sem_alloc : memref<!tpu.dma_semaphore, #tpu.memory_space<semaphore_mem>>
        %dma_start3A = arith.constant 0 : i32
        %dma_start3A_43 = arith.constant 0 : i32
        %dma_start3A_44 = tpu.memref_slice %arg2[%add3A_37, %dma_start3A, %dma_start3A_43] : memref<160x16x128xi32, #tpu.memory_space<hbm>> -> memref<1x16x128xi32, #tpu.memory_space<hbm>>
        %dma_start3A_45 = tpu.memref_squeeze %dma_start3A_44 : memref<1x16x128xi32, #tpu.memory_space<hbm>> -> memref<16x128xi32, #tpu.memory_space<hbm>>
        %dma_start3A_46 = arith.constant 0 : i32
        %dma_start3A_47 = arith.constant 0 : i32
        %dma_start3A_48 = tpu.memref_slice %arg2[%add3A_37, %dma_start3A_46, %dma_start3A_47] : memref<160x16x128xi32, #tpu.memory_space<hbm>> -> memref<1x16x128xi32, #tpu.memory_space<hbm>>
        %dma_start3A_49 = tpu.memref_squeeze %dma_start3A_48 : memref<1x16x128xi32, #tpu.memory_space<hbm>> -> memref<16x128xi32, #tpu.memory_space<hbm>>
        tpu.enqueue_dma source(%dma_start3A_49 : memref<16x128xi32, #tpu.memory_space<hbm>>) target(%arg4 : memref<16x128xi32, #tpu.memory_space<vmem>>) target_semaphore(%run_scoped3A : memref<!tpu.dma_semaphore, #tpu.memory_space<semaphore_mem>>)
        %dma_wait3A = arith.constant 0 : i32
        %dma_wait3A_50 = arith.constant 0 : i32
        %dma_wait3A_51 = tpu.memref_slice %arg2[%add3A_37, %dma_wait3A, %dma_wait3A_50] : memref<160x16x128xi32, #tpu.memory_space<hbm>> -> memref<1x16x128xi32, #tpu.memory_space<hbm>>
        %dma_wait3A_52 = tpu.memref_squeeze %dma_wait3A_51 : memref<1x16x128xi32, #tpu.memory_space<hbm>> -> memref<16x128xi32, #tpu.memory_space<hbm>>
        %dma_wait3A_53 = arith.constant 0 : i32
        %dma_wait3A_54 = arith.constant 0 : i32
        %dma_wait3A_55 = tpu.memref_slice %arg2[%add3A_37, %dma_wait3A_53, %dma_wait3A_54] : memref<160x16x128xi32, #tpu.memory_space<hbm>> -> memref<1x16x128xi32, #tpu.memory_space<hbm>>
        %dma_wait3A_56 = tpu.memref_squeeze %dma_wait3A_55 : memref<1x16x128xi32, #tpu.memory_space<hbm>> -> memref<16x128xi32, #tpu.memory_space<hbm>>
        tpu.wait_dma2 semaphore(%run_scoped3A : memref<!tpu.dma_semaphore, #tpu.memory_space<semaphore_mem>>) src(%dma_wait3A_56 : memref<16x128xi32, #tpu.memory_space<hbm>>) dst(%arg4 : memref<16x128xi32, #tpu.memory_space<vmem>>)
        tpu.yield
      }) : () -> ()
      %scan3A_38 = arith.constant 0 : i32
      %scan3A_39 = arith.constant 16 : i32
      %scan3A_40 = arith.addi %scan3A_38, %scan3A_39 : i32
      %scan3A_41 = arith.constant 1 : i32
      scf.for %scan3A_43 = %scan3A_38 to %scan3A_40 step %scan3A_41  : i32 {
        %mul3A_44 = arith.constant 1 : i32
        %mul3A_45 = arith.muli %scan3A_43, %mul3A_44 : i32
        %add3A_46 = arith.constant 0 : i32
        %add3A_47 = arith.addi %add3A_46, %mul3A_45 : i32
        %scan3A_48 = arith.constant 0 : i32
        %scan3A_49 = arith.constant 8 : i32
        %scan3A_50 = arith.addi %scan3A_48, %scan3A_49 : i32
        %scan3A_51 = arith.constant 1 : i32
        scf.for %scan3A_53 = %scan3A_48 to %scan3A_50 step %scan3A_51  : i32 {
          %mul3A_54 = arith.constant 1 : i32
          %mul3A_55 = arith.muli %scan3A_53, %mul3A_54 : i32
          %add3A_56 = arith.constant 0 : i32
          %add3A_57 = arith.addi %add3A_56, %mul3A_55 : i32
          %mul3A_58 = arith.constant 16 : i32
          %mul3A_59 = arith.muli %add3A_57, %mul3A_58 : i32
          %get3A = arith.index_cast %add3A_47 : i32 to index
          %get3A_60 = arith.index_cast %mul3A_59 : i32 to index
          %get3A_61 = tpu.vector_load %arg4[%get3A, %get3A_60] {strides = array<i32>} : memref<16x128xi32, #tpu.memory_space<vmem>>, vector<16xi32>,
          tpu.vector_store_idx %arg5[%get3A_61], %broadcast_in_dim3A_5 {add = true} : memref<10240xf32, #tpu.memory_space<vmem>>[vector<16xi32>], vector<16xf32>,
        }
        %scan3A_52 = arith.constant 8 : i32
      }
      %scan3A_42 = arith.constant 16 : i32
    }
    %scan3A_10 = arith.constant 5 : i32
    %mul3A_11 = arith.constant 10240 : i32
    %mul3A_12 = arith.muli %arg1, %mul3A_11 : i32
    "tpu.region"() ({
      %run_scoped3A = tpu.sem_alloc : memref<!tpu.dma_semaphore, #tpu.memory_space<semaphore_mem>>
      %dma_start3A = tpu.memref_slice %arg8[%mul3A_12] : memref<163840xf32, #tpu.memory_space<vmem_shared>> -> memref<10240xf32, #tpu.memory_space<vmem_shared>>
      %dma_start3A_30 = tpu.memref_slice %arg8[%mul3A_12] : memref<163840xf32, #tpu.memory_space<vmem_shared>> -> memref<10240xf32, #tpu.memory_space<vmem_shared>>
      tpu.enqueue_dma source(%arg5 : memref<10240xf32, #tpu.memory_space<vmem>>) target(%dma_start3A_30 : memref<10240xf32, #tpu.memory_space<vmem_shared>>) target_semaphore(%run_scoped3A : memref<!tpu.dma_semaphore, #tpu.memory_space<semaphore_mem>>)
      %dma_wait3A = tpu.memref_slice %arg8[%mul3A_12] : memref<163840xf32, #tpu.memory_space<vmem_shared>> -> memref<10240xf32, #tpu.memory_space<vmem_shared>>
      %dma_wait3A_31 = tpu.memref_slice %arg8[%mul3A_12] : memref<163840xf32, #tpu.memory_space<vmem_shared>> -> memref<10240xf32, #tpu.memory_space<vmem_shared>>
      tpu.wait_dma2 semaphore(%run_scoped3A : memref<!tpu.dma_semaphore, #tpu.memory_space<semaphore_mem>>) src(%arg5 : memref<10240xf32, #tpu.memory_space<vmem>>) dst(%dma_wait3A_31 : memref<10240xf32, #tpu.memory_space<vmem_shared>>)
      tpu.yield
    }) : () -> ()
    %barrier3A = arith.constant 0 : index
    tpu.barrier barrier_id(%barrier3A)
    %scan3A_13 = arith.constant 0 : i32
    %scan3A_14 = arith.constant 16 : i32
    %scan3A_15 = arith.addi %scan3A_13, %scan3A_14 : i32
    %scan3A_16 = arith.constant 1 : i32
    scf.for %scan3A_30 = %scan3A_13 to %scan3A_15 step %scan3A_16  : i32 {
      %mul3A_31 = arith.constant 1 : i32
      %mul3A_32 = arith.muli %scan3A_30, %mul3A_31 : i32
      %add3A_33 = arith.constant 0 : i32
      %add3A_34 = arith.addi %add3A_33, %mul3A_32 : i32
      %mul3A_35 = arith.constant 10240 : i32
      %mul3A_36 = arith.muli %add3A_34, %mul3A_35 : i32
      %mul3A_37 = arith.constant 640 : i32
      %mul3A_38 = arith.muli %arg1, %mul3A_37 : i32
      %add3A_39 = arith.addi %mul3A_36, %mul3A_38 : i32
      "tpu.region"() ({
        %run_scoped3A = tpu.sem_alloc : memref<!tpu.dma_semaphore, #tpu.memory_space<semaphore_mem>>
        %dma_start3A = arith.constant 0 : i32
        %dma_start3A_40 = tpu.memref_slice %arg6[%add3A_34, %dma_start3A] : memref<16x640xf32, #tpu.memory_space<vmem>> -> memref<1x640xf32, #tpu.memory_space<vmem>>
        %dma_start3A_41 = tpu.memref_squeeze %dma_start3A_40 : memref<1x640xf32, #tpu.memory_space<vmem>> -> memref<640xf32, #tpu.memory_space<vmem>>
        %dma_start3A_42 = tpu.memref_slice %arg8[%add3A_39] : memref<163840xf32, #tpu.memory_space<vmem_shared>> -> memref<640xf32, #tpu.memory_space<vmem_shared>>
        %dma_start3A_43 = arith.constant 0 : i32
        %dma_start3A_44 = tpu.memref_slice %arg6[%add3A_34, %dma_start3A_43] : memref<16x640xf32, #tpu.memory_space<vmem>> -> memref<1x640xf32, #tpu.memory_space<vmem>>
        %dma_start3A_45 = tpu.memref_squeeze %dma_start3A_44 : memref<1x640xf32, #tpu.memory_space<vmem>> -> memref<640xf32, #tpu.memory_space<vmem>>
        %dma_start3A_46 = tpu.memref_slice %arg8[%add3A_39] : memref<163840xf32, #tpu.memory_space<vmem_shared>> -> memref<640xf32, #tpu.memory_space<vmem_shared>>
        tpu.enqueue_dma source(%dma_start3A_46 : memref<640xf32, #tpu.memory_space<vmem_shared>>) target(%dma_start3A_45 : memref<640xf32, #tpu.memory_space<vmem>>) target_semaphore(%run_scoped3A : memref<!tpu.dma_semaphore, #tpu.memory_space<semaphore_mem>>)
        %dma_wait3A = arith.constant 0 : i32
        %dma_wait3A_47 = tpu.memref_slice %arg6[%add3A_34, %dma_wait3A] : memref<16x640xf32, #tpu.memory_space<vmem>> -> memref<1x640xf32, #tpu.memory_space<vmem>>
        %dma_wait3A_48 = tpu.memref_squeeze %dma_wait3A_47 : memref<1x640xf32, #tpu.memory_space<vmem>> -> memref<640xf32, #tpu.memory_space<vmem>>
        %dma_wait3A_49 = tpu.memref_slice %arg8[%add3A_39] : memref<163840xf32, #tpu.memory_space<vmem_shared>> -> memref<640xf32, #tpu.memory_space<vmem_shared>>
        %dma_wait3A_50 = arith.constant 0 : i32
        %dma_wait3A_51 = tpu.memref_slice %arg6[%add3A_34, %dma_wait3A_50] : memref<16x640xf32, #tpu.memory_space<vmem>> -> memref<1x640xf32, #tpu.memory_space<vmem>>
        %dma_wait3A_52 = tpu.memref_squeeze %dma_wait3A_51 : memref<1x640xf32, #tpu.memory_space<vmem>> -> memref<640xf32, #tpu.memory_space<vmem>>
        %dma_wait3A_53 = tpu.memref_slice %arg8[%add3A_39] : memref<163840xf32, #tpu.memory_space<vmem_shared>> -> memref<640xf32, #tpu.memory_space<vmem_shared>>
        tpu.wait_dma2 semaphore(%run_scoped3A : memref<!tpu.dma_semaphore, #tpu.memory_space<semaphore_mem>>) src(%dma_wait3A_53 : memref<640xf32, #tpu.memory_space<vmem_shared>>) dst(%dma_wait3A_52 : memref<640xf32, #tpu.memory_space<vmem>>)
        tpu.yield
      }) : () -> ()
    }
    %scan3A_17 = arith.constant 16 : i32
    %broadcast_in_dim3A_18 = arith.constant 0 : i32
    %broadcast_in_dim3A_19 = vector.broadcast %broadcast_in_dim3A_18 : i32 to vector<16xi32>
    %iota3A = tpu.iota {dimensions = array<i32: 0>} : vector<16xi32>
    %scan3A_20 = arith.constant 0 : i32
    %scan3A_21 = arith.constant 40 : i32
    %scan3A_22 = arith.addi %scan3A_20, %scan3A_21 : i32
    %scan3A_23 = arith.constant 1 : i32
    scf.for %scan3A_30 = %scan3A_20 to %scan3A_22 step %scan3A_23  : i32 {
      %mul3A_31 = arith.constant 1 : i32
      %mul3A_32 = arith.muli %scan3A_30, %mul3A_31 : i32
      %add3A_33 = arith.constant 0 : i32
      %add3A_34 = arith.addi %add3A_33, %mul3A_32 : i32
      %broadcast_in_dim3A_35 = arith.constant 0.000000e+00 : f32
      %broadcast_in_dim3A_36 = vector.broadcast %broadcast_in_dim3A_35 : f32 to vector<16xf32>
      %mul3A_37 = arith.constant 16 : i32
      %mul3A_38 = arith.muli %add3A_34, %mul3A_37 : i32
      %get3A = arith.constant 0 : i32
      %get3A_39 = arith.index_cast %get3A : i32 to index
      %get3A_40 = arith.index_cast %mul3A_38 : i32 to index
      %get3A_41 = tpu.vector_load %arg6[%get3A_39, %get3A_40] {strides = array<i32>} : memref<16x640xf32, #tpu.memory_space<vmem>>, vector<16xf32>,
      %add3A_42 = arith.addf %broadcast_in_dim3A_36, %get3A_41 : vector<16xf32>
      %mul3A_43 = arith.constant 16 : i32
      %mul3A_44 = arith.muli %add3A_34, %mul3A_43 : i32
      %get3A_45 = arith.constant 1 : i32
      %get3A_46 = arith.index_cast %get3A_45 : i32 to index
      %get3A_47 = arith.index_cast %mul3A_44 : i32 to index
      %get3A_48 = tpu.vector_load %arg6[%get3A_46, %get3A_47] {strides = array<i32>} : memref<16x640xf32, #tpu.memory_space<vmem>>, vector<16xf32>,
      %add3A_49 = arith.addf %add3A_42, %get3A_48 : vector<16xf32>
      %mul3A_50 = arith.constant 16 : i32
      %mul3A_51 = arith.muli %add3A_34, %mul3A_50 : i32
      %get3A_52 = arith.constant 2 : i32
      %get3A_53 = arith.index_cast %get3A_52 : i32 to index
      %get3A_54 = arith.index_cast %mul3A_51 : i32 to index
      %get3A_55 = tpu.vector_load %arg6[%get3A_53, %get3A_54] {strides = array<i32>} : memref<16x640xf32, #tpu.memory_space<vmem>>, vector<16xf32>,
      %add3A_56 = arith.addf %add3A_49, %get3A_55 : vector<16xf32>
      %mul3A_57 = arith.constant 16 : i32
      %mul3A_58 = arith.muli %add3A_34, %mul3A_57 : i32
      %get3A_59 = arith.constant 3 : i32
      %get3A_60 = arith.index_cast %get3A_59 : i32 to index
      %get3A_61 = arith.index_cast %mul3A_58 : i32 to index
      %get3A_62 = tpu.vector_load %arg6[%get3A_60, %get3A_61] {strides = array<i32>} : memref<16x640xf32, #tpu.memory_space<vmem>>, vector<16xf32>,
      %add3A_63 = arith.addf %add3A_56, %get3A_62 : vector<16xf32>
      %mul3A_64 = arith.constant 16 : i32
      %mul3A_65 = arith.muli %add3A_34, %mul3A_64 : i32
      %get3A_66 = arith.constant 4 : i32
      %get3A_67 = arith.index_cast %get3A_66 : i32 to index
      %get3A_68 = arith.index_cast %mul3A_65 : i32 to index
      %get3A_69 = tpu.vector_load %arg6[%get3A_67, %get3A_68] {strides = array<i32>} : memref<16x640xf32, #tpu.memory_space<vmem>>, vector<16xf32>,
      %add3A_70 = arith.addf %add3A_63, %get3A_69 : vector<16xf32>
      %mul3A_71 = arith.constant 16 : i32
      %mul3A_72 = arith.muli %add3A_34, %mul3A_71 : i32
      %get3A_73 = arith.constant 5 : i32
      %get3A_74 = arith.index_cast %get3A_73 : i32 to index
      %get3A_75 = arith.index_cast %mul3A_72 : i32 to index
      %get3A_76 = tpu.vector_load %arg6[%get3A_74, %get3A_75] {strides = array<i32>} : memref<16x640xf32, #tpu.memory_space<vmem>>, vector<16xf32>,
      %add3A_77 = arith.addf %add3A_70, %get3A_76 : vector<16xf32>
      %mul3A_78 = arith.constant 16 : i32
      %mul3A_79 = arith.muli %add3A_34, %mul3A_78 : i32
      %get3A_80 = arith.constant 6 : i32
      %get3A_81 = arith.index_cast %get3A_80 : i32 to index
      %get3A_82 = arith.index_cast %mul3A_79 : i32 to index
      %get3A_83 = tpu.vector_load %arg6[%get3A_81, %get3A_82] {strides = array<i32>} : memref<16x640xf32, #tpu.memory_space<vmem>>, vector<16xf32>,
      %add3A_84 = arith.addf %add3A_77, %get3A_83 : vector<16xf32>
      %mul3A_85 = arith.constant 16 : i32
      %mul3A_86 = arith.muli %add3A_34, %mul3A_85 : i32
      %get3A_87 = arith.constant 7 : i32
      %get3A_88 = arith.index_cast %get3A_87 : i32 to index
      %get3A_89 = arith.index_cast %mul3A_86 : i32 to index
      %get3A_90 = tpu.vector_load %arg6[%get3A_88, %get3A_89] {strides = array<i32>} : memref<16x640xf32, #tpu.memory_space<vmem>>, vector<16xf32>,
      %add3A_91 = arith.addf %add3A_84, %get3A_90 : vector<16xf32>
      %mul3A_92 = arith.constant 16 : i32
      %mul3A_93 = arith.muli %add3A_34, %mul3A_92 : i32
      %get3A_94 = arith.constant 8 : i32
      %get3A_95 = arith.index_cast %get3A_94 : i32 to index
      %get3A_96 = arith.index_cast %mul3A_93 : i32 to index
      %get3A_97 = tpu.vector_load %arg6[%get3A_95, %get3A_96] {strides = array<i32>} : memref<16x640xf32, #tpu.memory_space<vmem>>, vector<16xf32>,
      %add3A_98 = arith.addf %add3A_91, %get3A_97 : vector<16xf32>
      %mul3A_99 = arith.constant 16 : i32
      %mul3A_100 = arith.muli %add3A_34, %mul3A_99 : i32
      %get3A_101 = arith.constant 9 : i32
      %get3A_102 = arith.index_cast %get3A_101 : i32 to index
      %get3A_103 = arith.index_cast %mul3A_100 : i32 to index
      %get3A_104 = tpu.vector_load %arg6[%get3A_102, %get3A_103] {strides = array<i32>} : memref<16x640xf32, #tpu.memory_space<vmem>>, vector<16xf32>,
      %add3A_105 = arith.addf %add3A_98, %get3A_104 : vector<16xf32>
      %mul3A_106 = arith.constant 16 : i32
      %mul3A_107 = arith.muli %add3A_34, %mul3A_106 : i32
      %get3A_108 = arith.constant 10 : i32
      %get3A_109 = arith.index_cast %get3A_108 : i32 to index
      %get3A_110 = arith.index_cast %mul3A_107 : i32 to index
      %get3A_111 = tpu.vector_load %arg6[%get3A_109, %get3A_110] {strides = array<i32>} : memref<16x640xf32, #tpu.memory_space<vmem>>, vector<16xf32>,
      %add3A_112 = arith.addf %add3A_105, %get3A_111 : vector<16xf32>
      %mul3A_113 = arith.constant 16 : i32
      %mul3A_114 = arith.muli %add3A_34, %mul3A_113 : i32
      %get3A_115 = arith.constant 11 : i32
      %get3A_116 = arith.index_cast %get3A_115 : i32 to index
      %get3A_117 = arith.index_cast %mul3A_114 : i32 to index
      %get3A_118 = tpu.vector_load %arg6[%get3A_116, %get3A_117] {strides = array<i32>} : memref<16x640xf32, #tpu.memory_space<vmem>>, vector<16xf32>,
      %add3A_119 = arith.addf %add3A_112, %get3A_118 : vector<16xf32>
      %mul3A_120 = arith.constant 16 : i32
      %mul3A_121 = arith.muli %add3A_34, %mul3A_120 : i32
      %get3A_122 = arith.constant 12 : i32
      %get3A_123 = arith.index_cast %get3A_122 : i32 to index
      %get3A_124 = arith.index_cast %mul3A_121 : i32 to index
      %get3A_125 = tpu.vector_load %arg6[%get3A_123, %get3A_124] {strides = array<i32>} : memref<16x640xf32, #tpu.memory_space<vmem>>, vector<16xf32>,
      %add3A_126 = arith.addf %add3A_119, %get3A_125 : vector<16xf32>
      %mul3A_127 = arith.constant 16 : i32
      %mul3A_128 = arith.muli %add3A_34, %mul3A_127 : i32
      %get3A_129 = arith.constant 13 : i32
      %get3A_130 = arith.index_cast %get3A_129 : i32 to index
      %get3A_131 = arith.index_cast %mul3A_128 : i32 to index
      %get3A_132 = tpu.vector_load %arg6[%get3A_130, %get3A_131] {strides = array<i32>} : memref<16x640xf32, #tpu.memory_space<vmem>>, vector<16xf32>,
      %add3A_133 = arith.addf %add3A_126, %get3A_132 : vector<16xf32>
      %mul3A_134 = arith.constant 16 : i32
      %mul3A_135 = arith.muli %add3A_34, %mul3A_134 : i32
      %get3A_136 = arith.constant 14 : i32
      %get3A_137 = arith.index_cast %get3A_136 : i32 to index
      %get3A_138 = arith.index_cast %mul3A_135 : i32 to index
      %get3A_139 = tpu.vector_load %arg6[%get3A_137, %get3A_138] {strides = array<i32>} : memref<16x640xf32, #tpu.memory_space<vmem>>, vector<16xf32>,
      %add3A_140 = arith.addf %add3A_133, %get3A_139 : vector<16xf32>
      %mul3A_141 = arith.constant 16 : i32
      %mul3A_142 = arith.muli %add3A_34, %mul3A_141 : i32
      %get3A_143 = arith.constant 15 : i32
      %get3A_144 = arith.index_cast %get3A_143 : i32 to index
      %get3A_145 = arith.index_cast %mul3A_142 : i32 to index
      %get3A_146 = tpu.vector_load %arg6[%get3A_144, %get3A_145] {strides = array<i32>} : memref<16x640xf32, #tpu.memory_space<vmem>>, vector<16xf32>,
      %add3A_147 = arith.addf %add3A_140, %get3A_146 : vector<16xf32>
      %mul3A_148 = arith.constant 16 : i32
      %mul3A_149 = arith.muli %add3A_34, %mul3A_148 : i32
      %add3A_150 = vector.broadcast %mul3A_149 : i32 to vector<16xi32>
      %add3A_151 = arith.addi %add3A_150, %iota3A : vector<16xi32>
      tpu.vector_store_idx %arg7[%add3A_151, %broadcast_in_dim3A_19], %add3A_147 : memref<640x16xf32, #tpu.memory_space<vmem>>[vector<16xi32>, vector<16xi32>], vector<16xf32>,
    }
    %scan3A_24 = arith.constant 40 : i32
    %mul3A_25 = arith.constant 10240 : i32
    %mul3A_26 = arith.muli %arg0, %mul3A_25 : i32
    %mul3A_27 = arith.constant 640 : i32
    %mul3A_28 = arith.muli %arg1, %mul3A_27 : i32
    %add3A_29 = arith.addi %mul3A_26, %mul3A_28 : i32
    "tpu.region"() ({
      %run_scoped3A = tpu.sem_alloc : memref<!tpu.dma_semaphore, #tpu.memory_space<semaphore_mem>>
      %dma_start3A = arith.constant 0 : i32
      %dma_start3A_30 = tpu.memref_slice %arg3[%add3A_29, %dma_start3A] : memref<20480x16xf32, #tpu.memory_space<hbm>> -> memref<640x16xf32, #tpu.memory_space<hbm>>
      %dma_start3A_31 = arith.constant 0 : i32
      %dma_start3A_32 = tpu.memref_slice %arg3[%add3A_29, %dma_start3A_31] : memref<20480x16xf32, #tpu.memory_space<hbm>> -> memref<640x16xf32, #tpu.memory_space<hbm>>
      tpu.enqueue_dma source(%arg7 : memref<640x16xf32, #tpu.memory_space<vmem>>) target(%dma_start3A_32 : memref<640x16xf32, #tpu.memory_space<hbm>>) target_semaphore(%run_scoped3A : memref<!tpu.dma_semaphore, #tpu.memory_space<semaphore_mem>>)
      %dma_wait3A = arith.constant 0 : i32
      %dma_wait3A_33 = tpu.memref_slice %arg3[%add3A_29, %dma_wait3A] : memref<20480x16xf32, #tpu.memory_space<hbm>> -> memref<640x16xf32, #tpu.memory_space<hbm>>
      %dma_wait3A_34 = arith.constant 0 : i32
      %dma_wait3A_35 = tpu.memref_slice %arg3[%add3A_29, %dma_wait3A_34] : memref<20480x16xf32, #tpu.memory_space<hbm>> -> memref<640x16xf32, #tpu.memory_space<hbm>>
      tpu.wait_dma2 semaphore(%run_scoped3A : memref<!tpu.dma_semaphore, #tpu.memory_space<semaphore_mem>>) src(%arg7 : memref<640x16xf32, #tpu.memory_space<vmem>>) dst(%dma_wait3A_35 : memref<640x16xf32, #tpu.memory_space<hbm>>)
      tpu.yield
    }) : () -> ()
    return
  }
}

#map = affine_map<(d0, d1) -> (0, 0)>
#map1 = affine_map<(d0, d1) -> (0, 0, 0)>
module attributes {stable_mosaic.version = 14 : i64} {
  func.func @run(%arg0: i32, %arg1: i32, %arg2: memref<10240x128xf32, #tpu.memory_space<hbm>>, %arg3: memref<160x16x128xi32, #tpu.memory_space<hbm>>, %arg4: memref<160x16x128xi32, #tpu.memory_space<hbm>>, %arg5: memref<640x128xf32, #tpu.memory_space<hbm>>, %arg6: memref<20480x128xf32, #tpu.memory_space<hbm>>, %arg7: memref<16x128xi32, #tpu.memory_space<vmem>>, %arg8: memref<16x128xi32, #tpu.memory_space<vmem>>, %arg9: memref<16x128xi32, #tpu.memory_space<vmem>>, %arg10: memref<16x128xi32, #tpu.memory_space<vmem>>, %arg11: memref<128x128xf32, #tpu.memory_space<vmem>>, %arg12: memref<10240x128xf32, #tpu.memory_space<vmem_shared>>, %arg13: memref<!tpu.dma_semaphore, #tpu.memory_space<semaphore_mem>>) attributes {dimension_semantics = [#tpu.dimension_semantics<core_parallel>, #tpu.dimension_semantics<subcore_parallel>], iteration_bounds = array<i64: 2, 16>, scalar_prefetch = 0 : i64, scratch_operands = 7 : i64, tpu.core_type = #tpu.core_type<sc_vector_subcore>, window_params = [{transform_indices = #map}, {transform_indices = #map1}, {transform_indices = #map1}, {transform_indices = #map}, {transform_indices = #map}]} {
    %mul3A = arith.constant 16 : i32
    %mul3A_0 = arith.muli %arg0, %mul3A : i32
    %add3A = arith.addi %mul3A_0, %arg1 : i32
    %mul3A_1 = arith.constant 640 : i32
    %mul3A_2 = arith.muli %arg1, %mul3A_1 : i32
    "tpu.region"() ({
      %run_scoped3A = tpu.sem_alloc : memref<!tpu.dma_semaphore, #tpu.memory_space<semaphore_mem>>
      %dma_start3A_245 = arith.constant 0 : i32
      %dma_start3A_246 = tpu.memref_slice %arg12[%mul3A_2, %dma_start3A_245] : memref<10240x128xf32, #tpu.memory_space<vmem_shared>> -> memref<640x128xf32, #tpu.memory_space<vmem_shared>>
      tpu.enqueue_dma source(%arg5 : memref<640x128xf32, #tpu.memory_space<hbm>>) target(%dma_start3A_246 : memref<640x128xf32, #tpu.memory_space<vmem_shared>>) target_semaphore(%run_scoped3A : memref<!tpu.dma_semaphore, #tpu.memory_space<semaphore_mem>>)
      %dma_wait3A_247 = arith.constant 0 : i32
      %dma_wait3A_248 = tpu.memref_slice %arg12[%mul3A_2, %dma_wait3A_247] : memref<10240x128xf32, #tpu.memory_space<vmem_shared>> -> memref<640x128xf32, #tpu.memory_space<vmem_shared>>
      tpu.wait_dma2 semaphore(%run_scoped3A : memref<!tpu.dma_semaphore, #tpu.memory_space<semaphore_mem>>) src(%arg5 : memref<640x128xf32, #tpu.memory_space<hbm>>) dst(%dma_wait3A_248 : memref<640x128xf32, #tpu.memory_space<vmem_shared>>)
      tpu.yield
    }) : () -> ()
    %mul3A_3 = arith.constant 5 : i32
    %mul3A_4 = arith.muli %add3A, %mul3A_3 : i32
    %dma_start3A = arith.constant 0 : i32
    %dma_start3A_5 = arith.constant 0 : i32
    %dma_start3A_6 = tpu.memref_slice %arg3[%mul3A_4, %dma_start3A, %dma_start3A_5] : memref<160x16x128xi32, #tpu.memory_space<hbm>> -> memref<1x16x128xi32, #tpu.memory_space<hbm>>
    %dma_start3A_7 = tpu.memref_squeeze %dma_start3A_6 : memref<1x16x128xi32, #tpu.memory_space<hbm>> -> memref<16x128xi32, #tpu.memory_space<hbm>>
    %dma_start3A_8 = arith.constant 0 : i32
    %dma_start3A_9 = arith.constant 0 : i32
    %dma_start3A_10 = tpu.memref_slice %arg3[%mul3A_4, %dma_start3A_8, %dma_start3A_9] : memref<160x16x128xi32, #tpu.memory_space<hbm>> -> memref<1x16x128xi32, #tpu.memory_space<hbm>>
    %dma_start3A_11 = tpu.memref_squeeze %dma_start3A_10 : memref<1x16x128xi32, #tpu.memory_space<hbm>> -> memref<16x128xi32, #tpu.memory_space<hbm>>
    tpu.enqueue_dma source(%dma_start3A_11 : memref<16x128xi32, #tpu.memory_space<hbm>>) target(%arg7 : memref<16x128xi32, #tpu.memory_space<vmem>>) target_semaphore(%arg13 : memref<!tpu.dma_semaphore, #tpu.memory_space<semaphore_mem>>)
    %mul3A_12 = arith.constant 5 : i32
    %mul3A_13 = arith.muli %add3A, %mul3A_12 : i32
    %dma_start3A_14 = arith.constant 0 : i32
    %dma_start3A_15 = arith.constant 0 : i32
    %dma_start3A_16 = tpu.memref_slice %arg4[%mul3A_13, %dma_start3A_14, %dma_start3A_15] : memref<160x16x128xi32, #tpu.memory_space<hbm>> -> memref<1x16x128xi32, #tpu.memory_space<hbm>>
    %dma_start3A_17 = tpu.memref_squeeze %dma_start3A_16 : memref<1x16x128xi32, #tpu.memory_space<hbm>> -> memref<16x128xi32, #tpu.memory_space<hbm>>
    %dma_start3A_18 = arith.constant 0 : i32
    %dma_start3A_19 = arith.constant 0 : i32
    %dma_start3A_20 = tpu.memref_slice %arg4[%mul3A_13, %dma_start3A_18, %dma_start3A_19] : memref<160x16x128xi32, #tpu.memory_space<hbm>> -> memref<1x16x128xi32, #tpu.memory_space<hbm>>
    %dma_start3A_21 = tpu.memref_squeeze %dma_start3A_20 : memref<1x16x128xi32, #tpu.memory_space<hbm>> -> memref<16x128xi32, #tpu.memory_space<hbm>>
    tpu.enqueue_dma source(%dma_start3A_21 : memref<16x128xi32, #tpu.memory_space<hbm>>) target(%arg9 : memref<16x128xi32, #tpu.memory_space<vmem>>) target_semaphore(%arg13 : memref<!tpu.dma_semaphore, #tpu.memory_space<semaphore_mem>>)
    %barrier3A = arith.constant 0 : index
    tpu.barrier barrier_id(%barrier3A)
    %dma_wait3A = arith.constant 0 : i32
    %dma_wait3A_22 = arith.constant 0 : i32
    %dma_wait3A_23 = tpu.memref_slice %arg3[%mul3A_4, %dma_wait3A, %dma_wait3A_22] : memref<160x16x128xi32, #tpu.memory_space<hbm>> -> memref<1x16x128xi32, #tpu.memory_space<hbm>>
    %dma_wait3A_24 = tpu.memref_squeeze %dma_wait3A_23 : memref<1x16x128xi32, #tpu.memory_space<hbm>> -> memref<16x128xi32, #tpu.memory_space<hbm>>
    %dma_wait3A_25 = arith.constant 0 : i32
    %dma_wait3A_26 = arith.constant 0 : i32
    %dma_wait3A_27 = tpu.memref_slice %arg3[%mul3A_4, %dma_wait3A_25, %dma_wait3A_26] : memref<160x16x128xi32, #tpu.memory_space<hbm>> -> memref<1x16x128xi32, #tpu.memory_space<hbm>>
    %dma_wait3A_28 = tpu.memref_squeeze %dma_wait3A_27 : memref<1x16x128xi32, #tpu.memory_space<hbm>> -> memref<16x128xi32, #tpu.memory_space<hbm>>
    tpu.wait_dma2 semaphore(%arg13 : memref<!tpu.dma_semaphore, #tpu.memory_space<semaphore_mem>>) src(%dma_wait3A_28 : memref<16x128xi32, #tpu.memory_space<hbm>>) dst(%arg7 : memref<16x128xi32, #tpu.memory_space<vmem>>)
    %dma_wait3A_29 = arith.constant 0 : i32
    %dma_wait3A_30 = arith.constant 0 : i32
    %dma_wait3A_31 = tpu.memref_slice %arg4[%mul3A_13, %dma_wait3A_29, %dma_wait3A_30] : memref<160x16x128xi32, #tpu.memory_space<hbm>> -> memref<1x16x128xi32, #tpu.memory_space<hbm>>
    %dma_wait3A_32 = tpu.memref_squeeze %dma_wait3A_31 : memref<1x16x128xi32, #tpu.memory_space<hbm>> -> memref<16x128xi32, #tpu.memory_space<hbm>>
    %dma_wait3A_33 = arith.constant 0 : i32
    %dma_wait3A_34 = arith.constant 0 : i32
    %dma_wait3A_35 = tpu.memref_slice %arg4[%mul3A_13, %dma_wait3A_33, %dma_wait3A_34] : memref<160x16x128xi32, #tpu.memory_space<hbm>> -> memref<1x16x128xi32, #tpu.memory_space<hbm>>
    %dma_wait3A_36 = tpu.memref_squeeze %dma_wait3A_35 : memref<1x16x128xi32, #tpu.memory_space<hbm>> -> memref<16x128xi32, #tpu.memory_space<hbm>>
    tpu.wait_dma2 semaphore(%arg13 : memref<!tpu.dma_semaphore, #tpu.memory_space<semaphore_mem>>) src(%dma_wait3A_36 : memref<16x128xi32, #tpu.memory_space<hbm>>) dst(%arg9 : memref<16x128xi32, #tpu.memory_space<vmem>>)
    %mul3A_37 = arith.constant 5 : i32
    %mul3A_38 = arith.muli %add3A, %mul3A_37 : i32
    %add3A_39 = arith.constant 0 : i32
    %add3A_40 = arith.addi %mul3A_38, %add3A_39 : i32
    %add3A_41 = arith.constant 1 : i32
    %add3A_42 = arith.addi %add3A_40, %add3A_41 : i32
    %dma_start3A_43 = arith.constant 0 : i32
    %dma_start3A_44 = arith.constant 0 : i32
    %dma_start3A_45 = tpu.memref_slice %arg3[%add3A_42, %dma_start3A_43, %dma_start3A_44] : memref<160x16x128xi32, #tpu.memory_space<hbm>> -> memref<1x16x128xi32, #tpu.memory_space<hbm>>
    %dma_start3A_46 = tpu.memref_squeeze %dma_start3A_45 : memref<1x16x128xi32, #tpu.memory_space<hbm>> -> memref<16x128xi32, #tpu.memory_space<hbm>>
    %dma_start3A_47 = arith.constant 0 : i32
    %dma_start3A_48 = arith.constant 0 : i32
    %dma_start3A_49 = tpu.memref_slice %arg3[%add3A_42, %dma_start3A_47, %dma_start3A_48] : memref<160x16x128xi32, #tpu.memory_space<hbm>> -> memref<1x16x128xi32, #tpu.memory_space<hbm>>
    %dma_start3A_50 = tpu.memref_squeeze %dma_start3A_49 : memref<1x16x128xi32, #tpu.memory_space<hbm>> -> memref<16x128xi32, #tpu.memory_space<hbm>>
    tpu.enqueue_dma source(%dma_start3A_50 : memref<16x128xi32, #tpu.memory_space<hbm>>) target(%arg8 : memref<16x128xi32, #tpu.memory_space<vmem>>) target_semaphore(%arg13 : memref<!tpu.dma_semaphore, #tpu.memory_space<semaphore_mem>>)
    %mul3A_51 = arith.constant 5 : i32
    %mul3A_52 = arith.muli %add3A, %mul3A_51 : i32
    %add3A_53 = arith.constant 0 : i32
    %add3A_54 = arith.addi %mul3A_52, %add3A_53 : i32
    %add3A_55 = arith.constant 1 : i32
    %add3A_56 = arith.addi %add3A_54, %add3A_55 : i32
    %dma_start3A_57 = arith.constant 0 : i32
    %dma_start3A_58 = arith.constant 0 : i32
    %dma_start3A_59 = tpu.memref_slice %arg4[%add3A_56, %dma_start3A_57, %dma_start3A_58] : memref<160x16x128xi32, #tpu.memory_space<hbm>> -> memref<1x16x128xi32, #tpu.memory_space<hbm>>
    %dma_start3A_60 = tpu.memref_squeeze %dma_start3A_59 : memref<1x16x128xi32, #tpu.memory_space<hbm>> -> memref<16x128xi32, #tpu.memory_space<hbm>>
    %dma_start3A_61 = arith.constant 0 : i32
    %dma_start3A_62 = arith.constant 0 : i32
    %dma_start3A_63 = tpu.memref_slice %arg4[%add3A_56, %dma_start3A_61, %dma_start3A_62] : memref<160x16x128xi32, #tpu.memory_space<hbm>> -> memref<1x16x128xi32, #tpu.memory_space<hbm>>
    %dma_start3A_64 = tpu.memref_squeeze %dma_start3A_63 : memref<1x16x128xi32, #tpu.memory_space<hbm>> -> memref<16x128xi32, #tpu.memory_space<hbm>>
    tpu.enqueue_dma source(%dma_start3A_64 : memref<16x128xi32, #tpu.memory_space<hbm>>) target(%arg10 : memref<16x128xi32, #tpu.memory_space<vmem>>) target_semaphore(%arg13 : memref<!tpu.dma_semaphore, #tpu.memory_space<semaphore_mem>>)
    %scan3A = arith.constant 0 : i32
    %scan3A_65 = arith.constant 16 : i32
    %scan3A_66 = arith.addi %scan3A, %scan3A_65 : i32
    %scan3A_67 = arith.constant 1 : i32
    scf.for %scan3A_245 = %scan3A to %scan3A_66 step %scan3A_67  : i32 {
      %mul3A_246 = arith.constant 1 : i32
      %mul3A_247 = arith.muli %scan3A_245, %mul3A_246 : i32
      %add3A_248 = arith.constant 0 : i32
      %add3A_249 = arith.addi %add3A_248, %mul3A_247 : i32
      "tpu.region"() ({
        %run_scoped3A = tpu.sem_alloc : memref<!tpu.dma_semaphore, #tpu.memory_space<semaphore_mem>>
        %dma_start3A_250 = arith.constant 0 : i32
        %dma_start3A_251 = tpu.memref_slice %arg7[%add3A_249, %dma_start3A_250] : memref<16x128xi32, #tpu.memory_space<vmem>> -> memref<1x128xi32, #tpu.memory_space<vmem>>
        %dma_start3A_252 = tpu.memref_squeeze %dma_start3A_251 : memref<1x128xi32, #tpu.memory_space<vmem>> -> memref<128xi32, #tpu.memory_space<vmem>>
        %dma_start3A_253 = arith.constant 0 : i32
        %dma_start3A_254 = arith.constant 0 : i32
        %dma_start3A_255 = tpu.memref_slice %arg2[%dma_start3A_253, %dma_start3A_254] : memref<10240x128xf32, #tpu.memory_space<hbm>> -> memref<10240x128xf32, #tpu.memory_space<hbm>>
        tpu.enqueue_indirect_dma source(%dma_start3A_255 : memref<10240x128xf32, #tpu.memory_space<hbm>>) target(%arg11 : memref<128x128xf32, #tpu.memory_space<vmem>>) offsets(%dma_start3A_252 : memref<128xi32, #tpu.memory_space<vmem>>) semaphore(%run_scoped3A : memref<!tpu.dma_semaphore, #tpu.memory_space<semaphore_mem>>)
        %dma_wait3A_256 = arith.constant 0 : i32
        %dma_wait3A_257 = tpu.memref_slice %arg7[%add3A_249, %dma_wait3A_256] : memref<16x128xi32, #tpu.memory_space<vmem>> -> memref<1x128xi32, #tpu.memory_space<vmem>>
        %dma_wait3A_258 = tpu.memref_squeeze %dma_wait3A_257 : memref<1x128xi32, #tpu.memory_space<vmem>> -> memref<128xi32, #tpu.memory_space<vmem>>
        %dma_wait3A_259 = arith.constant 0 : i32
        %dma_wait3A_260 = arith.constant 0 : i32
        %dma_wait3A_261 = tpu.memref_slice %arg2[%dma_wait3A_259, %dma_wait3A_260] : memref<10240x128xf32, #tpu.memory_space<hbm>> -> memref<10240x128xf32, #tpu.memory_space<hbm>>
        tpu.wait_indirect_dma semaphore(%run_scoped3A : memref<!tpu.dma_semaphore, #tpu.memory_space<semaphore_mem>>) src(%dma_wait3A_261 : memref<10240x128xf32, #tpu.memory_space<hbm>>) dst(%arg11 : memref<128x128xf32, #tpu.memory_space<vmem>>)
        tpu.yield
      }) : () -> ()
      "tpu.region"() ({
        %run_scoped3A = tpu.sem_alloc : memref<!tpu.dma_semaphore, #tpu.memory_space<semaphore_mem>>
        %dma_start3A_250 = arith.constant 0 : i32
        %dma_start3A_251 = tpu.memref_slice %arg9[%add3A_249, %dma_start3A_250] : memref<16x128xi32, #tpu.memory_space<vmem>> -> memref<1x128xi32, #tpu.memory_space<vmem>>
        %dma_start3A_252 = tpu.memref_squeeze %dma_start3A_251 : memref<1x128xi32, #tpu.memory_space<vmem>> -> memref<128xi32, #tpu.memory_space<vmem>>
        %dma_start3A_253 = arith.constant 0 : i32
        %dma_start3A_254 = arith.constant 0 : i32
        %dma_start3A_255 = tpu.memref_slice %arg12[%dma_start3A_253, %dma_start3A_254] : memref<10240x128xf32, #tpu.memory_space<vmem_shared>> -> memref<10240x128xf32, #tpu.memory_space<vmem_shared>>
        tpu.enqueue_indirect_dma source(%arg11 : memref<128x128xf32, #tpu.memory_space<vmem>>) target(%dma_start3A_255 : memref<10240x128xf32, #tpu.memory_space<vmem_shared>>) offsets(%dma_start3A_252 : memref<128xi32, #tpu.memory_space<vmem>>) semaphore(%run_scoped3A : memref<!tpu.dma_semaphore, #tpu.memory_space<semaphore_mem>>) {add = true}
        %dma_wait3A_256 = arith.constant 0 : i32
        %dma_wait3A_257 = tpu.memref_slice %arg9[%add3A_249, %dma_wait3A_256] : memref<16x128xi32, #tpu.memory_space<vmem>> -> memref<1x128xi32, #tpu.memory_space<vmem>>
        %dma_wait3A_258 = tpu.memref_squeeze %dma_wait3A_257 : memref<1x128xi32, #tpu.memory_space<vmem>> -> memref<128xi32, #tpu.memory_space<vmem>>
        %dma_wait3A_259 = arith.constant 0 : i32
        %dma_wait3A_260 = arith.constant 0 : i32
        %dma_wait3A_261 = tpu.memref_slice %arg12[%dma_wait3A_259, %dma_wait3A_260] : memref<10240x128xf32, #tpu.memory_space<vmem_shared>> -> memref<10240x128xf32, #tpu.memory_space<vmem_shared>>
        tpu.wait_indirect_dma semaphore(%run_scoped3A : memref<!tpu.dma_semaphore, #tpu.memory_space<semaphore_mem>>) src(%arg11 : memref<128x128xf32, #tpu.memory_space<vmem>>) dst(%dma_wait3A_261 : memref<10240x128xf32, #tpu.memory_space<vmem_shared>>)
        tpu.yield
      }) : () -> ()
    }
    %scan3A_68 = arith.constant 16 : i32
    %dma_wait3A_69 = arith.constant 0 : i32
    %dma_wait3A_70 = arith.constant 0 : i32
    %dma_wait3A_71 = tpu.memref_slice %arg3[%add3A_42, %dma_wait3A_69, %dma_wait3A_70] : memref<160x16x128xi32, #tpu.memory_space<hbm>> -> memref<1x16x128xi32, #tpu.memory_space<hbm>>
    %dma_wait3A_72 = tpu.memref_squeeze %dma_wait3A_71 : memref<1x16x128xi32, #tpu.memory_space<hbm>> -> memref<16x128xi32, #tpu.memory_space<hbm>>
    %dma_wait3A_73 = arith.constant 0 : i32
    %dma_wait3A_74 = arith.constant 0 : i32
    %dma_wait3A_75 = tpu.memref_slice %arg3[%add3A_42, %dma_wait3A_73, %dma_wait3A_74] : memref<160x16x128xi32, #tpu.memory_space<hbm>> -> memref<1x16x128xi32, #tpu.memory_space<hbm>>
    %dma_wait3A_76 = tpu.memref_squeeze %dma_wait3A_75 : memref<1x16x128xi32, #tpu.memory_space<hbm>> -> memref<16x128xi32, #tpu.memory_space<hbm>>
    tpu.wait_dma2 semaphore(%arg13 : memref<!tpu.dma_semaphore, #tpu.memory_space<semaphore_mem>>) src(%dma_wait3A_76 : memref<16x128xi32, #tpu.memory_space<hbm>>) dst(%arg8 : memref<16x128xi32, #tpu.memory_space<vmem>>)
    %dma_wait3A_77 = arith.constant 0 : i32
    %dma_wait3A_78 = arith.constant 0 : i32
    %dma_wait3A_79 = tpu.memref_slice %arg4[%add3A_56, %dma_wait3A_77, %dma_wait3A_78] : memref<160x16x128xi32, #tpu.memory_space<hbm>> -> memref<1x16x128xi32, #tpu.memory_space<hbm>>
    %dma_wait3A_80 = tpu.memref_squeeze %dma_wait3A_79 : memref<1x16x128xi32, #tpu.memory_space<hbm>> -> memref<16x128xi32, #tpu.memory_space<hbm>>
    %dma_wait3A_81 = arith.constant 0 : i32
    %dma_wait3A_82 = arith.constant 0 : i32
    %dma_wait3A_83 = tpu.memref_slice %arg4[%add3A_56, %dma_wait3A_81, %dma_wait3A_82] : memref<160x16x128xi32, #tpu.memory_space<hbm>> -> memref<1x16x128xi32, #tpu.memory_space<hbm>>
    %dma_wait3A_84 = tpu.memref_squeeze %dma_wait3A_83 : memref<1x16x128xi32, #tpu.memory_space<hbm>> -> memref<16x128xi32, #tpu.memory_space<hbm>>
    tpu.wait_dma2 semaphore(%arg13 : memref<!tpu.dma_semaphore, #tpu.memory_space<semaphore_mem>>) src(%dma_wait3A_84 : memref<16x128xi32, #tpu.memory_space<hbm>>) dst(%arg10 : memref<16x128xi32, #tpu.memory_space<vmem>>)
    %mul3A_85 = arith.constant 5 : i32
    %mul3A_86 = arith.muli %add3A, %mul3A_85 : i32
    %add3A_87 = arith.constant 1 : i32
    %add3A_88 = arith.addi %mul3A_86, %add3A_87 : i32
    %add3A_89 = arith.constant 1 : i32
    %add3A_90 = arith.addi %add3A_88, %add3A_89 : i32
    %dma_start3A_91 = arith.constant 0 : i32
    %dma_start3A_92 = arith.constant 0 : i32
    %dma_start3A_93 = tpu.memref_slice %arg3[%add3A_90, %dma_start3A_91, %dma_start3A_92] : memref<160x16x128xi32, #tpu.memory_space<hbm>> -> memref<1x16x128xi32, #tpu.memory_space<hbm>>
    %dma_start3A_94 = tpu.memref_squeeze %dma_start3A_93 : memref<1x16x128xi32, #tpu.memory_space<hbm>> -> memref<16x128xi32, #tpu.memory_space<hbm>>
    %dma_start3A_95 = arith.constant 0 : i32
    %dma_start3A_96 = arith.constant 0 : i32
    %dma_start3A_97 = tpu.memref_slice %arg3[%add3A_90, %dma_start3A_95, %dma_start3A_96] : memref<160x16x128xi32, #tpu.memory_space<hbm>> -> memref<1x16x128xi32, #tpu.memory_space<hbm>>
    %dma_start3A_98 = tpu.memref_squeeze %dma_start3A_97 : memref<1x16x128xi32, #tpu.memory_space<hbm>> -> memref<16x128xi32, #tpu.memory_space<hbm>>
    tpu.enqueue_dma source(%dma_start3A_98 : memref<16x128xi32, #tpu.memory_space<hbm>>) target(%arg7 : memref<16x128xi32, #tpu.memory_space<vmem>>) target_semaphore(%arg13 : memref<!tpu.dma_semaphore, #tpu.memory_space<semaphore_mem>>)
    %mul3A_99 = arith.constant 5 : i32
    %mul3A_100 = arith.muli %add3A, %mul3A_99 : i32
    %add3A_101 = arith.constant 1 : i32
    %add3A_102 = arith.addi %mul3A_100, %add3A_101 : i32
    %add3A_103 = arith.constant 1 : i32
    %add3A_104 = arith.addi %add3A_102, %add3A_103 : i32
    %dma_start3A_105 = arith.constant 0 : i32
    %dma_start3A_106 = arith.constant 0 : i32
    %dma_start3A_107 = tpu.memref_slice %arg4[%add3A_104, %dma_start3A_105, %dma_start3A_106] : memref<160x16x128xi32, #tpu.memory_space<hbm>> -> memref<1x16x128xi32, #tpu.memory_space<hbm>>
    %dma_start3A_108 = tpu.memref_squeeze %dma_start3A_107 : memref<1x16x128xi32, #tpu.memory_space<hbm>> -> memref<16x128xi32, #tpu.memory_space<hbm>>
    %dma_start3A_109 = arith.constant 0 : i32
    %dma_start3A_110 = arith.constant 0 : i32
    %dma_start3A_111 = tpu.memref_slice %arg4[%add3A_104, %dma_start3A_109, %dma_start3A_110] : memref<160x16x128xi32, #tpu.memory_space<hbm>> -> memref<1x16x128xi32, #tpu.memory_space<hbm>>
    %dma_start3A_112 = tpu.memref_squeeze %dma_start3A_111 : memref<1x16x128xi32, #tpu.memory_space<hbm>> -> memref<16x128xi32, #tpu.memory_space<hbm>>
    tpu.enqueue_dma source(%dma_start3A_112 : memref<16x128xi32, #tpu.memory_space<hbm>>) target(%arg9 : memref<16x128xi32, #tpu.memory_space<vmem>>) target_semaphore(%arg13 : memref<!tpu.dma_semaphore, #tpu.memory_space<semaphore_mem>>)
    %scan3A_113 = arith.constant 0 : i32
    %scan3A_114 = arith.constant 16 : i32
    %scan3A_115 = arith.addi %scan3A_113, %scan3A_114 : i32
    %scan3A_116 = arith.constant 1 : i32
    scf.for %scan3A_245 = %scan3A_113 to %scan3A_115 step %scan3A_116  : i32 {
      %mul3A_246 = arith.constant 1 : i32
      %mul3A_247 = arith.muli %scan3A_245, %mul3A_246 : i32
      %add3A_248 = arith.constant 0 : i32
      %add3A_249 = arith.addi %add3A_248, %mul3A_247 : i32
      "tpu.region"() ({
        %run_scoped3A = tpu.sem_alloc : memref<!tpu.dma_semaphore, #tpu.memory_space<semaphore_mem>>
        %dma_start3A_250 = arith.constant 0 : i32
        %dma_start3A_251 = tpu.memref_slice %arg8[%add3A_249, %dma_start3A_250] : memref<16x128xi32, #tpu.memory_space<vmem>> -> memref<1x128xi32, #tpu.memory_space<vmem>>
        %dma_start3A_252 = tpu.memref_squeeze %dma_start3A_251 : memref<1x128xi32, #tpu.memory_space<vmem>> -> memref<128xi32, #tpu.memory_space<vmem>>
        %dma_start3A_253 = arith.constant 0 : i32
        %dma_start3A_254 = arith.constant 0 : i32
        %dma_start3A_255 = tpu.memref_slice %arg2[%dma_start3A_253, %dma_start3A_254] : memref<10240x128xf32, #tpu.memory_space<hbm>> -> memref<10240x128xf32, #tpu.memory_space<hbm>>
        tpu.enqueue_indirect_dma source(%dma_start3A_255 : memref<10240x128xf32, #tpu.memory_space<hbm>>) target(%arg11 : memref<128x128xf32, #tpu.memory_space<vmem>>) offsets(%dma_start3A_252 : memref<128xi32, #tpu.memory_space<vmem>>) semaphore(%run_scoped3A : memref<!tpu.dma_semaphore, #tpu.memory_space<semaphore_mem>>)
        %dma_wait3A_256 = arith.constant 0 : i32
        %dma_wait3A_257 = tpu.memref_slice %arg8[%add3A_249, %dma_wait3A_256] : memref<16x128xi32, #tpu.memory_space<vmem>> -> memref<1x128xi32, #tpu.memory_space<vmem>>
        %dma_wait3A_258 = tpu.memref_squeeze %dma_wait3A_257 : memref<1x128xi32, #tpu.memory_space<vmem>> -> memref<128xi32, #tpu.memory_space<vmem>>
        %dma_wait3A_259 = arith.constant 0 : i32
        %dma_wait3A_260 = arith.constant 0 : i32
        %dma_wait3A_261 = tpu.memref_slice %arg2[%dma_wait3A_259, %dma_wait3A_260] : memref<10240x128xf32, #tpu.memory_space<hbm>> -> memref<10240x128xf32, #tpu.memory_space<hbm>>
        tpu.wait_indirect_dma semaphore(%run_scoped3A : memref<!tpu.dma_semaphore, #tpu.memory_space<semaphore_mem>>) src(%dma_wait3A_261 : memref<10240x128xf32, #tpu.memory_space<hbm>>) dst(%arg11 : memref<128x128xf32, #tpu.memory_space<vmem>>)
        tpu.yield
      }) : () -> ()
      "tpu.region"() ({
        %run_scoped3A = tpu.sem_alloc : memref<!tpu.dma_semaphore, #tpu.memory_space<semaphore_mem>>
        %dma_start3A_250 = arith.constant 0 : i32
        %dma_start3A_251 = tpu.memref_slice %arg10[%add3A_249, %dma_start3A_250] : memref<16x128xi32, #tpu.memory_space<vmem>> -> memref<1x128xi32, #tpu.memory_space<vmem>>
        %dma_start3A_252 = tpu.memref_squeeze %dma_start3A_251 : memref<1x128xi32, #tpu.memory_space<vmem>> -> memref<128xi32, #tpu.memory_space<vmem>>
        %dma_start3A_253 = arith.constant 0 : i32
        %dma_start3A_254 = arith.constant 0 : i32
        %dma_start3A_255 = tpu.memref_slice %arg12[%dma_start3A_253, %dma_start3A_254] : memref<10240x128xf32, #tpu.memory_space<vmem_shared>> -> memref<10240x128xf32, #tpu.memory_space<vmem_shared>>
        tpu.enqueue_indirect_dma source(%arg11 : memref<128x128xf32, #tpu.memory_space<vmem>>) target(%dma_start3A_255 : memref<10240x128xf32, #tpu.memory_space<vmem_shared>>) offsets(%dma_start3A_252 : memref<128xi32, #tpu.memory_space<vmem>>) semaphore(%run_scoped3A : memref<!tpu.dma_semaphore, #tpu.memory_space<semaphore_mem>>) {add = true}
        %dma_wait3A_256 = arith.constant 0 : i32
        %dma_wait3A_257 = tpu.memref_slice %arg10[%add3A_249, %dma_wait3A_256] : memref<16x128xi32, #tpu.memory_space<vmem>> -> memref<1x128xi32, #tpu.memory_space<vmem>>
        %dma_wait3A_258 = tpu.memref_squeeze %dma_wait3A_257 : memref<1x128xi32, #tpu.memory_space<vmem>> -> memref<128xi32, #tpu.memory_space<vmem>>
        %dma_wait3A_259 = arith.constant 0 : i32
        %dma_wait3A_260 = arith.constant 0 : i32
        %dma_wait3A_261 = tpu.memref_slice %arg12[%dma_wait3A_259, %dma_wait3A_260] : memref<10240x128xf32, #tpu.memory_space<vmem_shared>> -> memref<10240x128xf32, #tpu.memory_space<vmem_shared>>
        tpu.wait_indirect_dma semaphore(%run_scoped3A : memref<!tpu.dma_semaphore, #tpu.memory_space<semaphore_mem>>) src(%arg11 : memref<128x128xf32, #tpu.memory_space<vmem>>) dst(%dma_wait3A_261 : memref<10240x128xf32, #tpu.memory_space<vmem_shared>>)
        tpu.yield
      }) : () -> ()
    }
    %scan3A_117 = arith.constant 16 : i32
    %dma_wait3A_118 = arith.constant 0 : i32
    %dma_wait3A_119 = arith.constant 0 : i32
    %dma_wait3A_120 = tpu.memref_slice %arg3[%add3A_90, %dma_wait3A_118, %dma_wait3A_119] : memref<160x16x128xi32, #tpu.memory_space<hbm>> -> memref<1x16x128xi32, #tpu.memory_space<hbm>>
    %dma_wait3A_121 = tpu.memref_squeeze %dma_wait3A_120 : memref<1x16x128xi32, #tpu.memory_space<hbm>> -> memref<16x128xi32, #tpu.memory_space<hbm>>
    %dma_wait3A_122 = arith.constant 0 : i32
    %dma_wait3A_123 = arith.constant 0 : i32
    %dma_wait3A_124 = tpu.memref_slice %arg3[%add3A_90, %dma_wait3A_122, %dma_wait3A_123] : memref<160x16x128xi32, #tpu.memory_space<hbm>> -> memref<1x16x128xi32, #tpu.memory_space<hbm>>
    %dma_wait3A_125 = tpu.memref_squeeze %dma_wait3A_124 : memref<1x16x128xi32, #tpu.memory_space<hbm>> -> memref<16x128xi32, #tpu.memory_space<hbm>>
    tpu.wait_dma2 semaphore(%arg13 : memref<!tpu.dma_semaphore, #tpu.memory_space<semaphore_mem>>) src(%dma_wait3A_125 : memref<16x128xi32, #tpu.memory_space<hbm>>) dst(%arg7 : memref<16x128xi32, #tpu.memory_space<vmem>>)
    %dma_wait3A_126 = arith.constant 0 : i32
    %dma_wait3A_127 = arith.constant 0 : i32
    %dma_wait3A_128 = tpu.memref_slice %arg4[%add3A_104, %dma_wait3A_126, %dma_wait3A_127] : memref<160x16x128xi32, #tpu.memory_space<hbm>> -> memref<1x16x128xi32, #tpu.memory_space<hbm>>
    %dma_wait3A_129 = tpu.memref_squeeze %dma_wait3A_128 : memref<1x16x128xi32, #tpu.memory_space<hbm>> -> memref<16x128xi32, #tpu.memory_space<hbm>>
    %dma_wait3A_130 = arith.constant 0 : i32
    %dma_wait3A_131 = arith.constant 0 : i32
    %dma_wait3A_132 = tpu.memref_slice %arg4[%add3A_104, %dma_wait3A_130, %dma_wait3A_131] : memref<160x16x128xi32, #tpu.memory_space<hbm>> -> memref<1x16x128xi32, #tpu.memory_space<hbm>>
    %dma_wait3A_133 = tpu.memref_squeeze %dma_wait3A_132 : memref<1x16x128xi32, #tpu.memory_space<hbm>> -> memref<16x128xi32, #tpu.memory_space<hbm>>
    tpu.wait_dma2 semaphore(%arg13 : memref<!tpu.dma_semaphore, #tpu.memory_space<semaphore_mem>>) src(%dma_wait3A_133 : memref<16x128xi32, #tpu.memory_space<hbm>>) dst(%arg9 : memref<16x128xi32, #tpu.memory_space<vmem>>)
    %mul3A_134 = arith.constant 5 : i32
    %mul3A_135 = arith.muli %add3A, %mul3A_134 : i32
    %add3A_136 = arith.constant 2 : i32
    %add3A_137 = arith.addi %mul3A_135, %add3A_136 : i32
    %add3A_138 = arith.constant 1 : i32
    %add3A_139 = arith.addi %add3A_137, %add3A_138 : i32
    %dma_start3A_140 = arith.constant 0 : i32
    %dma_start3A_141 = arith.constant 0 : i32
    %dma_start3A_142 = tpu.memref_slice %arg3[%add3A_139, %dma_start3A_140, %dma_start3A_141] : memref<160x16x128xi32, #tpu.memory_space<hbm>> -> memref<1x16x128xi32, #tpu.memory_space<hbm>>
    %dma_start3A_143 = tpu.memref_squeeze %dma_start3A_142 : memref<1x16x128xi32, #tpu.memory_space<hbm>> -> memref<16x128xi32, #tpu.memory_space<hbm>>
    %dma_start3A_144 = arith.constant 0 : i32
    %dma_start3A_145 = arith.constant 0 : i32
    %dma_start3A_146 = tpu.memref_slice %arg3[%add3A_139, %dma_start3A_144, %dma_start3A_145] : memref<160x16x128xi32, #tpu.memory_space<hbm>> -> memref<1x16x128xi32, #tpu.memory_space<hbm>>
    %dma_start3A_147 = tpu.memref_squeeze %dma_start3A_146 : memref<1x16x128xi32, #tpu.memory_space<hbm>> -> memref<16x128xi32, #tpu.memory_space<hbm>>
    tpu.enqueue_dma source(%dma_start3A_147 : memref<16x128xi32, #tpu.memory_space<hbm>>) target(%arg8 : memref<16x128xi32, #tpu.memory_space<vmem>>) target_semaphore(%arg13 : memref<!tpu.dma_semaphore, #tpu.memory_space<semaphore_mem>>)
    %mul3A_148 = arith.constant 5 : i32
    %mul3A_149 = arith.muli %add3A, %mul3A_148 : i32
    %add3A_150 = arith.constant 2 : i32
    %add3A_151 = arith.addi %mul3A_149, %add3A_150 : i32
    %add3A_152 = arith.constant 1 : i32
    %add3A_153 = arith.addi %add3A_151, %add3A_152 : i32
    %dma_start3A_154 = arith.constant 0 : i32
    %dma_start3A_155 = arith.constant 0 : i32
    %dma_start3A_156 = tpu.memref_slice %arg4[%add3A_153, %dma_start3A_154, %dma_start3A_155] : memref<160x16x128xi32, #tpu.memory_space<hbm>> -> memref<1x16x128xi32, #tpu.memory_space<hbm>>
    %dma_start3A_157 = tpu.memref_squeeze %dma_start3A_156 : memref<1x16x128xi32, #tpu.memory_space<hbm>> -> memref<16x128xi32, #tpu.memory_space<hbm>>
    %dma_start3A_158 = arith.constant 0 : i32
    %dma_start3A_159 = arith.constant 0 : i32
    %dma_start3A_160 = tpu.memref_slice %arg4[%add3A_153, %dma_start3A_158, %dma_start3A_159] : memref<160x16x128xi32, #tpu.memory_space<hbm>> -> memref<1x16x128xi32, #tpu.memory_space<hbm>>
    %dma_start3A_161 = tpu.memref_squeeze %dma_start3A_160 : memref<1x16x128xi32, #tpu.memory_space<hbm>> -> memref<16x128xi32, #tpu.memory_space<hbm>>
    tpu.enqueue_dma source(%dma_start3A_161 : memref<16x128xi32, #tpu.memory_space<hbm>>) target(%arg10 : memref<16x128xi32, #tpu.memory_space<vmem>>) target_semaphore(%arg13 : memref<!tpu.dma_semaphore, #tpu.memory_space<semaphore_mem>>)
    %scan3A_162 = arith.constant 0 : i32
    %scan3A_163 = arith.constant 16 : i32
    %scan3A_164 = arith.addi %scan3A_162, %scan3A_163 : i32
    %scan3A_165 = arith.constant 1 : i32
    scf.for %scan3A_245 = %scan3A_162 to %scan3A_164 step %scan3A_165  : i32 {
      %mul3A_246 = arith.constant 1 : i32
      %mul3A_247 = arith.muli %scan3A_245, %mul3A_246 : i32
      %add3A_248 = arith.constant 0 : i32
      %add3A_249 = arith.addi %add3A_248, %mul3A_247 : i32
      "tpu.region"() ({
        %run_scoped3A = tpu.sem_alloc : memref<!tpu.dma_semaphore, #tpu.memory_space<semaphore_mem>>
        %dma_start3A_250 = arith.constant 0 : i32
        %dma_start3A_251 = tpu.memref_slice %arg7[%add3A_249, %dma_start3A_250] : memref<16x128xi32, #tpu.memory_space<vmem>> -> memref<1x128xi32, #tpu.memory_space<vmem>>
        %dma_start3A_252 = tpu.memref_squeeze %dma_start3A_251 : memref<1x128xi32, #tpu.memory_space<vmem>> -> memref<128xi32, #tpu.memory_space<vmem>>
        %dma_start3A_253 = arith.constant 0 : i32
        %dma_start3A_254 = arith.constant 0 : i32
        %dma_start3A_255 = tpu.memref_slice %arg2[%dma_start3A_253, %dma_start3A_254] : memref<10240x128xf32, #tpu.memory_space<hbm>> -> memref<10240x128xf32, #tpu.memory_space<hbm>>
        tpu.enqueue_indirect_dma source(%dma_start3A_255 : memref<10240x128xf32, #tpu.memory_space<hbm>>) target(%arg11 : memref<128x128xf32, #tpu.memory_space<vmem>>) offsets(%dma_start3A_252 : memref<128xi32, #tpu.memory_space<vmem>>) semaphore(%run_scoped3A : memref<!tpu.dma_semaphore, #tpu.memory_space<semaphore_mem>>)
        %dma_wait3A_256 = arith.constant 0 : i32
        %dma_wait3A_257 = tpu.memref_slice %arg7[%add3A_249, %dma_wait3A_256] : memref<16x128xi32, #tpu.memory_space<vmem>> -> memref<1x128xi32, #tpu.memory_space<vmem>>
        %dma_wait3A_258 = tpu.memref_squeeze %dma_wait3A_257 : memref<1x128xi32, #tpu.memory_space<vmem>> -> memref<128xi32, #tpu.memory_space<vmem>>
        %dma_wait3A_259 = arith.constant 0 : i32
        %dma_wait3A_260 = arith.constant 0 : i32
        %dma_wait3A_261 = tpu.memref_slice %arg2[%dma_wait3A_259, %dma_wait3A_260] : memref<10240x128xf32, #tpu.memory_space<hbm>> -> memref<10240x128xf32, #tpu.memory_space<hbm>>
        tpu.wait_indirect_dma semaphore(%run_scoped3A : memref<!tpu.dma_semaphore, #tpu.memory_space<semaphore_mem>>) src(%dma_wait3A_261 : memref<10240x128xf32, #tpu.memory_space<hbm>>) dst(%arg11 : memref<128x128xf32, #tpu.memory_space<vmem>>)
        tpu.yield
      }) : () -> ()
      "tpu.region"() ({
        %run_scoped3A = tpu.sem_alloc : memref<!tpu.dma_semaphore, #tpu.memory_space<semaphore_mem>>
        %dma_start3A_250 = arith.constant 0 : i32
        %dma_start3A_251 = tpu.memref_slice %arg9[%add3A_249, %dma_start3A_250] : memref<16x128xi32, #tpu.memory_space<vmem>> -> memref<1x128xi32, #tpu.memory_space<vmem>>
        %dma_start3A_252 = tpu.memref_squeeze %dma_start3A_251 : memref<1x128xi32, #tpu.memory_space<vmem>> -> memref<128xi32, #tpu.memory_space<vmem>>
        %dma_start3A_253 = arith.constant 0 : i32
        %dma_start3A_254 = arith.constant 0 : i32
        %dma_start3A_255 = tpu.memref_slice %arg12[%dma_start3A_253, %dma_start3A_254] : memref<10240x128xf32, #tpu.memory_space<vmem_shared>> -> memref<10240x128xf32, #tpu.memory_space<vmem_shared>>
        tpu.enqueue_indirect_dma source(%arg11 : memref<128x128xf32, #tpu.memory_space<vmem>>) target(%dma_start3A_255 : memref<10240x128xf32, #tpu.memory_space<vmem_shared>>) offsets(%dma_start3A_252 : memref<128xi32, #tpu.memory_space<vmem>>) semaphore(%run_scoped3A : memref<!tpu.dma_semaphore, #tpu.memory_space<semaphore_mem>>) {add = true}
        %dma_wait3A_256 = arith.constant 0 : i32
        %dma_wait3A_257 = tpu.memref_slice %arg9[%add3A_249, %dma_wait3A_256] : memref<16x128xi32, #tpu.memory_space<vmem>> -> memref<1x128xi32, #tpu.memory_space<vmem>>
        %dma_wait3A_258 = tpu.memref_squeeze %dma_wait3A_257 : memref<1x128xi32, #tpu.memory_space<vmem>> -> memref<128xi32, #tpu.memory_space<vmem>>
        %dma_wait3A_259 = arith.constant 0 : i32
        %dma_wait3A_260 = arith.constant 0 : i32
        %dma_wait3A_261 = tpu.memref_slice %arg12[%dma_wait3A_259, %dma_wait3A_260] : memref<10240x128xf32, #tpu.memory_space<vmem_shared>> -> memref<10240x128xf32, #tpu.memory_space<vmem_shared>>
        tpu.wait_indirect_dma semaphore(%run_scoped3A : memref<!tpu.dma_semaphore, #tpu.memory_space<semaphore_mem>>) src(%arg11 : memref<128x128xf32, #tpu.memory_space<vmem>>) dst(%dma_wait3A_261 : memref<10240x128xf32, #tpu.memory_space<vmem_shared>>)
        tpu.yield
      }) : () -> ()
    }
    %scan3A_166 = arith.constant 16 : i32
    %dma_wait3A_167 = arith.constant 0 : i32
    %dma_wait3A_168 = arith.constant 0 : i32
    %dma_wait3A_169 = tpu.memref_slice %arg3[%add3A_139, %dma_wait3A_167, %dma_wait3A_168] : memref<160x16x128xi32, #tpu.memory_space<hbm>> -> memref<1x16x128xi32, #tpu.memory_space<hbm>>
    %dma_wait3A_170 = tpu.memref_squeeze %dma_wait3A_169 : memref<1x16x128xi32, #tpu.memory_space<hbm>> -> memref<16x128xi32, #tpu.memory_space<hbm>>
    %dma_wait3A_171 = arith.constant 0 : i32
    %dma_wait3A_172 = arith.constant 0 : i32
    %dma_wait3A_173 = tpu.memref_slice %arg3[%add3A_139, %dma_wait3A_171, %dma_wait3A_172] : memref<160x16x128xi32, #tpu.memory_space<hbm>> -> memref<1x16x128xi32, #tpu.memory_space<hbm>>
    %dma_wait3A_174 = tpu.memref_squeeze %dma_wait3A_173 : memref<1x16x128xi32, #tpu.memory_space<hbm>> -> memref<16x128xi32, #tpu.memory_space<hbm>>
    tpu.wait_dma2 semaphore(%arg13 : memref<!tpu.dma_semaphore, #tpu.memory_space<semaphore_mem>>) src(%dma_wait3A_174 : memref<16x128xi32, #tpu.memory_space<hbm>>) dst(%arg8 : memref<16x128xi32, #tpu.memory_space<vmem>>)
    %dma_wait3A_175 = arith.constant 0 : i32
    %dma_wait3A_176 = arith.constant 0 : i32
    %dma_wait3A_177 = tpu.memref_slice %arg4[%add3A_153, %dma_wait3A_175, %dma_wait3A_176] : memref<160x16x128xi32, #tpu.memory_space<hbm>> -> memref<1x16x128xi32, #tpu.memory_space<hbm>>
    %dma_wait3A_178 = tpu.memref_squeeze %dma_wait3A_177 : memref<1x16x128xi32, #tpu.memory_space<hbm>> -> memref<16x128xi32, #tpu.memory_space<hbm>>
    %dma_wait3A_179 = arith.constant 0 : i32
    %dma_wait3A_180 = arith.constant 0 : i32
    %dma_wait3A_181 = tpu.memref_slice %arg4[%add3A_153, %dma_wait3A_179, %dma_wait3A_180] : memref<160x16x128xi32, #tpu.memory_space<hbm>> -> memref<1x16x128xi32, #tpu.memory_space<hbm>>
    %dma_wait3A_182 = tpu.memref_squeeze %dma_wait3A_181 : memref<1x16x128xi32, #tpu.memory_space<hbm>> -> memref<16x128xi32, #tpu.memory_space<hbm>>
    tpu.wait_dma2 semaphore(%arg13 : memref<!tpu.dma_semaphore, #tpu.memory_space<semaphore_mem>>) src(%dma_wait3A_182 : memref<16x128xi32, #tpu.memory_space<hbm>>) dst(%arg10 : memref<16x128xi32, #tpu.memory_space<vmem>>)
    %mul3A_183 = arith.constant 5 : i32
    %mul3A_184 = arith.muli %add3A, %mul3A_183 : i32
    %add3A_185 = arith.constant 3 : i32
    %add3A_186 = arith.addi %mul3A_184, %add3A_185 : i32
    %add3A_187 = arith.constant 1 : i32
    %add3A_188 = arith.addi %add3A_186, %add3A_187 : i32
    %dma_start3A_189 = arith.constant 0 : i32
    %dma_start3A_190 = arith.constant 0 : i32
    %dma_start3A_191 = tpu.memref_slice %arg3[%add3A_188, %dma_start3A_189, %dma_start3A_190] : memref<160x16x128xi32, #tpu.memory_space<hbm>> -> memref<1x16x128xi32, #tpu.memory_space<hbm>>
    %dma_start3A_192 = tpu.memref_squeeze %dma_start3A_191 : memref<1x16x128xi32, #tpu.memory_space<hbm>> -> memref<16x128xi32, #tpu.memory_space<hbm>>
    %dma_start3A_193 = arith.constant 0 : i32
    %dma_start3A_194 = arith.constant 0 : i32
    %dma_start3A_195 = tpu.memref_slice %arg3[%add3A_188, %dma_start3A_193, %dma_start3A_194] : memref<160x16x128xi32, #tpu.memory_space<hbm>> -> memref<1x16x128xi32, #tpu.memory_space<hbm>>
    %dma_start3A_196 = tpu.memref_squeeze %dma_start3A_195 : memref<1x16x128xi32, #tpu.memory_space<hbm>> -> memref<16x128xi32, #tpu.memory_space<hbm>>
    tpu.enqueue_dma source(%dma_start3A_196 : memref<16x128xi32, #tpu.memory_space<hbm>>) target(%arg7 : memref<16x128xi32, #tpu.memory_space<vmem>>) target_semaphore(%arg13 : memref<!tpu.dma_semaphore, #tpu.memory_space<semaphore_mem>>)
    %mul3A_197 = arith.constant 5 : i32
    %mul3A_198 = arith.muli %add3A, %mul3A_197 : i32
    %add3A_199 = arith.constant 3 : i32
    %add3A_200 = arith.addi %mul3A_198, %add3A_199 : i32
    %add3A_201 = arith.constant 1 : i32
    %add3A_202 = arith.addi %add3A_200, %add3A_201 : i32
    %dma_start3A_203 = arith.constant 0 : i32
    %dma_start3A_204 = arith.constant 0 : i32
    %dma_start3A_205 = tpu.memref_slice %arg4[%add3A_202, %dma_start3A_203, %dma_start3A_204] : memref<160x16x128xi32, #tpu.memory_space<hbm>> -> memref<1x16x128xi32, #tpu.memory_space<hbm>>
    %dma_start3A_206 = tpu.memref_squeeze %dma_start3A_205 : memref<1x16x128xi32, #tpu.memory_space<hbm>> -> memref<16x128xi32, #tpu.memory_space<hbm>>
    %dma_start3A_207 = arith.constant 0 : i32
    %dma_start3A_208 = arith.constant 0 : i32
    %dma_start3A_209 = tpu.memref_slice %arg4[%add3A_202, %dma_start3A_207, %dma_start3A_208] : memref<160x16x128xi32, #tpu.memory_space<hbm>> -> memref<1x16x128xi32, #tpu.memory_space<hbm>>
    %dma_start3A_210 = tpu.memref_squeeze %dma_start3A_209 : memref<1x16x128xi32, #tpu.memory_space<hbm>> -> memref<16x128xi32, #tpu.memory_space<hbm>>
    tpu.enqueue_dma source(%dma_start3A_210 : memref<16x128xi32, #tpu.memory_space<hbm>>) target(%arg9 : memref<16x128xi32, #tpu.memory_space<vmem>>) target_semaphore(%arg13 : memref<!tpu.dma_semaphore, #tpu.memory_space<semaphore_mem>>)
    %scan3A_211 = arith.constant 0 : i32
    %scan3A_212 = arith.constant 16 : i32
    %scan3A_213 = arith.addi %scan3A_211, %scan3A_212 : i32
    %scan3A_214 = arith.constant 1 : i32
    scf.for %scan3A_245 = %scan3A_211 to %scan3A_213 step %scan3A_214  : i32 {
      %mul3A_246 = arith.constant 1 : i32
      %mul3A_247 = arith.muli %scan3A_245, %mul3A_246 : i32
      %add3A_248 = arith.constant 0 : i32
      %add3A_249 = arith.addi %add3A_248, %mul3A_247 : i32
      "tpu.region"() ({
        %run_scoped3A = tpu.sem_alloc : memref<!tpu.dma_semaphore, #tpu.memory_space<semaphore_mem>>
        %dma_start3A_250 = arith.constant 0 : i32
        %dma_start3A_251 = tpu.memref_slice %arg8[%add3A_249, %dma_start3A_250] : memref<16x128xi32, #tpu.memory_space<vmem>> -> memref<1x128xi32, #tpu.memory_space<vmem>>
        %dma_start3A_252 = tpu.memref_squeeze %dma_start3A_251 : memref<1x128xi32, #tpu.memory_space<vmem>> -> memref<128xi32, #tpu.memory_space<vmem>>
        %dma_start3A_253 = arith.constant 0 : i32
        %dma_start3A_254 = arith.constant 0 : i32
        %dma_start3A_255 = tpu.memref_slice %arg2[%dma_start3A_253, %dma_start3A_254] : memref<10240x128xf32, #tpu.memory_space<hbm>> -> memref<10240x128xf32, #tpu.memory_space<hbm>>
        tpu.enqueue_indirect_dma source(%dma_start3A_255 : memref<10240x128xf32, #tpu.memory_space<hbm>>) target(%arg11 : memref<128x128xf32, #tpu.memory_space<vmem>>) offsets(%dma_start3A_252 : memref<128xi32, #tpu.memory_space<vmem>>) semaphore(%run_scoped3A : memref<!tpu.dma_semaphore, #tpu.memory_space<semaphore_mem>>)
        %dma_wait3A_256 = arith.constant 0 : i32
        %dma_wait3A_257 = tpu.memref_slice %arg8[%add3A_249, %dma_wait3A_256] : memref<16x128xi32, #tpu.memory_space<vmem>> -> memref<1x128xi32, #tpu.memory_space<vmem>>
        %dma_wait3A_258 = tpu.memref_squeeze %dma_wait3A_257 : memref<1x128xi32, #tpu.memory_space<vmem>> -> memref<128xi32, #tpu.memory_space<vmem>>
        %dma_wait3A_259 = arith.constant 0 : i32
        %dma_wait3A_260 = arith.constant 0 : i32
        %dma_wait3A_261 = tpu.memref_slice %arg2[%dma_wait3A_259, %dma_wait3A_260] : memref<10240x128xf32, #tpu.memory_space<hbm>> -> memref<10240x128xf32, #tpu.memory_space<hbm>>
        tpu.wait_indirect_dma semaphore(%run_scoped3A : memref<!tpu.dma_semaphore, #tpu.memory_space<semaphore_mem>>) src(%dma_wait3A_261 : memref<10240x128xf32, #tpu.memory_space<hbm>>) dst(%arg11 : memref<128x128xf32, #tpu.memory_space<vmem>>)
        tpu.yield
      }) : () -> ()
      "tpu.region"() ({
        %run_scoped3A = tpu.sem_alloc : memref<!tpu.dma_semaphore, #tpu.memory_space<semaphore_mem>>
        %dma_start3A_250 = arith.constant 0 : i32
        %dma_start3A_251 = tpu.memref_slice %arg10[%add3A_249, %dma_start3A_250] : memref<16x128xi32, #tpu.memory_space<vmem>> -> memref<1x128xi32, #tpu.memory_space<vmem>>
        %dma_start3A_252 = tpu.memref_squeeze %dma_start3A_251 : memref<1x128xi32, #tpu.memory_space<vmem>> -> memref<128xi32, #tpu.memory_space<vmem>>
        %dma_start3A_253 = arith.constant 0 : i32
        %dma_start3A_254 = arith.constant 0 : i32
        %dma_start3A_255 = tpu.memref_slice %arg12[%dma_start3A_253, %dma_start3A_254] : memref<10240x128xf32, #tpu.memory_space<vmem_shared>> -> memref<10240x128xf32, #tpu.memory_space<vmem_shared>>
        tpu.enqueue_indirect_dma source(%arg11 : memref<128x128xf32, #tpu.memory_space<vmem>>) target(%dma_start3A_255 : memref<10240x128xf32, #tpu.memory_space<vmem_shared>>) offsets(%dma_start3A_252 : memref<128xi32, #tpu.memory_space<vmem>>) semaphore(%run_scoped3A : memref<!tpu.dma_semaphore, #tpu.memory_space<semaphore_mem>>) {add = true}
        %dma_wait3A_256 = arith.constant 0 : i32
        %dma_wait3A_257 = tpu.memref_slice %arg10[%add3A_249, %dma_wait3A_256] : memref<16x128xi32, #tpu.memory_space<vmem>> -> memref<1x128xi32, #tpu.memory_space<vmem>>
        %dma_wait3A_258 = tpu.memref_squeeze %dma_wait3A_257 : memref<1x128xi32, #tpu.memory_space<vmem>> -> memref<128xi32, #tpu.memory_space<vmem>>
        %dma_wait3A_259 = arith.constant 0 : i32
        %dma_wait3A_260 = arith.constant 0 : i32
        %dma_wait3A_261 = tpu.memref_slice %arg12[%dma_wait3A_259, %dma_wait3A_260] : memref<10240x128xf32, #tpu.memory_space<vmem_shared>> -> memref<10240x128xf32, #tpu.memory_space<vmem_shared>>
        tpu.wait_indirect_dma semaphore(%run_scoped3A : memref<!tpu.dma_semaphore, #tpu.memory_space<semaphore_mem>>) src(%arg11 : memref<128x128xf32, #tpu.memory_space<vmem>>) dst(%dma_wait3A_261 : memref<10240x128xf32, #tpu.memory_space<vmem_shared>>)
        tpu.yield
      }) : () -> ()
    }
    %scan3A_215 = arith.constant 16 : i32
    %dma_wait3A_216 = arith.constant 0 : i32
    %dma_wait3A_217 = arith.constant 0 : i32
    %dma_wait3A_218 = tpu.memref_slice %arg3[%add3A_188, %dma_wait3A_216, %dma_wait3A_217] : memref<160x16x128xi32, #tpu.memory_space<hbm>> -> memref<1x16x128xi32, #tpu.memory_space<hbm>>
    %dma_wait3A_219 = tpu.memref_squeeze %dma_wait3A_218 : memref<1x16x128xi32, #tpu.memory_space<hbm>> -> memref<16x128xi32, #tpu.memory_space<hbm>>
    %dma_wait3A_220 = arith.constant 0 : i32
    %dma_wait3A_221 = arith.constant 0 : i32
    %dma_wait3A_222 = tpu.memref_slice %arg3[%add3A_188, %dma_wait3A_220, %dma_wait3A_221] : memref<160x16x128xi32, #tpu.memory_space<hbm>> -> memref<1x16x128xi32, #tpu.memory_space<hbm>>
    %dma_wait3A_223 = tpu.memref_squeeze %dma_wait3A_222 : memref<1x16x128xi32, #tpu.memory_space<hbm>> -> memref<16x128xi32, #tpu.memory_space<hbm>>
    tpu.wait_dma2 semaphore(%arg13 : memref<!tpu.dma_semaphore, #tpu.memory_space<semaphore_mem>>) src(%dma_wait3A_223 : memref<16x128xi32, #tpu.memory_space<hbm>>) dst(%arg7 : memref<16x128xi32, #tpu.memory_space<vmem>>)
    %dma_wait3A_224 = arith.constant 0 : i32
    %dma_wait3A_225 = arith.constant 0 : i32
    %dma_wait3A_226 = tpu.memref_slice %arg4[%add3A_202, %dma_wait3A_224, %dma_wait3A_225] : memref<160x16x128xi32, #tpu.memory_space<hbm>> -> memref<1x16x128xi32, #tpu.memory_space<hbm>>
    %dma_wait3A_227 = tpu.memref_squeeze %dma_wait3A_226 : memref<1x16x128xi32, #tpu.memory_space<hbm>> -> memref<16x128xi32, #tpu.memory_space<hbm>>
    %dma_wait3A_228 = arith.constant 0 : i32
    %dma_wait3A_229 = arith.constant 0 : i32
    %dma_wait3A_230 = tpu.memref_slice %arg4[%add3A_202, %dma_wait3A_228, %dma_wait3A_229] : memref<160x16x128xi32, #tpu.memory_space<hbm>> -> memref<1x16x128xi32, #tpu.memory_space<hbm>>
    %dma_wait3A_231 = tpu.memref_squeeze %dma_wait3A_230 : memref<1x16x128xi32, #tpu.memory_space<hbm>> -> memref<16x128xi32, #tpu.memory_space<hbm>>
    tpu.wait_dma2 semaphore(%arg13 : memref<!tpu.dma_semaphore, #tpu.memory_space<semaphore_mem>>) src(%dma_wait3A_231 : memref<16x128xi32, #tpu.memory_space<hbm>>) dst(%arg9 : memref<16x128xi32, #tpu.memory_space<vmem>>)
    %scan3A_232 = arith.constant 0 : i32
    %scan3A_233 = arith.constant 16 : i32
    %scan3A_234 = arith.addi %scan3A_232, %scan3A_233 : i32
    %scan3A_235 = arith.constant 1 : i32
    scf.for %scan3A_245 = %scan3A_232 to %scan3A_234 step %scan3A_235  : i32 {
      %mul3A_246 = arith.constant 1 : i32
      %mul3A_247 = arith.muli %scan3A_245, %mul3A_246 : i32
      %add3A_248 = arith.constant 0 : i32
      %add3A_249 = arith.addi %add3A_248, %mul3A_247 : i32
      "tpu.region"() ({
        %run_scoped3A = tpu.sem_alloc : memref<!tpu.dma_semaphore, #tpu.memory_space<semaphore_mem>>
        %dma_start3A_250 = arith.constant 0 : i32
        %dma_start3A_251 = tpu.memref_slice %arg7[%add3A_249, %dma_start3A_250] : memref<16x128xi32, #tpu.memory_space<vmem>> -> memref<1x128xi32, #tpu.memory_space<vmem>>
        %dma_start3A_252 = tpu.memref_squeeze %dma_start3A_251 : memref<1x128xi32, #tpu.memory_space<vmem>> -> memref<128xi32, #tpu.memory_space<vmem>>
        %dma_start3A_253 = arith.constant 0 : i32
        %dma_start3A_254 = arith.constant 0 : i32
        %dma_start3A_255 = tpu.memref_slice %arg2[%dma_start3A_253, %dma_start3A_254] : memref<10240x128xf32, #tpu.memory_space<hbm>> -> memref<10240x128xf32, #tpu.memory_space<hbm>>
        tpu.enqueue_indirect_dma source(%dma_start3A_255 : memref<10240x128xf32, #tpu.memory_space<hbm>>) target(%arg11 : memref<128x128xf32, #tpu.memory_space<vmem>>) offsets(%dma_start3A_252 : memref<128xi32, #tpu.memory_space<vmem>>) semaphore(%run_scoped3A : memref<!tpu.dma_semaphore, #tpu.memory_space<semaphore_mem>>)
        %dma_wait3A_256 = arith.constant 0 : i32
        %dma_wait3A_257 = tpu.memref_slice %arg7[%add3A_249, %dma_wait3A_256] : memref<16x128xi32, #tpu.memory_space<vmem>> -> memref<1x128xi32, #tpu.memory_space<vmem>>
        %dma_wait3A_258 = tpu.memref_squeeze %dma_wait3A_257 : memref<1x128xi32, #tpu.memory_space<vmem>> -> memref<128xi32, #tpu.memory_space<vmem>>
        %dma_wait3A_259 = arith.constant 0 : i32
        %dma_wait3A_260 = arith.constant 0 : i32
        %dma_wait3A_261 = tpu.memref_slice %arg2[%dma_wait3A_259, %dma_wait3A_260] : memref<10240x128xf32, #tpu.memory_space<hbm>> -> memref<10240x128xf32, #tpu.memory_space<hbm>>
        tpu.wait_indirect_dma semaphore(%run_scoped3A : memref<!tpu.dma_semaphore, #tpu.memory_space<semaphore_mem>>) src(%dma_wait3A_261 : memref<10240x128xf32, #tpu.memory_space<hbm>>) dst(%arg11 : memref<128x128xf32, #tpu.memory_space<vmem>>)
        tpu.yield
      }) : () -> ()
      "tpu.region"() ({
        %run_scoped3A = tpu.sem_alloc : memref<!tpu.dma_semaphore, #tpu.memory_space<semaphore_mem>>
        %dma_start3A_250 = arith.constant 0 : i32
        %dma_start3A_251 = tpu.memref_slice %arg9[%add3A_249, %dma_start3A_250] : memref<16x128xi32, #tpu.memory_space<vmem>> -> memref<1x128xi32, #tpu.memory_space<vmem>>
        %dma_start3A_252 = tpu.memref_squeeze %dma_start3A_251 : memref<1x128xi32, #tpu.memory_space<vmem>> -> memref<128xi32, #tpu.memory_space<vmem>>
        %dma_start3A_253 = arith.constant 0 : i32
        %dma_start3A_254 = arith.constant 0 : i32
        %dma_start3A_255 = tpu.memref_slice %arg12[%dma_start3A_253, %dma_start3A_254] : memref<10240x128xf32, #tpu.memory_space<vmem_shared>> -> memref<10240x128xf32, #tpu.memory_space<vmem_shared>>
        tpu.enqueue_indirect_dma source(%arg11 : memref<128x128xf32, #tpu.memory_space<vmem>>) target(%dma_start3A_255 : memref<10240x128xf32, #tpu.memory_space<vmem_shared>>) offsets(%dma_start3A_252 : memref<128xi32, #tpu.memory_space<vmem>>) semaphore(%run_scoped3A : memref<!tpu.dma_semaphore, #tpu.memory_space<semaphore_mem>>) {add = true}
        %dma_wait3A_256 = arith.constant 0 : i32
        %dma_wait3A_257 = tpu.memref_slice %arg9[%add3A_249, %dma_wait3A_256] : memref<16x128xi32, #tpu.memory_space<vmem>> -> memref<1x128xi32, #tpu.memory_space<vmem>>
        %dma_wait3A_258 = tpu.memref_squeeze %dma_wait3A_257 : memref<1x128xi32, #tpu.memory_space<vmem>> -> memref<128xi32, #tpu.memory_space<vmem>>
        %dma_wait3A_259 = arith.constant 0 : i32
        %dma_wait3A_260 = arith.constant 0 : i32
        %dma_wait3A_261 = tpu.memref_slice %arg12[%dma_wait3A_259, %dma_wait3A_260] : memref<10240x128xf32, #tpu.memory_space<vmem_shared>> -> memref<10240x128xf32, #tpu.memory_space<vmem_shared>>
        tpu.wait_indirect_dma semaphore(%run_scoped3A : memref<!tpu.dma_semaphore, #tpu.memory_space<semaphore_mem>>) src(%arg11 : memref<128x128xf32, #tpu.memory_space<vmem>>) dst(%dma_wait3A_261 : memref<10240x128xf32, #tpu.memory_space<vmem_shared>>)
        tpu.yield
      }) : () -> ()
    }
    %scan3A_236 = arith.constant 16 : i32
    %barrier3A_237 = arith.constant 0 : index
    tpu.barrier barrier_id(%barrier3A_237)
    %mul3A_238 = arith.constant 640 : i32
    %mul3A_239 = arith.muli %arg1, %mul3A_238 : i32
    %mul3A_240 = arith.constant 10240 : i32
    %mul3A_241 = arith.muli %arg0, %mul3A_240 : i32
    %mul3A_242 = arith.constant 640 : i32
    %mul3A_243 = arith.muli %arg1, %mul3A_242 : i32
    %add3A_244 = arith.addi %mul3A_241, %mul3A_243 : i32
    "tpu.region"() ({
      %run_scoped3A = tpu.sem_alloc : memref<!tpu.dma_semaphore, #tpu.memory_space<semaphore_mem>>
      %dma_start3A_245 = arith.constant 0 : i32
      %dma_start3A_246 = tpu.memref_slice %arg6[%add3A_244, %dma_start3A_245] : memref<20480x128xf32, #tpu.memory_space<hbm>> -> memref<640x128xf32, #tpu.memory_space<hbm>>
      %dma_start3A_247 = arith.constant 0 : i32
      %dma_start3A_248 = tpu.memref_slice %arg12[%mul3A_239, %dma_start3A_247] : memref<10240x128xf32, #tpu.memory_space<vmem_shared>> -> memref<640x128xf32, #tpu.memory_space<vmem_shared>>
      tpu.enqueue_dma source(%dma_start3A_248 : memref<640x128xf32, #tpu.memory_space<vmem_shared>>) target(%dma_start3A_246 : memref<640x128xf32, #tpu.memory_space<hbm>>) target_semaphore(%run_scoped3A : memref<!tpu.dma_semaphore, #tpu.memory_space<semaphore_mem>>)
      %dma_wait3A_249 = arith.constant 0 : i32
      %dma_wait3A_250 = tpu.memref_slice %arg6[%add3A_244, %dma_wait3A_249] : memref<20480x128xf32, #tpu.memory_space<hbm>> -> memref<640x128xf32, #tpu.memory_space<hbm>>
      %dma_wait3A_251 = arith.constant 0 : i32
      %dma_wait3A_252 = tpu.memref_slice %arg12[%mul3A_239, %dma_wait3A_251] : memref<10240x128xf32, #tpu.memory_space<vmem_shared>> -> memref<640x128xf32, #tpu.memory_space<vmem_shared>>
      tpu.wait_dma2 semaphore(%run_scoped3A : memref<!tpu.dma_semaphore, #tpu.memory_space<semaphore_mem>>) src(%dma_wait3A_252 : memref<640x128xf32, #tpu.memory_space<vmem_shared>>) dst(%dma_wait3A_250 : memref<640x128xf32, #tpu.memory_space<hbm>>)
      tpu.yield
    }) : () -> ()
    return
  }
}

#map = affine_map<(d0, d1) -> (0, 0)>
#map1 = affine_map<(d0, d1) -> (0, 0, 0)>
module attributes {stable_mosaic.version = 14 : i64} {
  func.func @run(%arg0: i32, %arg1: i32, %arg2: memref<10240x128xf32, #tpu.memory_space<hbm>>, %arg3: memref<160x16x128xi32, #tpu.memory_space<hbm>>, %arg4: memref<160x16x128xi32, #tpu.memory_space<hbm>>, %arg5: memref<640x128xf32, #tpu.memory_space<hbm>>, %arg6: memref<20480x128xf32, #tpu.memory_space<hbm>>, %arg7: memref<16x128xi32, #tpu.memory_space<vmem>>, %arg8: memref<16x128xi32, #tpu.memory_space<vmem>>, %arg9: memref<16x128xi32, #tpu.memory_space<vmem>>, %arg10: memref<16x128xi32, #tpu.memory_space<vmem>>, %arg11: memref<128x128xf32, #tpu.memory_space<vmem>>, %arg12: memref<10240x128xf32, #tpu.memory_space<vmem_shared>>, %arg13: memref<!tpu.dma_semaphore, #tpu.memory_space<semaphore_mem>>) attributes {dimension_semantics = [#tpu.dimension_semantics<core_parallel>, #tpu.dimension_semantics<subcore_parallel>], iteration_bounds = array<i64: 2, 16>, scalar_prefetch = 0 : i64, scratch_operands = 7 : i64, tpu.core_type = #tpu.core_type<sc_vector_subcore>, window_params = [{transform_indices = #map}, {transform_indices = #map1}, {transform_indices = #map1}, {transform_indices = #map}, {transform_indices = #map}]} {
    %mul3A = arith.constant 16 : i32
    %mul3A_0 = arith.muli %arg0, %mul3A : i32
    %add3A = arith.addi %mul3A_0, %arg1 : i32
    %mul3A_1 = arith.constant 640 : i32
    %mul3A_2 = arith.muli %arg1, %mul3A_1 : i32
    "tpu.region"() ({
      %run_scoped3A = tpu.sem_alloc : memref<!tpu.dma_semaphore, #tpu.memory_space<semaphore_mem>>
      %dma_start3A_245 = arith.constant 0 : i32
      %dma_start3A_246 = tpu.memref_slice %arg12[%mul3A_2, %dma_start3A_245] : memref<10240x128xf32, #tpu.memory_space<vmem_shared>> -> memref<640x128xf32, #tpu.memory_space<vmem_shared>>
      tpu.enqueue_dma source(%arg5 : memref<640x128xf32, #tpu.memory_space<hbm>>) target(%dma_start3A_246 : memref<640x128xf32, #tpu.memory_space<vmem_shared>>) target_semaphore(%run_scoped3A : memref<!tpu.dma_semaphore, #tpu.memory_space<semaphore_mem>>)
      %dma_wait3A_247 = arith.constant 0 : i32
      %dma_wait3A_248 = tpu.memref_slice %arg12[%mul3A_2, %dma_wait3A_247] : memref<10240x128xf32, #tpu.memory_space<vmem_shared>> -> memref<640x128xf32, #tpu.memory_space<vmem_shared>>
      tpu.wait_dma2 semaphore(%run_scoped3A : memref<!tpu.dma_semaphore, #tpu.memory_space<semaphore_mem>>) src(%arg5 : memref<640x128xf32, #tpu.memory_space<hbm>>) dst(%dma_wait3A_248 : memref<640x128xf32, #tpu.memory_space<vmem_shared>>)
      tpu.yield
    }) : () -> ()
    %mul3A_3 = arith.constant 5 : i32
    %mul3A_4 = arith.muli %add3A, %mul3A_3 : i32
    %dma_start3A = arith.constant 0 : i32
    %dma_start3A_5 = arith.constant 0 : i32
    %dma_start3A_6 = tpu.memref_slice %arg3[%mul3A_4, %dma_start3A, %dma_start3A_5] : memref<160x16x128xi32, #tpu.memory_space<hbm>> -> memref<1x16x128xi32, #tpu.memory_space<hbm>>
    %dma_start3A_7 = tpu.memref_squeeze %dma_start3A_6 : memref<1x16x128xi32, #tpu.memory_space<hbm>> -> memref<16x128xi32, #tpu.memory_space<hbm>>
    %dma_start3A_8 = arith.constant 0 : i32
    %dma_start3A_9 = arith.constant 0 : i32
    %dma_start3A_10 = tpu.memref_slice %arg3[%mul3A_4, %dma_start3A_8, %dma_start3A_9] : memref<160x16x128xi32, #tpu.memory_space<hbm>> -> memref<1x16x128xi32, #tpu.memory_space<hbm>>
    %dma_start3A_11 = tpu.memref_squeeze %dma_start3A_10 : memref<1x16x128xi32, #tpu.memory_space<hbm>> -> memref<16x128xi32, #tpu.memory_space<hbm>>
    tpu.enqueue_dma source(%dma_start3A_11 : memref<16x128xi32, #tpu.memory_space<hbm>>) target(%arg7 : memref<16x128xi32, #tpu.memory_space<vmem>>) target_semaphore(%arg13 : memref<!tpu.dma_semaphore, #tpu.memory_space<semaphore_mem>>)
    %mul3A_12 = arith.constant 5 : i32
    %mul3A_13 = arith.muli %add3A, %mul3A_12 : i32
    %dma_start3A_14 = arith.constant 0 : i32
    %dma_start3A_15 = arith.constant 0 : i32
    %dma_start3A_16 = tpu.memref_slice %arg4[%mul3A_13, %dma_start3A_14, %dma_start3A_15] : memref<160x16x128xi32, #tpu.memory_space<hbm>> -> memref<1x16x128xi32, #tpu.memory_space<hbm>>
    %dma_start3A_17 = tpu.memref_squeeze %dma_start3A_16 : memref<1x16x128xi32, #tpu.memory_space<hbm>> -> memref<16x128xi32, #tpu.memory_space<hbm>>
    %dma_start3A_18 = arith.constant 0 : i32
    %dma_start3A_19 = arith.constant 0 : i32
    %dma_start3A_20 = tpu.memref_slice %arg4[%mul3A_13, %dma_start3A_18, %dma_start3A_19] : memref<160x16x128xi32, #tpu.memory_space<hbm>> -> memref<1x16x128xi32, #tpu.memory_space<hbm>>
    %dma_start3A_21 = tpu.memref_squeeze %dma_start3A_20 : memref<1x16x128xi32, #tpu.memory_space<hbm>> -> memref<16x128xi32, #tpu.memory_space<hbm>>
    tpu.enqueue_dma source(%dma_start3A_21 : memref<16x128xi32, #tpu.memory_space<hbm>>) target(%arg9 : memref<16x128xi32, #tpu.memory_space<vmem>>) target_semaphore(%arg13 : memref<!tpu.dma_semaphore, #tpu.memory_space<semaphore_mem>>)
    %barrier3A = arith.constant 0 : index
    tpu.barrier barrier_id(%barrier3A)
    %dma_wait3A = arith.constant 0 : i32
    %dma_wait3A_22 = arith.constant 0 : i32
    %dma_wait3A_23 = tpu.memref_slice %arg3[%mul3A_4, %dma_wait3A, %dma_wait3A_22] : memref<160x16x128xi32, #tpu.memory_space<hbm>> -> memref<1x16x128xi32, #tpu.memory_space<hbm>>
    %dma_wait3A_24 = tpu.memref_squeeze %dma_wait3A_23 : memref<1x16x128xi32, #tpu.memory_space<hbm>> -> memref<16x128xi32, #tpu.memory_space<hbm>>
    %dma_wait3A_25 = arith.constant 0 : i32
    %dma_wait3A_26 = arith.constant 0 : i32
    %dma_wait3A_27 = tpu.memref_slice %arg3[%mul3A_4, %dma_wait3A_25, %dma_wait3A_26] : memref<160x16x128xi32, #tpu.memory_space<hbm>> -> memref<1x16x128xi32, #tpu.memory_space<hbm>>
    %dma_wait3A_28 = tpu.memref_squeeze %dma_wait3A_27 : memref<1x16x128xi32, #tpu.memory_space<hbm>> -> memref<16x128xi32, #tpu.memory_space<hbm>>
    tpu.wait_dma2 semaphore(%arg13 : memref<!tpu.dma_semaphore, #tpu.memory_space<semaphore_mem>>) src(%dma_wait3A_28 : memref<16x128xi32, #tpu.memory_space<hbm>>) dst(%arg7 : memref<16x128xi32, #tpu.memory_space<vmem>>)
    %dma_wait3A_29 = arith.constant 0 : i32
    %dma_wait3A_30 = arith.constant 0 : i32
    %dma_wait3A_31 = tpu.memref_slice %arg4[%mul3A_13, %dma_wait3A_29, %dma_wait3A_30] : memref<160x16x128xi32, #tpu.memory_space<hbm>> -> memref<1x16x128xi32, #tpu.memory_space<hbm>>
    %dma_wait3A_32 = tpu.memref_squeeze %dma_wait3A_31 : memref<1x16x128xi32, #tpu.memory_space<hbm>> -> memref<16x128xi32, #tpu.memory_space<hbm>>
    %dma_wait3A_33 = arith.constant 0 : i32
    %dma_wait3A_34 = arith.constant 0 : i32
    %dma_wait3A_35 = tpu.memref_slice %arg4[%mul3A_13, %dma_wait3A_33, %dma_wait3A_34] : memref<160x16x128xi32, #tpu.memory_space<hbm>> -> memref<1x16x128xi32, #tpu.memory_space<hbm>>
    %dma_wait3A_36 = tpu.memref_squeeze %dma_wait3A_35 : memref<1x16x128xi32, #tpu.memory_space<hbm>> -> memref<16x128xi32, #tpu.memory_space<hbm>>
    tpu.wait_dma2 semaphore(%arg13 : memref<!tpu.dma_semaphore, #tpu.memory_space<semaphore_mem>>) src(%dma_wait3A_36 : memref<16x128xi32, #tpu.memory_space<hbm>>) dst(%arg9 : memref<16x128xi32, #tpu.memory_space<vmem>>)
    %mul3A_37 = arith.constant 5 : i32
    %mul3A_38 = arith.muli %add3A, %mul3A_37 : i32
    %add3A_39 = arith.constant 0 : i32
    %add3A_40 = arith.addi %mul3A_38, %add3A_39 : i32
    %add3A_41 = arith.constant 1 : i32
    %add3A_42 = arith.addi %add3A_40, %add3A_41 : i32
    %dma_start3A_43 = arith.constant 0 : i32
    %dma_start3A_44 = arith.constant 0 : i32
    %dma_start3A_45 = tpu.memref_slice %arg3[%add3A_42, %dma_start3A_43, %dma_start3A_44] : memref<160x16x128xi32, #tpu.memory_space<hbm>> -> memref<1x16x128xi32, #tpu.memory_space<hbm>>
    %dma_start3A_46 = tpu.memref_squeeze %dma_start3A_45 : memref<1x16x128xi32, #tpu.memory_space<hbm>> -> memref<16x128xi32, #tpu.memory_space<hbm>>
    %dma_start3A_47 = arith.constant 0 : i32
    %dma_start3A_48 = arith.constant 0 : i32
    %dma_start3A_49 = tpu.memref_slice %arg3[%add3A_42, %dma_start3A_47, %dma_start3A_48] : memref<160x16x128xi32, #tpu.memory_space<hbm>> -> memref<1x16x128xi32, #tpu.memory_space<hbm>>
    %dma_start3A_50 = tpu.memref_squeeze %dma_start3A_49 : memref<1x16x128xi32, #tpu.memory_space<hbm>> -> memref<16x128xi32, #tpu.memory_space<hbm>>
    tpu.enqueue_dma source(%dma_start3A_50 : memref<16x128xi32, #tpu.memory_space<hbm>>) target(%arg8 : memref<16x128xi32, #tpu.memory_space<vmem>>) target_semaphore(%arg13 : memref<!tpu.dma_semaphore, #tpu.memory_space<semaphore_mem>>)
    %mul3A_51 = arith.constant 5 : i32
    %mul3A_52 = arith.muli %add3A, %mul3A_51 : i32
    %add3A_53 = arith.constant 0 : i32
    %add3A_54 = arith.addi %mul3A_52, %add3A_53 : i32
    %add3A_55 = arith.constant 1 : i32
    %add3A_56 = arith.addi %add3A_54, %add3A_55 : i32
    %dma_start3A_57 = arith.constant 0 : i32
    %dma_start3A_58 = arith.constant 0 : i32
    %dma_start3A_59 = tpu.memref_slice %arg4[%add3A_56, %dma_start3A_57, %dma_start3A_58] : memref<160x16x128xi32, #tpu.memory_space<hbm>> -> memref<1x16x128xi32, #tpu.memory_space<hbm>>
    %dma_start3A_60 = tpu.memref_squeeze %dma_start3A_59 : memref<1x16x128xi32, #tpu.memory_space<hbm>> -> memref<16x128xi32, #tpu.memory_space<hbm>>
    %dma_start3A_61 = arith.constant 0 : i32
    %dma_start3A_62 = arith.constant 0 : i32
    %dma_start3A_63 = tpu.memref_slice %arg4[%add3A_56, %dma_start3A_61, %dma_start3A_62] : memref<160x16x128xi32, #tpu.memory_space<hbm>> -> memref<1x16x128xi32, #tpu.memory_space<hbm>>
    %dma_start3A_64 = tpu.memref_squeeze %dma_start3A_63 : memref<1x16x128xi32, #tpu.memory_space<hbm>> -> memref<16x128xi32, #tpu.memory_space<hbm>>
    tpu.enqueue_dma source(%dma_start3A_64 : memref<16x128xi32, #tpu.memory_space<hbm>>) target(%arg10 : memref<16x128xi32, #tpu.memory_space<vmem>>) target_semaphore(%arg13 : memref<!tpu.dma_semaphore, #tpu.memory_space<semaphore_mem>>)
    %scan3A = arith.constant 0 : i32
    %scan3A_65 = arith.constant 16 : i32
    %scan3A_66 = arith.addi %scan3A, %scan3A_65 : i32
    %scan3A_67 = arith.constant 1 : i32
    scf.for %scan3A_245 = %scan3A to %scan3A_66 step %scan3A_67  : i32 {
      %mul3A_246 = arith.constant 1 : i32
      %mul3A_247 = arith.muli %scan3A_245, %mul3A_246 : i32
      %add3A_248 = arith.constant 0 : i32
      %add3A_249 = arith.addi %add3A_248, %mul3A_247 : i32
      "tpu.region"() ({
        %run_scoped3A = tpu.sem_alloc : memref<!tpu.dma_semaphore, #tpu.memory_space<semaphore_mem>>
        %dma_start3A_250 = arith.constant 0 : i32
        %dma_start3A_251 = tpu.memref_slice %arg7[%add3A_249, %dma_start3A_250] : memref<16x128xi32, #tpu.memory_space<vmem>> -> memref<1x128xi32, #tpu.memory_space<vmem>>
        %dma_start3A_252 = tpu.memref_squeeze %dma_start3A_251 : memref<1x128xi32, #tpu.memory_space<vmem>> -> memref<128xi32, #tpu.memory_space<vmem>>
        %dma_start3A_253 = arith.constant 0 : i32
        %dma_start3A_254 = arith.constant 0 : i32
        %dma_start3A_255 = tpu.memref_slice %arg2[%dma_start3A_253, %dma_start3A_254] : memref<10240x128xf32, #tpu.memory_space<hbm>> -> memref<10240x128xf32, #tpu.memory_space<hbm>>
        tpu.enqueue_indirect_dma source(%dma_start3A_255 : memref<10240x128xf32, #tpu.memory_space<hbm>>) target(%arg11 : memref<128x128xf32, #tpu.memory_space<vmem>>) offsets(%dma_start3A_252 : memref<128xi32, #tpu.memory_space<vmem>>) semaphore(%run_scoped3A : memref<!tpu.dma_semaphore, #tpu.memory_space<semaphore_mem>>)
        %dma_wait3A_256 = arith.constant 0 : i32
        %dma_wait3A_257 = tpu.memref_slice %arg7[%add3A_249, %dma_wait3A_256] : memref<16x128xi32, #tpu.memory_space<vmem>> -> memref<1x128xi32, #tpu.memory_space<vmem>>
        %dma_wait3A_258 = tpu.memref_squeeze %dma_wait3A_257 : memref<1x128xi32, #tpu.memory_space<vmem>> -> memref<128xi32, #tpu.memory_space<vmem>>
        %dma_wait3A_259 = arith.constant 0 : i32
        %dma_wait3A_260 = arith.constant 0 : i32
        %dma_wait3A_261 = tpu.memref_slice %arg2[%dma_wait3A_259, %dma_wait3A_260] : memref<10240x128xf32, #tpu.memory_space<hbm>> -> memref<10240x128xf32, #tpu.memory_space<hbm>>
        tpu.wait_indirect_dma semaphore(%run_scoped3A : memref<!tpu.dma_semaphore, #tpu.memory_space<semaphore_mem>>) src(%dma_wait3A_261 : memref<10240x128xf32, #tpu.memory_space<hbm>>) dst(%arg11 : memref<128x128xf32, #tpu.memory_space<vmem>>)
        tpu.yield
      }) : () -> ()
      "tpu.region"() ({
        %run_scoped3A = tpu.sem_alloc : memref<!tpu.dma_semaphore, #tpu.memory_space<semaphore_mem>>
        %dma_start3A_250 = arith.constant 0 : i32
        %dma_start3A_251 = tpu.memref_slice %arg9[%add3A_249, %dma_start3A_250] : memref<16x128xi32, #tpu.memory_space<vmem>> -> memref<1x128xi32, #tpu.memory_space<vmem>>
        %dma_start3A_252 = tpu.memref_squeeze %dma_start3A_251 : memref<1x128xi32, #tpu.memory_space<vmem>> -> memref<128xi32, #tpu.memory_space<vmem>>
        %dma_start3A_253 = arith.constant 0 : i32
        %dma_start3A_254 = arith.constant 0 : i32
        %dma_start3A_255 = tpu.memref_slice %arg12[%dma_start3A_253, %dma_start3A_254] : memref<10240x128xf32, #tpu.memory_space<vmem_shared>> -> memref<10240x128xf32, #tpu.memory_space<vmem_shared>>
        tpu.enqueue_indirect_dma source(%arg11 : memref<128x128xf32, #tpu.memory_space<vmem>>) target(%dma_start3A_255 : memref<10240x128xf32, #tpu.memory_space<vmem_shared>>) offsets(%dma_start3A_252 : memref<128xi32, #tpu.memory_space<vmem>>) semaphore(%run_scoped3A : memref<!tpu.dma_semaphore, #tpu.memory_space<semaphore_mem>>) {add = true}
        %dma_wait3A_256 = arith.constant 0 : i32
        %dma_wait3A_257 = tpu.memref_slice %arg9[%add3A_249, %dma_wait3A_256] : memref<16x128xi32, #tpu.memory_space<vmem>> -> memref<1x128xi32, #tpu.memory_space<vmem>>
        %dma_wait3A_258 = tpu.memref_squeeze %dma_wait3A_257 : memref<1x128xi32, #tpu.memory_space<vmem>> -> memref<128xi32, #tpu.memory_space<vmem>>
        %dma_wait3A_259 = arith.constant 0 : i32
        %dma_wait3A_260 = arith.constant 0 : i32
        %dma_wait3A_261 = tpu.memref_slice %arg12[%dma_wait3A_259, %dma_wait3A_260] : memref<10240x128xf32, #tpu.memory_space<vmem_shared>> -> memref<10240x128xf32, #tpu.memory_space<vmem_shared>>
        tpu.wait_indirect_dma semaphore(%run_scoped3A : memref<!tpu.dma_semaphore, #tpu.memory_space<semaphore_mem>>) src(%arg11 : memref<128x128xf32, #tpu.memory_space<vmem>>) dst(%dma_wait3A_261 : memref<10240x128xf32, #tpu.memory_space<vmem_shared>>)
        tpu.yield
      }) : () -> ()
    }
    %scan3A_68 = arith.constant 16 : i32
    %dma_wait3A_69 = arith.constant 0 : i32
    %dma_wait3A_70 = arith.constant 0 : i32
    %dma_wait3A_71 = tpu.memref_slice %arg3[%add3A_42, %dma_wait3A_69, %dma_wait3A_70] : memref<160x16x128xi32, #tpu.memory_space<hbm>> -> memref<1x16x128xi32, #tpu.memory_space<hbm>>
    %dma_wait3A_72 = tpu.memref_squeeze %dma_wait3A_71 : memref<1x16x128xi32, #tpu.memory_space<hbm>> -> memref<16x128xi32, #tpu.memory_space<hbm>>
    %dma_wait3A_73 = arith.constant 0 : i32
    %dma_wait3A_74 = arith.constant 0 : i32
    %dma_wait3A_75 = tpu.memref_slice %arg3[%add3A_42, %dma_wait3A_73, %dma_wait3A_74] : memref<160x16x128xi32, #tpu.memory_space<hbm>> -> memref<1x16x128xi32, #tpu.memory_space<hbm>>
    %dma_wait3A_76 = tpu.memref_squeeze %dma_wait3A_75 : memref<1x16x128xi32, #tpu.memory_space<hbm>> -> memref<16x128xi32, #tpu.memory_space<hbm>>
    tpu.wait_dma2 semaphore(%arg13 : memref<!tpu.dma_semaphore, #tpu.memory_space<semaphore_mem>>) src(%dma_wait3A_76 : memref<16x128xi32, #tpu.memory_space<hbm>>) dst(%arg8 : memref<16x128xi32, #tpu.memory_space<vmem>>)
    %dma_wait3A_77 = arith.constant 0 : i32
    %dma_wait3A_78 = arith.constant 0 : i32
    %dma_wait3A_79 = tpu.memref_slice %arg4[%add3A_56, %dma_wait3A_77, %dma_wait3A_78] : memref<160x16x128xi32, #tpu.memory_space<hbm>> -> memref<1x16x128xi32, #tpu.memory_space<hbm>>
    %dma_wait3A_80 = tpu.memref_squeeze %dma_wait3A_79 : memref<1x16x128xi32, #tpu.memory_space<hbm>> -> memref<16x128xi32, #tpu.memory_space<hbm>>
    %dma_wait3A_81 = arith.constant 0 : i32
    %dma_wait3A_82 = arith.constant 0 : i32
    %dma_wait3A_83 = tpu.memref_slice %arg4[%add3A_56, %dma_wait3A_81, %dma_wait3A_82] : memref<160x16x128xi32, #tpu.memory_space<hbm>> -> memref<1x16x128xi32, #tpu.memory_space<hbm>>
    %dma_wait3A_84 = tpu.memref_squeeze %dma_wait3A_83 : memref<1x16x128xi32, #tpu.memory_space<hbm>> -> memref<16x128xi32, #tpu.memory_space<hbm>>
    tpu.wait_dma2 semaphore(%arg13 : memref<!tpu.dma_semaphore, #tpu.memory_space<semaphore_mem>>) src(%dma_wait3A_84 : memref<16x128xi32, #tpu.memory_space<hbm>>) dst(%arg10 : memref<16x128xi32, #tpu.memory_space<vmem>>)
    %mul3A_85 = arith.constant 5 : i32
    %mul3A_86 = arith.muli %add3A, %mul3A_85 : i32
    %add3A_87 = arith.constant 1 : i32
    %add3A_88 = arith.addi %mul3A_86, %add3A_87 : i32
    %add3A_89 = arith.constant 1 : i32
    %add3A_90 = arith.addi %add3A_88, %add3A_89 : i32
    %dma_start3A_91 = arith.constant 0 : i32
    %dma_start3A_92 = arith.constant 0 : i32
    %dma_start3A_93 = tpu.memref_slice %arg3[%add3A_90, %dma_start3A_91, %dma_start3A_92] : memref<160x16x128xi32, #tpu.memory_space<hbm>> -> memref<1x16x128xi32, #tpu.memory_space<hbm>>
    %dma_start3A_94 = tpu.memref_squeeze %dma_start3A_93 : memref<1x16x128xi32, #tpu.memory_space<hbm>> -> memref<16x128xi32, #tpu.memory_space<hbm>>
    %dma_start3A_95 = arith.constant 0 : i32
    %dma_start3A_96 = arith.constant 0 : i32
    %dma_start3A_97 = tpu.memref_slice %arg3[%add3A_90, %dma_start3A_95, %dma_start3A_96] : memref<160x16x128xi32, #tpu.memory_space<hbm>> -> memref<1x16x128xi32, #tpu.memory_space<hbm>>
    %dma_start3A_98 = tpu.memref_squeeze %dma_start3A_97 : memref<1x16x128xi32, #tpu.memory_space<hbm>> -> memref<16x128xi32, #tpu.memory_space<hbm>>
    tpu.enqueue_dma source(%dma_start3A_98 : memref<16x128xi32, #tpu.memory_space<hbm>>) target(%arg7 : memref<16x128xi32, #tpu.memory_space<vmem>>) target_semaphore(%arg13 : memref<!tpu.dma_semaphore, #tpu.memory_space<semaphore_mem>>)
    %mul3A_99 = arith.constant 5 : i32
    %mul3A_100 = arith.muli %add3A, %mul3A_99 : i32
    %add3A_101 = arith.constant 1 : i32
    %add3A_102 = arith.addi %mul3A_100, %add3A_101 : i32
    %add3A_103 = arith.constant 1 : i32
    %add3A_104 = arith.addi %add3A_102, %add3A_103 : i32
    %dma_start3A_105 = arith.constant 0 : i32
    %dma_start3A_106 = arith.constant 0 : i32
    %dma_start3A_107 = tpu.memref_slice %arg4[%add3A_104, %dma_start3A_105, %dma_start3A_106] : memref<160x16x128xi32, #tpu.memory_space<hbm>> -> memref<1x16x128xi32, #tpu.memory_space<hbm>>
    %dma_start3A_108 = tpu.memref_squeeze %dma_start3A_107 : memref<1x16x128xi32, #tpu.memory_space<hbm>> -> memref<16x128xi32, #tpu.memory_space<hbm>>
    %dma_start3A_109 = arith.constant 0 : i32
    %dma_start3A_110 = arith.constant 0 : i32
    %dma_start3A_111 = tpu.memref_slice %arg4[%add3A_104, %dma_start3A_109, %dma_start3A_110] : memref<160x16x128xi32, #tpu.memory_space<hbm>> -> memref<1x16x128xi32, #tpu.memory_space<hbm>>
    %dma_start3A_112 = tpu.memref_squeeze %dma_start3A_111 : memref<1x16x128xi32, #tpu.memory_space<hbm>> -> memref<16x128xi32, #tpu.memory_space<hbm>>
    tpu.enqueue_dma source(%dma_start3A_112 : memref<16x128xi32, #tpu.memory_space<hbm>>) target(%arg9 : memref<16x128xi32, #tpu.memory_space<vmem>>) target_semaphore(%arg13 : memref<!tpu.dma_semaphore, #tpu.memory_space<semaphore_mem>>)
    %scan3A_113 = arith.constant 0 : i32
    %scan3A_114 = arith.constant 16 : i32
    %scan3A_115 = arith.addi %scan3A_113, %scan3A_114 : i32
    %scan3A_116 = arith.constant 1 : i32
    scf.for %scan3A_245 = %scan3A_113 to %scan3A_115 step %scan3A_116  : i32 {
      %mul3A_246 = arith.constant 1 : i32
      %mul3A_247 = arith.muli %scan3A_245, %mul3A_246 : i32
      %add3A_248 = arith.constant 0 : i32
      %add3A_249 = arith.addi %add3A_248, %mul3A_247 : i32
      "tpu.region"() ({
        %run_scoped3A = tpu.sem_alloc : memref<!tpu.dma_semaphore, #tpu.memory_space<semaphore_mem>>
        %dma_start3A_250 = arith.constant 0 : i32
        %dma_start3A_251 = tpu.memref_slice %arg8[%add3A_249, %dma_start3A_250] : memref<16x128xi32, #tpu.memory_space<vmem>> -> memref<1x128xi32, #tpu.memory_space<vmem>>
        %dma_start3A_252 = tpu.memref_squeeze %dma_start3A_251 : memref<1x128xi32, #tpu.memory_space<vmem>> -> memref<128xi32, #tpu.memory_space<vmem>>
        %dma_start3A_253 = arith.constant 0 : i32
        %dma_start3A_254 = arith.constant 0 : i32
        %dma_start3A_255 = tpu.memref_slice %arg2[%dma_start3A_253, %dma_start3A_254] : memref<10240x128xf32, #tpu.memory_space<hbm>> -> memref<10240x128xf32, #tpu.memory_space<hbm>>
        tpu.enqueue_indirect_dma source(%dma_start3A_255 : memref<10240x128xf32, #tpu.memory_space<hbm>>) target(%arg11 : memref<128x128xf32, #tpu.memory_space<vmem>>) offsets(%dma_start3A_252 : memref<128xi32, #tpu.memory_space<vmem>>) semaphore(%run_scoped3A : memref<!tpu.dma_semaphore, #tpu.memory_space<semaphore_mem>>)
        %dma_wait3A_256 = arith.constant 0 : i32
        %dma_wait3A_257 = tpu.memref_slice %arg8[%add3A_249, %dma_wait3A_256] : memref<16x128xi32, #tpu.memory_space<vmem>> -> memref<1x128xi32, #tpu.memory_space<vmem>>
        %dma_wait3A_258 = tpu.memref_squeeze %dma_wait3A_257 : memref<1x128xi32, #tpu.memory_space<vmem>> -> memref<128xi32, #tpu.memory_space<vmem>>
        %dma_wait3A_259 = arith.constant 0 : i32
        %dma_wait3A_260 = arith.constant 0 : i32
        %dma_wait3A_261 = tpu.memref_slice %arg2[%dma_wait3A_259, %dma_wait3A_260] : memref<10240x128xf32, #tpu.memory_space<hbm>> -> memref<10240x128xf32, #tpu.memory_space<hbm>>
        tpu.wait_indirect_dma semaphore(%run_scoped3A : memref<!tpu.dma_semaphore, #tpu.memory_space<semaphore_mem>>) src(%dma_wait3A_261 : memref<10240x128xf32, #tpu.memory_space<hbm>>) dst(%arg11 : memref<128x128xf32, #tpu.memory_space<vmem>>)
        tpu.yield
      }) : () -> ()
      "tpu.region"() ({
        %run_scoped3A = tpu.sem_alloc : memref<!tpu.dma_semaphore, #tpu.memory_space<semaphore_mem>>
        %dma_start3A_250 = arith.constant 0 : i32
        %dma_start3A_251 = tpu.memref_slice %arg10[%add3A_249, %dma_start3A_250] : memref<16x128xi32, #tpu.memory_space<vmem>> -> memref<1x128xi32, #tpu.memory_space<vmem>>
        %dma_start3A_252 = tpu.memref_squeeze %dma_start3A_251 : memref<1x128xi32, #tpu.memory_space<vmem>> -> memref<128xi32, #tpu.memory_space<vmem>>
        %dma_start3A_253 = arith.constant 0 : i32
        %dma_start3A_254 = arith.constant 0 : i32
        %dma_start3A_255 = tpu.memref_slice %arg12[%dma_start3A_253, %dma_start3A_254] : memref<10240x128xf32, #tpu.memory_space<vmem_shared>> -> memref<10240x128xf32, #tpu.memory_space<vmem_shared>>
        tpu.enqueue_indirect_dma source(%arg11 : memref<128x128xf32, #tpu.memory_space<vmem>>) target(%dma_start3A_255 : memref<10240x128xf32, #tpu.memory_space<vmem_shared>>) offsets(%dma_start3A_252 : memref<128xi32, #tpu.memory_space<vmem>>) semaphore(%run_scoped3A : memref<!tpu.dma_semaphore, #tpu.memory_space<semaphore_mem>>) {add = true}
        %dma_wait3A_256 = arith.constant 0 : i32
        %dma_wait3A_257 = tpu.memref_slice %arg10[%add3A_249, %dma_wait3A_256] : memref<16x128xi32, #tpu.memory_space<vmem>> -> memref<1x128xi32, #tpu.memory_space<vmem>>
        %dma_wait3A_258 = tpu.memref_squeeze %dma_wait3A_257 : memref<1x128xi32, #tpu.memory_space<vmem>> -> memref<128xi32, #tpu.memory_space<vmem>>
        %dma_wait3A_259 = arith.constant 0 : i32
        %dma_wait3A_260 = arith.constant 0 : i32
        %dma_wait3A_261 = tpu.memref_slice %arg12[%dma_wait3A_259, %dma_wait3A_260] : memref<10240x128xf32, #tpu.memory_space<vmem_shared>> -> memref<10240x128xf32, #tpu.memory_space<vmem_shared>>
        tpu.wait_indirect_dma semaphore(%run_scoped3A : memref<!tpu.dma_semaphore, #tpu.memory_space<semaphore_mem>>) src(%arg11 : memref<128x128xf32, #tpu.memory_space<vmem>>) dst(%dma_wait3A_261 : memref<10240x128xf32, #tpu.memory_space<vmem_shared>>)
        tpu.yield
      }) : () -> ()
    }
    %scan3A_117 = arith.constant 16 : i32
    %dma_wait3A_118 = arith.constant 0 : i32
    %dma_wait3A_119 = arith.constant 0 : i32
    %dma_wait3A_120 = tpu.memref_slice %arg3[%add3A_90, %dma_wait3A_118, %dma_wait3A_119] : memref<160x16x128xi32, #tpu.memory_space<hbm>> -> memref<1x16x128xi32, #tpu.memory_space<hbm>>
    %dma_wait3A_121 = tpu.memref_squeeze %dma_wait3A_120 : memref<1x16x128xi32, #tpu.memory_space<hbm>> -> memref<16x128xi32, #tpu.memory_space<hbm>>
    %dma_wait3A_122 = arith.constant 0 : i32
    %dma_wait3A_123 = arith.constant 0 : i32
    %dma_wait3A_124 = tpu.memref_slice %arg3[%add3A_90, %dma_wait3A_122, %dma_wait3A_123] : memref<160x16x128xi32, #tpu.memory_space<hbm>> -> memref<1x16x128xi32, #tpu.memory_space<hbm>>
    %dma_wait3A_125 = tpu.memref_squeeze %dma_wait3A_124 : memref<1x16x128xi32, #tpu.memory_space<hbm>> -> memref<16x128xi32, #tpu.memory_space<hbm>>
    tpu.wait_dma2 semaphore(%arg13 : memref<!tpu.dma_semaphore, #tpu.memory_space<semaphore_mem>>) src(%dma_wait3A_125 : memref<16x128xi32, #tpu.memory_space<hbm>>) dst(%arg7 : memref<16x128xi32, #tpu.memory_space<vmem>>)
    %dma_wait3A_126 = arith.constant 0 : i32
    %dma_wait3A_127 = arith.constant 0 : i32
    %dma_wait3A_128 = tpu.memref_slice %arg4[%add3A_104, %dma_wait3A_126, %dma_wait3A_127] : memref<160x16x128xi32, #tpu.memory_space<hbm>> -> memref<1x16x128xi32, #tpu.memory_space<hbm>>
    %dma_wait3A_129 = tpu.memref_squeeze %dma_wait3A_128 : memref<1x16x128xi32, #tpu.memory_space<hbm>> -> memref<16x128xi32, #tpu.memory_space<hbm>>
    %dma_wait3A_130 = arith.constant 0 : i32
    %dma_wait3A_131 = arith.constant 0 : i32
    %dma_wait3A_132 = tpu.memref_slice %arg4[%add3A_104, %dma_wait3A_130, %dma_wait3A_131] : memref<160x16x128xi32, #tpu.memory_space<hbm>> -> memref<1x16x128xi32, #tpu.memory_space<hbm>>
    %dma_wait3A_133 = tpu.memref_squeeze %dma_wait3A_132 : memref<1x16x128xi32, #tpu.memory_space<hbm>> -> memref<16x128xi32, #tpu.memory_space<hbm>>
    tpu.wait_dma2 semaphore(%arg13 : memref<!tpu.dma_semaphore, #tpu.memory_space<semaphore_mem>>) src(%dma_wait3A_133 : memref<16x128xi32, #tpu.memory_space<hbm>>) dst(%arg9 : memref<16x128xi32, #tpu.memory_space<vmem>>)
    %mul3A_134 = arith.constant 5 : i32
    %mul3A_135 = arith.muli %add3A, %mul3A_134 : i32
    %add3A_136 = arith.constant 2 : i32
    %add3A_137 = arith.addi %mul3A_135, %add3A_136 : i32
    %add3A_138 = arith.constant 1 : i32
    %add3A_139 = arith.addi %add3A_137, %add3A_138 : i32
    %dma_start3A_140 = arith.constant 0 : i32
    %dma_start3A_141 = arith.constant 0 : i32
    %dma_start3A_142 = tpu.memref_slice %arg3[%add3A_139, %dma_start3A_140, %dma_start3A_141] : memref<160x16x128xi32, #tpu.memory_space<hbm>> -> memref<1x16x128xi32, #tpu.memory_space<hbm>>
    %dma_start3A_143 = tpu.memref_squeeze %dma_start3A_142 : memref<1x16x128xi32, #tpu.memory_space<hbm>> -> memref<16x128xi32, #tpu.memory_space<hbm>>
    %dma_start3A_144 = arith.constant 0 : i32
    %dma_start3A_145 = arith.constant 0 : i32
    %dma_start3A_146 = tpu.memref_slice %arg3[%add3A_139, %dma_start3A_144, %dma_start3A_145] : memref<160x16x128xi32, #tpu.memory_space<hbm>> -> memref<1x16x128xi32, #tpu.memory_space<hbm>>
    %dma_start3A_147 = tpu.memref_squeeze %dma_start3A_146 : memref<1x16x128xi32, #tpu.memory_space<hbm>> -> memref<16x128xi32, #tpu.memory_space<hbm>>
    tpu.enqueue_dma source(%dma_start3A_147 : memref<16x128xi32, #tpu.memory_space<hbm>>) target(%arg8 : memref<16x128xi32, #tpu.memory_space<vmem>>) target_semaphore(%arg13 : memref<!tpu.dma_semaphore, #tpu.memory_space<semaphore_mem>>)
    %mul3A_148 = arith.constant 5 : i32
    %mul3A_149 = arith.muli %add3A, %mul3A_148 : i32
    %add3A_150 = arith.constant 2 : i32
    %add3A_151 = arith.addi %mul3A_149, %add3A_150 : i32
    %add3A_152 = arith.constant 1 : i32
    %add3A_153 = arith.addi %add3A_151, %add3A_152 : i32
    %dma_start3A_154 = arith.constant 0 : i32
    %dma_start3A_155 = arith.constant 0 : i32
    %dma_start3A_156 = tpu.memref_slice %arg4[%add3A_153, %dma_start3A_154, %dma_start3A_155] : memref<160x16x128xi32, #tpu.memory_space<hbm>> -> memref<1x16x128xi32, #tpu.memory_space<hbm>>
    %dma_start3A_157 = tpu.memref_squeeze %dma_start3A_156 : memref<1x16x128xi32, #tpu.memory_space<hbm>> -> memref<16x128xi32, #tpu.memory_space<hbm>>
    %dma_start3A_158 = arith.constant 0 : i32
    %dma_start3A_159 = arith.constant 0 : i32
    %dma_start3A_160 = tpu.memref_slice %arg4[%add3A_153, %dma_start3A_158, %dma_start3A_159] : memref<160x16x128xi32, #tpu.memory_space<hbm>> -> memref<1x16x128xi32, #tpu.memory_space<hbm>>
    %dma_start3A_161 = tpu.memref_squeeze %dma_start3A_160 : memref<1x16x128xi32, #tpu.memory_space<hbm>> -> memref<16x128xi32, #tpu.memory_space<hbm>>
    tpu.enqueue_dma source(%dma_start3A_161 : memref<16x128xi32, #tpu.memory_space<hbm>>) target(%arg10 : memref<16x128xi32, #tpu.memory_space<vmem>>) target_semaphore(%arg13 : memref<!tpu.dma_semaphore, #tpu.memory_space<semaphore_mem>>)
    %scan3A_162 = arith.constant 0 : i32
    %scan3A_163 = arith.constant 16 : i32
    %scan3A_164 = arith.addi %scan3A_162, %scan3A_163 : i32
    %scan3A_165 = arith.constant 1 : i32
    scf.for %scan3A_245 = %scan3A_162 to %scan3A_164 step %scan3A_165  : i32 {
      %mul3A_246 = arith.constant 1 : i32
      %mul3A_247 = arith.muli %scan3A_245, %mul3A_246 : i32
      %add3A_248 = arith.constant 0 : i32
      %add3A_249 = arith.addi %add3A_248, %mul3A_247 : i32
      "tpu.region"() ({
        %run_scoped3A = tpu.sem_alloc : memref<!tpu.dma_semaphore, #tpu.memory_space<semaphore_mem>>
        %dma_start3A_250 = arith.constant 0 : i32
        %dma_start3A_251 = tpu.memref_slice %arg7[%add3A_249, %dma_start3A_250] : memref<16x128xi32, #tpu.memory_space<vmem>> -> memref<1x128xi32, #tpu.memory_space<vmem>>
        %dma_start3A_252 = tpu.memref_squeeze %dma_start3A_251 : memref<1x128xi32, #tpu.memory_space<vmem>> -> memref<128xi32, #tpu.memory_space<vmem>>
        %dma_start3A_253 = arith.constant 0 : i32
        %dma_start3A_254 = arith.constant 0 : i32
        %dma_start3A_255 = tpu.memref_slice %arg2[%dma_start3A_253, %dma_start3A_254] : memref<10240x128xf32, #tpu.memory_space<hbm>> -> memref<10240x128xf32, #tpu.memory_space<hbm>>
        tpu.enqueue_indirect_dma source(%dma_start3A_255 : memref<10240x128xf32, #tpu.memory_space<hbm>>) target(%arg11 : memref<128x128xf32, #tpu.memory_space<vmem>>) offsets(%dma_start3A_252 : memref<128xi32, #tpu.memory_space<vmem>>) semaphore(%run_scoped3A : memref<!tpu.dma_semaphore, #tpu.memory_space<semaphore_mem>>)
        %dma_wait3A_256 = arith.constant 0 : i32
        %dma_wait3A_257 = tpu.memref_slice %arg7[%add3A_249, %dma_wait3A_256] : memref<16x128xi32, #tpu.memory_space<vmem>> -> memref<1x128xi32, #tpu.memory_space<vmem>>
        %dma_wait3A_258 = tpu.memref_squeeze %dma_wait3A_257 : memref<1x128xi32, #tpu.memory_space<vmem>> -> memref<128xi32, #tpu.memory_space<vmem>>
        %dma_wait3A_259 = arith.constant 0 : i32
        %dma_wait3A_260 = arith.constant 0 : i32
        %dma_wait3A_261 = tpu.memref_slice %arg2[%dma_wait3A_259, %dma_wait3A_260] : memref<10240x128xf32, #tpu.memory_space<hbm>> -> memref<10240x128xf32, #tpu.memory_space<hbm>>
        tpu.wait_indirect_dma semaphore(%run_scoped3A : memref<!tpu.dma_semaphore, #tpu.memory_space<semaphore_mem>>) src(%dma_wait3A_261 : memref<10240x128xf32, #tpu.memory_space<hbm>>) dst(%arg11 : memref<128x128xf32, #tpu.memory_space<vmem>>)
        tpu.yield
      }) : () -> ()
      "tpu.region"() ({
        %run_scoped3A = tpu.sem_alloc : memref<!tpu.dma_semaphore, #tpu.memory_space<semaphore_mem>>
        %dma_start3A_250 = arith.constant 0 : i32
        %dma_start3A_251 = tpu.memref_slice %arg9[%add3A_249, %dma_start3A_250] : memref<16x128xi32, #tpu.memory_space<vmem>> -> memref<1x128xi32, #tpu.memory_space<vmem>>
        %dma_start3A_252 = tpu.memref_squeeze %dma_start3A_251 : memref<1x128xi32, #tpu.memory_space<vmem>> -> memref<128xi32, #tpu.memory_space<vmem>>
        %dma_start3A_253 = arith.constant 0 : i32
        %dma_start3A_254 = arith.constant 0 : i32
        %dma_start3A_255 = tpu.memref_slice %arg12[%dma_start3A_253, %dma_start3A_254] : memref<10240x128xf32, #tpu.memory_space<vmem_shared>> -> memref<10240x128xf32, #tpu.memory_space<vmem_shared>>
        tpu.enqueue_indirect_dma source(%arg11 : memref<128x128xf32, #tpu.memory_space<vmem>>) target(%dma_start3A_255 : memref<10240x128xf32, #tpu.memory_space<vmem_shared>>) offsets(%dma_start3A_252 : memref<128xi32, #tpu.memory_space<vmem>>) semaphore(%run_scoped3A : memref<!tpu.dma_semaphore, #tpu.memory_space<semaphore_mem>>) {add = true}
        %dma_wait3A_256 = arith.constant 0 : i32
        %dma_wait3A_257 = tpu.memref_slice %arg9[%add3A_249, %dma_wait3A_256] : memref<16x128xi32, #tpu.memory_space<vmem>> -> memref<1x128xi32, #tpu.memory_space<vmem>>
        %dma_wait3A_258 = tpu.memref_squeeze %dma_wait3A_257 : memref<1x128xi32, #tpu.memory_space<vmem>> -> memref<128xi32, #tpu.memory_space<vmem>>
        %dma_wait3A_259 = arith.constant 0 : i32
        %dma_wait3A_260 = arith.constant 0 : i32
        %dma_wait3A_261 = tpu.memref_slice %arg12[%dma_wait3A_259, %dma_wait3A_260] : memref<10240x128xf32, #tpu.memory_space<vmem_shared>> -> memref<10240x128xf32, #tpu.memory_space<vmem_shared>>
        tpu.wait_indirect_dma semaphore(%run_scoped3A : memref<!tpu.dma_semaphore, #tpu.memory_space<semaphore_mem>>) src(%arg11 : memref<128x128xf32, #tpu.memory_space<vmem>>) dst(%dma_wait3A_261 : memref<10240x128xf32, #tpu.memory_space<vmem_shared>>)
        tpu.yield
      }) : () -> ()
    }
    %scan3A_166 = arith.constant 16 : i32
    %dma_wait3A_167 = arith.constant 0 : i32
    %dma_wait3A_168 = arith.constant 0 : i32
    %dma_wait3A_169 = tpu.memref_slice %arg3[%add3A_139, %dma_wait3A_167, %dma_wait3A_168] : memref<160x16x128xi32, #tpu.memory_space<hbm>> -> memref<1x16x128xi32, #tpu.memory_space<hbm>>
    %dma_wait3A_170 = tpu.memref_squeeze %dma_wait3A_169 : memref<1x16x128xi32, #tpu.memory_space<hbm>> -> memref<16x128xi32, #tpu.memory_space<hbm>>
    %dma_wait3A_171 = arith.constant 0 : i32
    %dma_wait3A_172 = arith.constant 0 : i32
    %dma_wait3A_173 = tpu.memref_slice %arg3[%add3A_139, %dma_wait3A_171, %dma_wait3A_172] : memref<160x16x128xi32, #tpu.memory_space<hbm>> -> memref<1x16x128xi32, #tpu.memory_space<hbm>>
    %dma_wait3A_174 = tpu.memref_squeeze %dma_wait3A_173 : memref<1x16x128xi32, #tpu.memory_space<hbm>> -> memref<16x128xi32, #tpu.memory_space<hbm>>
    tpu.wait_dma2 semaphore(%arg13 : memref<!tpu.dma_semaphore, #tpu.memory_space<semaphore_mem>>) src(%dma_wait3A_174 : memref<16x128xi32, #tpu.memory_space<hbm>>) dst(%arg8 : memref<16x128xi32, #tpu.memory_space<vmem>>)
    %dma_wait3A_175 = arith.constant 0 : i32
    %dma_wait3A_176 = arith.constant 0 : i32
    %dma_wait3A_177 = tpu.memref_slice %arg4[%add3A_153, %dma_wait3A_175, %dma_wait3A_176] : memref<160x16x128xi32, #tpu.memory_space<hbm>> -> memref<1x16x128xi32, #tpu.memory_space<hbm>>
    %dma_wait3A_178 = tpu.memref_squeeze %dma_wait3A_177 : memref<1x16x128xi32, #tpu.memory_space<hbm>> -> memref<16x128xi32, #tpu.memory_space<hbm>>
    %dma_wait3A_179 = arith.constant 0 : i32
    %dma_wait3A_180 = arith.constant 0 : i32
    %dma_wait3A_181 = tpu.memref_slice %arg4[%add3A_153, %dma_wait3A_179, %dma_wait3A_180] : memref<160x16x128xi32, #tpu.memory_space<hbm>> -> memref<1x16x128xi32, #tpu.memory_space<hbm>>
    %dma_wait3A_182 = tpu.memref_squeeze %dma_wait3A_181 : memref<1x16x128xi32, #tpu.memory_space<hbm>> -> memref<16x128xi32, #tpu.memory_space<hbm>>
    tpu.wait_dma2 semaphore(%arg13 : memref<!tpu.dma_semaphore, #tpu.memory_space<semaphore_mem>>) src(%dma_wait3A_182 : memref<16x128xi32, #tpu.memory_space<hbm>>) dst(%arg10 : memref<16x128xi32, #tpu.memory_space<vmem>>)
    %mul3A_183 = arith.constant 5 : i32
    %mul3A_184 = arith.muli %add3A, %mul3A_183 : i32
    %add3A_185 = arith.constant 3 : i32
    %add3A_186 = arith.addi %mul3A_184, %add3A_185 : i32
    %add3A_187 = arith.constant 1 : i32
    %add3A_188 = arith.addi %add3A_186, %add3A_187 : i32
    %dma_start3A_189 = arith.constant 0 : i32
    %dma_start3A_190 = arith.constant 0 : i32
    %dma_start3A_191 = tpu.memref_slice %arg3[%add3A_188, %dma_start3A_189, %dma_start3A_190] : memref<160x16x128xi32, #tpu.memory_space<hbm>> -> memref<1x16x128xi32, #tpu.memory_space<hbm>>
    %dma_start3A_192 = tpu.memref_squeeze %dma_start3A_191 : memref<1x16x128xi32, #tpu.memory_space<hbm>> -> memref<16x128xi32, #tpu.memory_space<hbm>>
    %dma_start3A_193 = arith.constant 0 : i32
    %dma_start3A_194 = arith.constant 0 : i32
    %dma_start3A_195 = tpu.memref_slice %arg3[%add3A_188, %dma_start3A_193, %dma_start3A_194] : memref<160x16x128xi32, #tpu.memory_space<hbm>> -> memref<1x16x128xi32, #tpu.memory_space<hbm>>
    %dma_start3A_196 = tpu.memref_squeeze %dma_start3A_195 : memref<1x16x128xi32, #tpu.memory_space<hbm>> -> memref<16x128xi32, #tpu.memory_space<hbm>>
    tpu.enqueue_dma source(%dma_start3A_196 : memref<16x128xi32, #tpu.memory_space<hbm>>) target(%arg7 : memref<16x128xi32, #tpu.memory_space<vmem>>) target_semaphore(%arg13 : memref<!tpu.dma_semaphore, #tpu.memory_space<semaphore_mem>>)
    %mul3A_197 = arith.constant 5 : i32
    %mul3A_198 = arith.muli %add3A, %mul3A_197 : i32
    %add3A_199 = arith.constant 3 : i32
    %add3A_200 = arith.addi %mul3A_198, %add3A_199 : i32
    %add3A_201 = arith.constant 1 : i32
    %add3A_202 = arith.addi %add3A_200, %add3A_201 : i32
    %dma_start3A_203 = arith.constant 0 : i32
    %dma_start3A_204 = arith.constant 0 : i32
    %dma_start3A_205 = tpu.memref_slice %arg4[%add3A_202, %dma_start3A_203, %dma_start3A_204] : memref<160x16x128xi32, #tpu.memory_space<hbm>> -> memref<1x16x128xi32, #tpu.memory_space<hbm>>
    %dma_start3A_206 = tpu.memref_squeeze %dma_start3A_205 : memref<1x16x128xi32, #tpu.memory_space<hbm>> -> memref<16x128xi32, #tpu.memory_space<hbm>>
    %dma_start3A_207 = arith.constant 0 : i32
    %dma_start3A_208 = arith.constant 0 : i32
    %dma_start3A_209 = tpu.memref_slice %arg4[%add3A_202, %dma_start3A_207, %dma_start3A_208] : memref<160x16x128xi32, #tpu.memory_space<hbm>> -> memref<1x16x128xi32, #tpu.memory_space<hbm>>
    %dma_start3A_210 = tpu.memref_squeeze %dma_start3A_209 : memref<1x16x128xi32, #tpu.memory_space<hbm>> -> memref<16x128xi32, #tpu.memory_space<hbm>>
    tpu.enqueue_dma source(%dma_start3A_210 : memref<16x128xi32, #tpu.memory_space<hbm>>) target(%arg9 : memref<16x128xi32, #tpu.memory_space<vmem>>) target_semaphore(%arg13 : memref<!tpu.dma_semaphore, #tpu.memory_space<semaphore_mem>>)
    %scan3A_211 = arith.constant 0 : i32
    %scan3A_212 = arith.constant 16 : i32
    %scan3A_213 = arith.addi %scan3A_211, %scan3A_212 : i32
    %scan3A_214 = arith.constant 1 : i32
    scf.for %scan3A_245 = %scan3A_211 to %scan3A_213 step %scan3A_214  : i32 {
      %mul3A_246 = arith.constant 1 : i32
      %mul3A_247 = arith.muli %scan3A_245, %mul3A_246 : i32
      %add3A_248 = arith.constant 0 : i32
      %add3A_249 = arith.addi %add3A_248, %mul3A_247 : i32
      "tpu.region"() ({
        %run_scoped3A = tpu.sem_alloc : memref<!tpu.dma_semaphore, #tpu.memory_space<semaphore_mem>>
        %dma_start3A_250 = arith.constant 0 : i32
        %dma_start3A_251 = tpu.memref_slice %arg8[%add3A_249, %dma_start3A_250] : memref<16x128xi32, #tpu.memory_space<vmem>> -> memref<1x128xi32, #tpu.memory_space<vmem>>
        %dma_start3A_252 = tpu.memref_squeeze %dma_start3A_251 : memref<1x128xi32, #tpu.memory_space<vmem>> -> memref<128xi32, #tpu.memory_space<vmem>>
        %dma_start3A_253 = arith.constant 0 : i32
        %dma_start3A_254 = arith.constant 0 : i32
        %dma_start3A_255 = tpu.memref_slice %arg2[%dma_start3A_253, %dma_start3A_254] : memref<10240x128xf32, #tpu.memory_space<hbm>> -> memref<10240x128xf32, #tpu.memory_space<hbm>>
        tpu.enqueue_indirect_dma source(%dma_start3A_255 : memref<10240x128xf32, #tpu.memory_space<hbm>>) target(%arg11 : memref<128x128xf32, #tpu.memory_space<vmem>>) offsets(%dma_start3A_252 : memref<128xi32, #tpu.memory_space<vmem>>) semaphore(%run_scoped3A : memref<!tpu.dma_semaphore, #tpu.memory_space<semaphore_mem>>)
        %dma_wait3A_256 = arith.constant 0 : i32
        %dma_wait3A_257 = tpu.memref_slice %arg8[%add3A_249, %dma_wait3A_256] : memref<16x128xi32, #tpu.memory_space<vmem>> -> memref<1x128xi32, #tpu.memory_space<vmem>>
        %dma_wait3A_258 = tpu.memref_squeeze %dma_wait3A_257 : memref<1x128xi32, #tpu.memory_space<vmem>> -> memref<128xi32, #tpu.memory_space<vmem>>
        %dma_wait3A_259 = arith.constant 0 : i32
        %dma_wait3A_260 = arith.constant 0 : i32
        %dma_wait3A_261 = tpu.memref_slice %arg2[%dma_wait3A_259, %dma_wait3A_260] : memref<10240x128xf32, #tpu.memory_space<hbm>> -> memref<10240x128xf32, #tpu.memory_space<hbm>>
        tpu.wait_indirect_dma semaphore(%run_scoped3A : memref<!tpu.dma_semaphore, #tpu.memory_space<semaphore_mem>>) src(%dma_wait3A_261 : memref<10240x128xf32, #tpu.memory_space<hbm>>) dst(%arg11 : memref<128x128xf32, #tpu.memory_space<vmem>>)
        tpu.yield
      }) : () -> ()
      "tpu.region"() ({
        %run_scoped3A = tpu.sem_alloc : memref<!tpu.dma_semaphore, #tpu.memory_space<semaphore_mem>>
        %dma_start3A_250 = arith.constant 0 : i32
        %dma_start3A_251 = tpu.memref_slice %arg10[%add3A_249, %dma_start3A_250] : memref<16x128xi32, #tpu.memory_space<vmem>> -> memref<1x128xi32, #tpu.memory_space<vmem>>
        %dma_start3A_252 = tpu.memref_squeeze %dma_start3A_251 : memref<1x128xi32, #tpu.memory_space<vmem>> -> memref<128xi32, #tpu.memory_space<vmem>>
        %dma_start3A_253 = arith.constant 0 : i32
        %dma_start3A_254 = arith.constant 0 : i32
        %dma_start3A_255 = tpu.memref_slice %arg12[%dma_start3A_253, %dma_start3A_254] : memref<10240x128xf32, #tpu.memory_space<vmem_shared>> -> memref<10240x128xf32, #tpu.memory_space<vmem_shared>>
        tpu.enqueue_indirect_dma source(%arg11 : memref<128x128xf32, #tpu.memory_space<vmem>>) target(%dma_start3A_255 : memref<10240x128xf32, #tpu.memory_space<vmem_shared>>) offsets(%dma_start3A_252 : memref<128xi32, #tpu.memory_space<vmem>>) semaphore(%run_scoped3A : memref<!tpu.dma_semaphore, #tpu.memory_space<semaphore_mem>>) {add = true}
        %dma_wait3A_256 = arith.constant 0 : i32
        %dma_wait3A_257 = tpu.memref_slice %arg10[%add3A_249, %dma_wait3A_256] : memref<16x128xi32, #tpu.memory_space<vmem>> -> memref<1x128xi32, #tpu.memory_space<vmem>>
        %dma_wait3A_258 = tpu.memref_squeeze %dma_wait3A_257 : memref<1x128xi32, #tpu.memory_space<vmem>> -> memref<128xi32, #tpu.memory_space<vmem>>
        %dma_wait3A_259 = arith.constant 0 : i32
        %dma_wait3A_260 = arith.constant 0 : i32
        %dma_wait3A_261 = tpu.memref_slice %arg12[%dma_wait3A_259, %dma_wait3A_260] : memref<10240x128xf32, #tpu.memory_space<vmem_shared>> -> memref<10240x128xf32, #tpu.memory_space<vmem_shared>>
        tpu.wait_indirect_dma semaphore(%run_scoped3A : memref<!tpu.dma_semaphore, #tpu.memory_space<semaphore_mem>>) src(%arg11 : memref<128x128xf32, #tpu.memory_space<vmem>>) dst(%dma_wait3A_261 : memref<10240x128xf32, #tpu.memory_space<vmem_shared>>)
        tpu.yield
      }) : () -> ()
    }
    %scan3A_215 = arith.constant 16 : i32
    %dma_wait3A_216 = arith.constant 0 : i32
    %dma_wait3A_217 = arith.constant 0 : i32
    %dma_wait3A_218 = tpu.memref_slice %arg3[%add3A_188, %dma_wait3A_216, %dma_wait3A_217] : memref<160x16x128xi32, #tpu.memory_space<hbm>> -> memref<1x16x128xi32, #tpu.memory_space<hbm>>
    %dma_wait3A_219 = tpu.memref_squeeze %dma_wait3A_218 : memref<1x16x128xi32, #tpu.memory_space<hbm>> -> memref<16x128xi32, #tpu.memory_space<hbm>>
    %dma_wait3A_220 = arith.constant 0 : i32
    %dma_wait3A_221 = arith.constant 0 : i32
    %dma_wait3A_222 = tpu.memref_slice %arg3[%add3A_188, %dma_wait3A_220, %dma_wait3A_221] : memref<160x16x128xi32, #tpu.memory_space<hbm>> -> memref<1x16x128xi32, #tpu.memory_space<hbm>>
    %dma_wait3A_223 = tpu.memref_squeeze %dma_wait3A_222 : memref<1x16x128xi32, #tpu.memory_space<hbm>> -> memref<16x128xi32, #tpu.memory_space<hbm>>
    tpu.wait_dma2 semaphore(%arg13 : memref<!tpu.dma_semaphore, #tpu.memory_space<semaphore_mem>>) src(%dma_wait3A_223 : memref<16x128xi32, #tpu.memory_space<hbm>>) dst(%arg7 : memref<16x128xi32, #tpu.memory_space<vmem>>)
    %dma_wait3A_224 = arith.constant 0 : i32
    %dma_wait3A_225 = arith.constant 0 : i32
    %dma_wait3A_226 = tpu.memref_slice %arg4[%add3A_202, %dma_wait3A_224, %dma_wait3A_225] : memref<160x16x128xi32, #tpu.memory_space<hbm>> -> memref<1x16x128xi32, #tpu.memory_space<hbm>>
    %dma_wait3A_227 = tpu.memref_squeeze %dma_wait3A_226 : memref<1x16x128xi32, #tpu.memory_space<hbm>> -> memref<16x128xi32, #tpu.memory_space<hbm>>
    %dma_wait3A_228 = arith.constant 0 : i32
    %dma_wait3A_229 = arith.constant 0 : i32
    %dma_wait3A_230 = tpu.memref_slice %arg4[%add3A_202, %dma_wait3A_228, %dma_wait3A_229] : memref<160x16x128xi32, #tpu.memory_space<hbm>> -> memref<1x16x128xi32, #tpu.memory_space<hbm>>
    %dma_wait3A_231 = tpu.memref_squeeze %dma_wait3A_230 : memref<1x16x128xi32, #tpu.memory_space<hbm>> -> memref<16x128xi32, #tpu.memory_space<hbm>>
    tpu.wait_dma2 semaphore(%arg13 : memref<!tpu.dma_semaphore, #tpu.memory_space<semaphore_mem>>) src(%dma_wait3A_231 : memref<16x128xi32, #tpu.memory_space<hbm>>) dst(%arg9 : memref<16x128xi32, #tpu.memory_space<vmem>>)
    %scan3A_232 = arith.constant 0 : i32
    %scan3A_233 = arith.constant 16 : i32
    %scan3A_234 = arith.addi %scan3A_232, %scan3A_233 : i32
    %scan3A_235 = arith.constant 1 : i32
    scf.for %scan3A_245 = %scan3A_232 to %scan3A_234 step %scan3A_235  : i32 {
      %mul3A_246 = arith.constant 1 : i32
      %mul3A_247 = arith.muli %scan3A_245, %mul3A_246 : i32
      %add3A_248 = arith.constant 0 : i32
      %add3A_249 = arith.addi %add3A_248, %mul3A_247 : i32
      "tpu.region"() ({
        %run_scoped3A = tpu.sem_alloc : memref<!tpu.dma_semaphore, #tpu.memory_space<semaphore_mem>>
        %dma_start3A_250 = arith.constant 0 : i32
        %dma_start3A_251 = tpu.memref_slice %arg7[%add3A_249, %dma_start3A_250] : memref<16x128xi32, #tpu.memory_space<vmem>> -> memref<1x128xi32, #tpu.memory_space<vmem>>
        %dma_start3A_252 = tpu.memref_squeeze %dma_start3A_251 : memref<1x128xi32, #tpu.memory_space<vmem>> -> memref<128xi32, #tpu.memory_space<vmem>>
        %dma_start3A_253 = arith.constant 0 : i32
        %dma_start3A_254 = arith.constant 0 : i32
        %dma_start3A_255 = tpu.memref_slice %arg2[%dma_start3A_253, %dma_start3A_254] : memref<10240x128xf32, #tpu.memory_space<hbm>> -> memref<10240x128xf32, #tpu.memory_space<hbm>>
        tpu.enqueue_indirect_dma source(%dma_start3A_255 : memref<10240x128xf32, #tpu.memory_space<hbm>>) target(%arg11 : memref<128x128xf32, #tpu.memory_space<vmem>>) offsets(%dma_start3A_252 : memref<128xi32, #tpu.memory_space<vmem>>) semaphore(%run_scoped3A : memref<!tpu.dma_semaphore, #tpu.memory_space<semaphore_mem>>)
        %dma_wait3A_256 = arith.constant 0 : i32
        %dma_wait3A_257 = tpu.memref_slice %arg7[%add3A_249, %dma_wait3A_256] : memref<16x128xi32, #tpu.memory_space<vmem>> -> memref<1x128xi32, #tpu.memory_space<vmem>>
        %dma_wait3A_258 = tpu.memref_squeeze %dma_wait3A_257 : memref<1x128xi32, #tpu.memory_space<vmem>> -> memref<128xi32, #tpu.memory_space<vmem>>
        %dma_wait3A_259 = arith.constant 0 : i32
        %dma_wait3A_260 = arith.constant 0 : i32
        %dma_wait3A_261 = tpu.memref_slice %arg2[%dma_wait3A_259, %dma_wait3A_260] : memref<10240x128xf32, #tpu.memory_space<hbm>> -> memref<10240x128xf32, #tpu.memory_space<hbm>>
        tpu.wait_indirect_dma semaphore(%run_scoped3A : memref<!tpu.dma_semaphore, #tpu.memory_space<semaphore_mem>>) src(%dma_wait3A_261 : memref<10240x128xf32, #tpu.memory_space<hbm>>) dst(%arg11 : memref<128x128xf32, #tpu.memory_space<vmem>>)
        tpu.yield
      }) : () -> ()
      "tpu.region"() ({
        %run_scoped3A = tpu.sem_alloc : memref<!tpu.dma_semaphore, #tpu.memory_space<semaphore_mem>>
        %dma_start3A_250 = arith.constant 0 : i32
        %dma_start3A_251 = tpu.memref_slice %arg9[%add3A_249, %dma_start3A_250] : memref<16x128xi32, #tpu.memory_space<vmem>> -> memref<1x128xi32, #tpu.memory_space<vmem>>
        %dma_start3A_252 = tpu.memref_squeeze %dma_start3A_251 : memref<1x128xi32, #tpu.memory_space<vmem>> -> memref<128xi32, #tpu.memory_space<vmem>>
        %dma_start3A_253 = arith.constant 0 : i32
        %dma_start3A_254 = arith.constant 0 : i32
        %dma_start3A_255 = tpu.memref_slice %arg12[%dma_start3A_253, %dma_start3A_254] : memref<10240x128xf32, #tpu.memory_space<vmem_shared>> -> memref<10240x128xf32, #tpu.memory_space<vmem_shared>>
        tpu.enqueue_indirect_dma source(%arg11 : memref<128x128xf32, #tpu.memory_space<vmem>>) target(%dma_start3A_255 : memref<10240x128xf32, #tpu.memory_space<vmem_shared>>) offsets(%dma_start3A_252 : memref<128xi32, #tpu.memory_space<vmem>>) semaphore(%run_scoped3A : memref<!tpu.dma_semaphore, #tpu.memory_space<semaphore_mem>>) {add = true}
        %dma_wait3A_256 = arith.constant 0 : i32
        %dma_wait3A_257 = tpu.memref_slice %arg9[%add3A_249, %dma_wait3A_256] : memref<16x128xi32, #tpu.memory_space<vmem>> -> memref<1x128xi32, #tpu.memory_space<vmem>>
        %dma_wait3A_258 = tpu.memref_squeeze %dma_wait3A_257 : memref<1x128xi32, #tpu.memory_space<vmem>> -> memref<128xi32, #tpu.memory_space<vmem>>
        %dma_wait3A_259 = arith.constant 0 : i32
        %dma_wait3A_260 = arith.constant 0 : i32
        %dma_wait3A_261 = tpu.memref_slice %arg12[%dma_wait3A_259, %dma_wait3A_260] : memref<10240x128xf32, #tpu.memory_space<vmem_shared>> -> memref<10240x128xf32, #tpu.memory_space<vmem_shared>>
        tpu.wait_indirect_dma semaphore(%run_scoped3A : memref<!tpu.dma_semaphore, #tpu.memory_space<semaphore_mem>>) src(%arg11 : memref<128x128xf32, #tpu.memory_space<vmem>>) dst(%dma_wait3A_261 : memref<10240x128xf32, #tpu.memory_space<vmem_shared>>)
        tpu.yield
      }) : () -> ()
    }
    %scan3A_236 = arith.constant 16 : i32
    %barrier3A_237 = arith.constant 0 : index
    tpu.barrier barrier_id(%barrier3A_237)
    %mul3A_238 = arith.constant 640 : i32
    %mul3A_239 = arith.muli %arg1, %mul3A_238 : i32
    %mul3A_240 = arith.constant 10240 : i32
    %mul3A_241 = arith.muli %arg0, %mul3A_240 : i32
    %mul3A_242 = arith.constant 640 : i32
    %mul3A_243 = arith.muli %arg1, %mul3A_242 : i32
    %add3A_244 = arith.addi %mul3A_241, %mul3A_243 : i32
    "tpu.region"() ({
      %run_scoped3A = tpu.sem_alloc : memref<!tpu.dma_semaphore, #tpu.memory_space<semaphore_mem>>
      %dma_start3A_245 = arith.constant 0 : i32
      %dma_start3A_246 = tpu.memref_slice %arg6[%add3A_244, %dma_start3A_245] : memref<20480x128xf32, #tpu.memory_space<hbm>> -> memref<640x128xf32, #tpu.memory_space<hbm>>
      %dma_start3A_247 = arith.constant 0 : i32
      %dma_start3A_248 = tpu.memref_slice %arg12[%mul3A_239, %dma_start3A_247] : memref<10240x128xf32, #tpu.memory_space<vmem_shared>> -> memref<640x128xf32, #tpu.memory_space<vmem_shared>>
      tpu.enqueue_dma source(%dma_start3A_248 : memref<640x128xf32, #tpu.memory_space<vmem_shared>>) target(%dma_start3A_246 : memref<640x128xf32, #tpu.memory_space<hbm>>) target_semaphore(%run_scoped3A : memref<!tpu.dma_semaphore, #tpu.memory_space<semaphore_mem>>)
      %dma_wait3A_249 = arith.constant 0 : i32
      %dma_wait3A_250 = tpu.memref_slice %arg6[%add3A_244, %dma_wait3A_249] : memref<20480x128xf32, #tpu.memory_space<hbm>> -> memref<640x128xf32, #tpu.memory_space<hbm>>
      %dma_wait3A_251 = arith.constant 0 : i32
      %dma_wait3A_252 = tpu.memref_slice %arg12[%mul3A_239, %dma_wait3A_251] : memref<10240x128xf32, #tpu.memory_space<vmem_shared>> -> memref<640x128xf32, #tpu.memory_space<vmem_shared>>
      tpu.wait_dma2 semaphore(%run_scoped3A : memref<!tpu.dma_semaphore, #tpu.memory_space<semaphore_mem>>) src(%dma_wait3A_252 : memref<640x128xf32, #tpu.memory_space<vmem_shared>>) dst(%dma_wait3A_250 : memref<640x128xf32, #tpu.memory_space<hbm>>)
      tpu.yield
    }) : () -> ()
    return
  }
}

module attributes {stable_mosaic.version = 14 : i64} {
  func.func @body(%arg0: i32, %arg1: memref<1280x128xf32, #tpu.memory_space<vmem>>, %arg2: memref<1280x16xf32, #tpu.memory_space<vmem>>, %arg3: memref<1280x16xf32, #tpu.memory_space<vmem>>, %arg4: memref<1280x128xf32, #tpu.memory_space<vmem>>, %arg5: memref<1280x1xf32, #tpu.memory_space<vmem>>) attributes {dimension_semantics = [#tpu.dimension_semantics<arbitrary>], iteration_bounds = array<i64: 8>, scalar_prefetch = 0 : i64, scratch_operands = 0 : i64, tpu.core_type = #tpu.core_type<tc>, window_params = [{transform_indices = @transform_0, window_bounds = array<i64: 1280, 128>}, {transform_indices = @transform_1, window_bounds = array<i64: 1280, 16>}, {transform_indices = @transform_2, window_bounds = array<i64: 1280, 16>}, {transform_indices = @transform_3, window_bounds = array<i64: 1280, 128>}, {transform_indices = @transform_4, window_bounds = array<i64: 1280, 1>}]} {
    %get3A = arith.constant 0 : index
    %get3A_0 = arith.constant 0 : index
    %get3A_1 = vector.load %arg2[%get3A, %get3A_0] : memref<1280x16xf32, #tpu.memory_space<vmem>>, vector<1280x1xf32>
    %add3A = arith.constant 1.000000e+00 : f32
    %add3A_2 = vector.broadcast %add3A : f32 to vector<1280x1xf32>
    %add3A_3 = arith.addf %add3A_2, %get3A_1 : vector<1280x1xf32>
    %get3A_4 = arith.constant 0 : index
    %get3A_5 = arith.constant 0 : index
    %get3A_6 = vector.load %arg3[%get3A_4, %get3A_5] : memref<1280x16xf32, #tpu.memory_space<vmem>>, vector<1280x1xf32>
    %add3A_7 = arith.addf %add3A_3, %get3A_6 : vector<1280x1xf32>
    %iota3A = tpu.iota {dimensions = array<i32: 0>} : vector<1280x1xi32>
    %mul3A = arith.constant 1280 : i32
    %mul3A_8 = arith.muli %arg0, %mul3A : i32
    %add3A_9 = vector.broadcast %mul3A_8 : i32 to vector<1280x1xi32>
    %add3A_10 = arith.addi %iota3A, %add3A_9 : vector<1280x1xi32>
    %lt3A = arith.constant 10000 : i32
    %lt3A_11 = vector.broadcast %lt3A : i32 to vector<1280x1xi32>
    %lt3A_12 = arith.cmpi slt, %add3A_10, %lt3A_11 : vector<1280x1xi32>
    %rsqrt3A = math.rsqrt %add3A_7 : vector<1280x1xf32>
    %jit3A = arith.constant 0.000000e+00 : f32
    %broadcast_in_dim3A = vector.broadcast %jit3A : f32 to vector<1280x1xf32>
    %select_n3A = arith.select %lt3A_12, %rsqrt3A, %broadcast_in_dim3A : vector<1280x1xi1>, vector<1280x1xf32>
    %swap3A = arith.constant 0 : index
    %swap3A_13 = arith.constant 0 : index
    %swap3A_14 = vector.load %arg5[%swap3A, %swap3A_13] : memref<1280x1xf32, #tpu.memory_space<vmem>>, vector<1280x1xf32>
    tpu.vector_store %arg5[%swap3A, %swap3A_13], %select_n3A {strides = array<i32>} : memref<1280x1xf32, #tpu.memory_space<vmem>>, vector<1280x1xf32>,
    %get3A_15 = arith.constant 0 : index
    %get3A_16 = arith.constant 0 : index
    %get3A_17 = vector.load %arg1[%get3A_15, %get3A_16] : memref<1280x128xf32, #tpu.memory_space<vmem>>, vector<1280x128xf32>
    %mul3A_18 = vector.broadcast %select_n3A : vector<1280x1xf32> to vector<1280x128xf32>
    %mul3A_19 = arith.mulf %get3A_17, %mul3A_18 : vector<1280x128xf32>
    %swap3A_20 = arith.constant 0 : index
    %swap3A_21 = arith.constant 0 : index
    %swap3A_22 = vector.load %arg4[%swap3A_20, %swap3A_21] : memref<1280x128xf32, #tpu.memory_space<vmem>>, vector<1280x128xf32>
    tpu.vector_store %arg4[%swap3A_20, %swap3A_21], %mul3A_19 {strides = array<i32>} : memref<1280x128xf32, #tpu.memory_space<vmem>>, vector<1280x128xf32>,
    return
  }
  func.func @transform_0(%arg0: i32) -> (i32, i32) {
    %c0_i32 = arith.constant 0 : i32
    %c0_i32_0 = arith.constant 0 : i32
    return %arg0, %c0_i32 : i32, i32
  }
  func.func @transform_1(%arg0: i32) -> (i32, i32) {
    %c0_i32 = arith.constant 0 : i32
    %c0_i32_0 = arith.constant 0 : i32
    return %arg0, %c0_i32 : i32, i32
  }
  func.func @transform_2(%arg0: i32) -> (i32, i32) {
    %c0_i32 = arith.constant 0 : i32
    %c0_i32_0 = arith.constant 0 : i32
    return %arg0, %c0_i32 : i32, i32
  }
  func.func @transform_3(%arg0: i32) -> (i32, i32) {
    %c0_i32 = arith.constant 0 : i32
    %c0_i32_0 = arith.constant 0 : i32
    return %arg0, %c0_i32 : i32, i32
  }
  func.func @transform_4(%arg0: i32) -> (i32, i32) {
    %c0_i32 = arith.constant 0 : i32
    %c0_i32_0 = arith.constant 0 : i32
    return %arg0, %c0_i32 : i32, i32
  }
}

module attributes {stable_mosaic.version = 14 : i64} {
  func.func @body(%arg0: i32, %arg1: memref<1x1280x128xf32, #tpu.memory_space<vmem>>, %arg2: memref<1x1280x128xf32, #tpu.memory_space<vmem>>, %arg3: memref<1280x128xf32, #tpu.memory_space<vmem>>, %arg4: memref<1280x1xf32, #tpu.memory_space<vmem>>, %arg5: memref<128x256xf32, #tpu.memory_space<vmem>>, %arg6: memref<1x256xf32, #tpu.memory_space<vmem>>, %arg7: memref<256x128xf32, #tpu.memory_space<vmem>>, %arg8: memref<1280x128xf32, #tpu.memory_space<vmem>>) attributes {dimension_semantics = [#tpu.dimension_semantics<arbitrary>], iteration_bounds = array<i64: 8>, scalar_prefetch = 0 : i64, scratch_operands = 0 : i64, tpu.core_type = #tpu.core_type<tc>, window_params = [{transform_indices = @transform_0, window_bounds = array<i64: 1, 1280, 128>}, {transform_indices = @transform_1, window_bounds = array<i64: 1, 1280, 128>}, {transform_indices = @transform_2, window_bounds = array<i64: 1280, 128>}, {transform_indices = @transform_3, window_bounds = array<i64: 1280, 1>}, {pipeline_mode = #tpu.pipeline_mode<synchronous>, transform_indices = @transform_4, window_bounds = array<i64: 128, 256>}, {pipeline_mode = #tpu.pipeline_mode<synchronous>, transform_indices = @transform_5, window_bounds = array<i64: 1, 256>}, {pipeline_mode = #tpu.pipeline_mode<synchronous>, transform_indices = @transform_6, window_bounds = array<i64: 256, 128>}, {transform_indices = @transform_7, window_bounds = array<i64: 1280, 128>}]} {
    %get3A = arith.constant 0 : index
    %get3A_0 = arith.constant 0 : index
    %get3A_1 = vector.load %arg4[%get3A, %get3A_0] : memref<1280x1xf32, #tpu.memory_space<vmem>>, vector<1280x1xf32>
    %get3A_2 = arith.constant 0 : index
    %get3A_3 = arith.constant 0 : index
    %get3A_4 = arith.constant 0 : index
    %get3A_5 = vector.load %arg1[%get3A_2, %get3A_3, %get3A_4] : memref<1x1280x128xf32, #tpu.memory_space<vmem>>, vector<1x1280x128xf32>
    %get3A_6 = vector.shape_cast %get3A_5 : vector<1x1280x128xf32> to vector<1280x128xf32>
    %get3A_7 = arith.constant 0 : index
    %get3A_8 = arith.constant 0 : index
    %get3A_9 = arith.constant 0 : index
    %get3A_10 = vector.load %arg2[%get3A_7, %get3A_8, %get3A_9] : memref<1x1280x128xf32, #tpu.memory_space<vmem>>, vector<1x1280x128xf32>
    %get3A_11 = vector.shape_cast %get3A_10 : vector<1x1280x128xf32> to vector<1280x128xf32>
    %add3A = arith.addf %get3A_6, %get3A_11 : vector<1280x128xf32>
    %get3A_12 = arith.constant 0 : index
    %get3A_13 = arith.constant 0 : index
    %get3A_14 = vector.load %arg3[%get3A_12, %get3A_13] : memref<1280x128xf32, #tpu.memory_space<vmem>>, vector<1280x128xf32>
    %add3A_15 = arith.addf %add3A, %get3A_14 : vector<1280x128xf32>
    %mul3A = vector.broadcast %get3A_1 : vector<1280x1xf32> to vector<1280x128xf32>
    %mul3A_16 = arith.mulf %add3A_15, %mul3A : vector<1280x128xf32>
    %get3A_17 = arith.constant 0 : index
    %get3A_18 = arith.constant 0 : index
    %get3A_19 = vector.load %arg5[%get3A_17, %get3A_18] : memref<128x256xf32, #tpu.memory_space<vmem>>, vector<128x256xf32>
    %dot_general3A = arith.constant dense<0.000000e+00> : vector<1280x256xf32>
    %dot_general3A_20 = tpu.matmul %mul3A_16, %get3A_19, %dot_general3A {dimension_numbers = #tpu.dot_dimension_numbers<[1], [0], [0], [1], [0, 0, 1, 1], [], []>, transpose_lhs_hint = false} : vector<1280x128xf32>, vector<128x256xf32>, vector<1280x256xf32> -> vector<1280x256xf32>
    %get3A_21 = arith.constant 0 : index
    %get3A_22 = arith.constant 0 : index
    %get3A_23 = vector.load %arg6[%get3A_21, %get3A_22] : memref<1x256xf32, #tpu.memory_space<vmem>>, vector<1x256xf32>
    %add3A_24 = vector.broadcast %get3A_23 : vector<1x256xf32> to vector<1280x256xf32>
    %add3A_25 = arith.addf %dot_general3A_20, %add3A_24 : vector<1280x256xf32>
    %max3A = arith.constant 0.000000e+00 : f32
    %max3A_26 = vector.broadcast %max3A : f32 to vector<1280x256xf32>
    %max3A_27 = arith.maximumf %add3A_25, %max3A_26 : vector<1280x256xf32>
    %get3A_28 = arith.constant 0 : index
    %get3A_29 = arith.constant 0 : index
    %get3A_30 = vector.load %arg7[%get3A_28, %get3A_29] : memref<256x128xf32, #tpu.memory_space<vmem>>, vector<256x128xf32>
    %dot_general3A_31 = arith.constant dense<0.000000e+00> : vector<1280x128xf32>
    %dot_general3A_32 = tpu.matmul %max3A_27, %get3A_30, %dot_general3A_31 {dimension_numbers = #tpu.dot_dimension_numbers<[1], [0], [0], [1], [0, 0, 1, 1], [], []>, transpose_lhs_hint = false} : vector<1280x256xf32>, vector<256x128xf32>, vector<1280x128xf32> -> vector<1280x128xf32>
    %mul3A_33 = vector.broadcast %get3A_1 : vector<1280x1xf32> to vector<1280x128xf32>
    %mul3A_34 = arith.mulf %dot_general3A_32, %mul3A_33 : vector<1280x128xf32>
    %swap3A = arith.constant 0 : index
    %swap3A_35 = arith.constant 0 : index
    %swap3A_36 = vector.load %arg8[%swap3A, %swap3A_35] : memref<1280x128xf32, #tpu.memory_space<vmem>>, vector<1280x128xf32>
    tpu.vector_store %arg8[%swap3A, %swap3A_35], %mul3A_34 {strides = array<i32>} : memref<1280x128xf32, #tpu.memory_space<vmem>>, vector<1280x128xf32>,
    return
  }
  func.func @transform_0(%arg0: i32) -> (i32, i32, i32) {
    %c0_i32 = arith.constant 0 : i32
    %c0_i32_0 = arith.constant 0 : i32
    %c0_i32_1 = arith.constant 0 : i32
    return %c0_i32, %arg0, %c0_i32_0 : i32, i32, i32
  }
  func.func @transform_1(%arg0: i32) -> (i32, i32, i32) {
    %c1_i32 = arith.constant 1 : i32
    %c0_i32 = arith.constant 0 : i32
    %c0_i32_0 = arith.constant 0 : i32
    return %c1_i32, %arg0, %c0_i32 : i32, i32, i32
  }
  func.func @transform_2(%arg0: i32) -> (i32, i32) {
    %c0_i32 = arith.constant 0 : i32
    %c0_i32_0 = arith.constant 0 : i32
    return %arg0, %c0_i32 : i32, i32
  }
  func.func @transform_3(%arg0: i32) -> (i32, i32) {
    %c0_i32 = arith.constant 0 : i32
    %c0_i32_0 = arith.constant 0 : i32
    return %arg0, %c0_i32 : i32, i32
  }
  func.func @transform_4(%arg0: i32) -> (i32, i32) {
    %c0_i32 = arith.constant 0 : i32
    %c0_i32_0 = arith.constant 0 : i32
    %c0_i32_1 = arith.constant 0 : i32
    return %c0_i32, %c0_i32_0 : i32, i32
  }
  func.func @transform_5(%arg0: i32) -> (i32, i32) {
    %c0_i32 = arith.constant 0 : i32
    %c0_i32_0 = arith.constant 0 : i32
    %c0_i32_1 = arith.constant 0 : i32
    return %c0_i32, %c0_i32_0 : i32, i32
  }
  func.func @transform_6(%arg0: i32) -> (i32, i32) {
    %c0_i32 = arith.constant 0 : i32
    %c0_i32_0 = arith.constant 0 : i32
    %c0_i32_1 = arith.constant 0 : i32
    return %c0_i32, %c0_i32_0 : i32, i32
  }
  func.func @transform_7(%arg0: i32) -> (i32, i32) {
    %c0_i32 = arith.constant 0 : i32
    %c0_i32_0 = arith.constant 0 : i32
    return %arg0, %c0_i32 : i32, i32
  }
}

module attributes {stable_mosaic.version = 14 : i64} {
  func.func @body(%arg0: i32, %arg1: memref<1x1280x128xf32, #tpu.memory_space<vmem>>, %arg2: memref<1x1280x128xf32, #tpu.memory_space<vmem>>, %arg3: memref<1280x128xf32, #tpu.memory_space<vmem>>, %arg4: memref<1280x1xf32, #tpu.memory_space<vmem>>, %arg5: memref<1x128xf32, #tpu.memory_space<vmem>>, %arg6: memref<128x1xf32, #tpu.memory_space<vmem>>, %arg7: memref<1x1xf32, #tpu.memory_space<vmem>>, %arg8: memref<1280x1xf32, #tpu.memory_space<vmem>>) attributes {dimension_semantics = [#tpu.dimension_semantics<arbitrary>], iteration_bounds = array<i64: 8>, scalar_prefetch = 0 : i64, scratch_operands = 0 : i64, tpu.core_type = #tpu.core_type<tc>, window_params = [{transform_indices = @transform_0, window_bounds = array<i64: 1, 1280, 128>}, {transform_indices = @transform_1, window_bounds = array<i64: 1, 1280, 128>}, {transform_indices = @transform_2, window_bounds = array<i64: 1280, 128>}, {transform_indices = @transform_3, window_bounds = array<i64: 1280, 1>}, {pipeline_mode = #tpu.pipeline_mode<synchronous>, transform_indices = @transform_4, window_bounds = array<i64: 1, 128>}, {pipeline_mode = #tpu.pipeline_mode<synchronous>, transform_indices = @transform_5, window_bounds = array<i64: 128, 1>}, {pipeline_mode = #tpu.pipeline_mode<synchronous>, transform_indices = @transform_6, window_bounds = array<i64: 1, 1>}, {transform_indices = @transform_7, window_bounds = array<i64: 1280, 1>}]} {
    %get3A = arith.constant 0 : index
    %get3A_0 = arith.constant 0 : index
    %get3A_1 = vector.load %arg4[%get3A, %get3A_0] : memref<1280x1xf32, #tpu.memory_space<vmem>>, vector<1280x1xf32>
    %get3A_2 = arith.constant 0 : index
    %get3A_3 = arith.constant 0 : index
    %get3A_4 = arith.constant 0 : index
    %get3A_5 = vector.load %arg1[%get3A_2, %get3A_3, %get3A_4] : memref<1x1280x128xf32, #tpu.memory_space<vmem>>, vector<1x1280x128xf32>
    %get3A_6 = vector.shape_cast %get3A_5 : vector<1x1280x128xf32> to vector<1280x128xf32>
    %get3A_7 = arith.constant 0 : index
    %get3A_8 = arith.constant 0 : index
    %get3A_9 = arith.constant 0 : index
    %get3A_10 = vector.load %arg2[%get3A_7, %get3A_8, %get3A_9] : memref<1x1280x128xf32, #tpu.memory_space<vmem>>, vector<1x1280x128xf32>
    %get3A_11 = vector.shape_cast %get3A_10 : vector<1x1280x128xf32> to vector<1280x128xf32>
    %add3A = arith.addf %get3A_6, %get3A_11 : vector<1280x128xf32>
    %get3A_12 = arith.constant 0 : index
    %get3A_13 = arith.constant 0 : index
    %get3A_14 = vector.load %arg3[%get3A_12, %get3A_13] : memref<1280x128xf32, #tpu.memory_space<vmem>>, vector<1280x128xf32>
    %add3A_15 = arith.addf %add3A, %get3A_14 : vector<1280x128xf32>
    %mul3A = vector.broadcast %get3A_1 : vector<1280x1xf32> to vector<1280x128xf32>
    %mul3A_16 = arith.mulf %add3A_15, %mul3A : vector<1280x128xf32>
    %get3A_17 = arith.constant 0 : index
    %get3A_18 = arith.constant 0 : index
    %get3A_19 = vector.load %arg5[%get3A_17, %get3A_18] : memref<1x128xf32, #tpu.memory_space<vmem>>, vector<1x128xf32>
    %add3A_20 = vector.broadcast %get3A_19 : vector<1x128xf32> to vector<1280x128xf32>
    %add3A_21 = arith.addf %mul3A_16, %add3A_20 : vector<1280x128xf32>
    %max3A = arith.constant 0.000000e+00 : f32
    %max3A_22 = vector.broadcast %max3A : f32 to vector<1280x128xf32>
    %max3A_23 = arith.maximumf %add3A_21, %max3A_22 : vector<1280x128xf32>
    %get3A_24 = arith.constant 0 : index
    %get3A_25 = arith.constant 0 : index
    %get3A_26 = vector.load %arg6[%get3A_24, %get3A_25] : memref<128x1xf32, #tpu.memory_space<vmem>>, vector<128x1xf32>
    %dot_general3A = arith.constant dense<0.000000e+00> : vector<1280x1xf32>
    %dot_general3A_27 = tpu.matmul %max3A_23, %get3A_26, %dot_general3A {dimension_numbers = #tpu.dot_dimension_numbers<[1], [0], [0], [1], [0, 0, 1, 1], [], []>, transpose_lhs_hint = false} : vector<1280x128xf32>, vector<128x1xf32>, vector<1280x1xf32> -> vector<1280x1xf32>
    %get3A_28 = arith.constant 0 : index
    %get3A_29 = arith.constant 0 : index
    %get3A_30 = vector.load %arg7[%get3A_28, %get3A_29] : memref<1x1xf32, #tpu.memory_space<vmem>>, vector<1x1xf32>
    %add3A_31 = vector.broadcast %get3A_30 : vector<1x1xf32> to vector<1280x1xf32>
    %add3A_32 = arith.addf %dot_general3A_27, %add3A_31 : vector<1280x1xf32>
    %swap3A = arith.constant 0 : index
    %swap3A_33 = arith.constant 0 : index
    %swap3A_34 = vector.load %arg8[%swap3A, %swap3A_33] : memref<1280x1xf32, #tpu.memory_space<vmem>>, vector<1280x1xf32>
    tpu.vector_store %arg8[%swap3A, %swap3A_33], %add3A_32 {strides = array<i32>} : memref<1280x1xf32, #tpu.memory_space<vmem>>, vector<1280x1xf32>,
    return
  }
  func.func @transform_0(%arg0: i32) -> (i32, i32, i32) {
    %c0_i32 = arith.constant 0 : i32
    %c0_i32_0 = arith.constant 0 : i32
    %c0_i32_1 = arith.constant 0 : i32
    return %c0_i32, %arg0, %c0_i32_0 : i32, i32, i32
  }
  func.func @transform_1(%arg0: i32) -> (i32, i32, i32) {
    %c1_i32 = arith.constant 1 : i32
    %c0_i32 = arith.constant 0 : i32
    %c0_i32_0 = arith.constant 0 : i32
    return %c1_i32, %arg0, %c0_i32 : i32, i32, i32
  }
  func.func @transform_2(%arg0: i32) -> (i32, i32) {
    %c0_i32 = arith.constant 0 : i32
    %c0_i32_0 = arith.constant 0 : i32
    return %arg0, %c0_i32 : i32, i32
  }
  func.func @transform_3(%arg0: i32) -> (i32, i32) {
    %c0_i32 = arith.constant 0 : i32
    %c0_i32_0 = arith.constant 0 : i32
    return %arg0, %c0_i32 : i32, i32
  }
  func.func @transform_4(%arg0: i32) -> (i32, i32) {
    %c0_i32 = arith.constant 0 : i32
    %c0_i32_0 = arith.constant 0 : i32
    %c0_i32_1 = arith.constant 0 : i32
    return %c0_i32, %c0_i32_0 : i32, i32
  }
  func.func @transform_5(%arg0: i32) -> (i32, i32) {
    %c0_i32 = arith.constant 0 : i32
    %c0_i32_0 = arith.constant 0 : i32
    %c0_i32_1 = arith.constant 0 : i32
    return %c0_i32, %c0_i32_0 : i32, i32
  }
  func.func @transform_6(%arg0: i32) -> (i32, i32) {
    %c0_i32 = arith.constant 0 : i32
    %c0_i32_0 = arith.constant 0 : i32
    %c0_i32_1 = arith.constant 0 : i32
    return %c0_i32, %c0_i32_0 : i32, i32
  }
  func.func @transform_7(%arg0: i32) -> (i32, i32) {
    %c0_i32 = arith.constant 0 : i32
    %c0_i32_0 = arith.constant 0 : i32
    return %arg0, %c0_i32 : i32, i32
  }
}

</mosaic_0001>

<sc_bundles>
// kernel: kernel.11.cloned.1.call-start
scs
__scs_entry_jumppad:
0x0: {  	(pc) =	sbr.rel $0x88, $3  }
0x1: {  	(tag) =	ssettag $0x0;
	lr =	simm.s32 $0x1  }
0x2: {  	[smem:$0x3F99] =	sst lr;
	_ =	strace $0xD0000000  }
0x3: {  	_ = 	snop  }
0x4: {  	_ = 	snop  }
0x5: {  	_ = 	snop  }
0x6: {  	_ = 	snop  }
0x7: {  	_ = 	snop  }
__scs_overlays_trampoline_lowered:
0x8: {  	[smem:$0x3FA8] =	sst s0  }
0x9: {  	[smem:$0x3FA9] =	sst s1  }
0xa: {  	[smem:$0x3FAA] =	sst s2  }
0xb: {  	[smem:$0x3FAB] =	sst s3  }
0xc: {  	[smem:$0x3FAC] =	sst s4  }
0xd: {  	[smem:$0x3FAD] =	sst s5  }
0xe: {  	[smem:$0x3FAE] =	sst s6  }
0xf: {  	[smem:$0x3FAF] =	sst s7  }
0x10: {  	[smem:$0x3FB0] =	sst s8  }
0x11: {  	[smem:$0x3FB1] =	sst s9;
	s0 =	simm.s32 @!p0 $0x0  }
0x12: {  	s1 =	sld [smem:$0x3F97];
	s0 =	simm.s32 @p0 $0x1  }
0x13: {  	[smem:$0x3FB2] =	sst s0;
	s0 =	simm.s32 @!p1 $0x0  }
0x14: {  	s2 =	sld [smem:$0x3F96];
	s0 =	simm.s32 @p1 $0x1  }
0x15: {  	[smem:$0x3FB3] =	sst s0;
	s0 =	simm.s32 @!p2 $0x0  }
0x16: {  	s3 =	sld [smem:$0x3FDB];
	s0 =	simm.s32 @p2 $0x1  }
0x17: {  	s4 =	simm.s32 $0x1BF5;
	[smem:$0x3FB5] =	sst s0  }
0x18: {  	s0 =	sld [smem:$0x3F98];
	_ =	swait.ge [sflag:s4], $0x0  }
0x19: {  	s7 =	sld [smem:$0x3F99]  }
0x1a: {  	s8 =	sadd.s32 $0xFFFFE003, lr  }
0x1b: {  	s9 =	sadd.s32 $0xFFFFFEF7, lr;
	s5 =	simm.s32 $0xFFFFFFFF;
	p2 =	slt.u32 s8, $0xFFFFF086  }
0x1c: {  	p1 =	slt.u32 s9, $0xF7A;
	s5 =	simm.s32 @!p2 $0x0  }
0x1d: {  	s5 =	simm.s32 @p1 $0x1;
	p0 =	seq.s32 s7, s2  }
0x1e: {  	s7 =	smul.u32 @!p0 $0xF7A, s2;
	p2 =	seq.s32 @!p0 s5, $0x0  }
0x1f: {  	s9 =	smul.u32 $0xF7A, s1;
	s8 =	simm.s32 @!p0 $0x1BF5;
	p2 =	por !p2, p0  }
0x20: {  	[sflag:s8] =	ssyncset.s32 @!p0 $0xFFFFF086;
	s6 =	sadd.s32 @!p0 s3, s7;
	s7 =	simm.s32 @!p0 $0x108  }
0x21: {  	s3 =	sadd.s32 s3, s9;
	s6 =	sadd.s32 @!p0 $0x88, s6;
	s7 =	simm.s32 @p2 $0x1082  }
0x22: {  	[simem:s7], [sflag:s8] =	dma.local @!p0 [hbm:s6], $0xF7A  }
0x23: {  	s9 =	sor.u32 $0xD0000000, s2;
	s6 =	simm.s32 $0x108;
	_ =	swait.ge @!p0 [sflag:s8], $0x0  }
0x24: {  	s3 =	sadd.s32 $0x88, s3;
	s6 =	simm.s32 @!p1 $0x1082;
	[sflag:s4] =	ssyncset.s32 $0xFFFFF086  }
0x25: {  	[simem:s6], [sflag:s4] =	dma.local [hbm:s3], $0xF7A  }
0x26: {  	[smem:$0x3F99] =	sst s1;
	(tag) =	ssettag s2;
	_ =	strace s9  }
0x27: {  	s1 =	sld [smem:$0x3FA9]  }
0x28: {  	s2 =	sld [smem:$0x3FAA]  }
0x29: {  	s4 =	sld [smem:$0x3FAC]  }
0x2a: {  	p0 =	seq.s32 s5, $0x0;
	s5 =	sld [smem:$0x3FAD]  }
0x2b: {  	s6 =	sld [smem:$0x3FAE]  }
0x2c: {  	s7 =	sld [smem:$0x3FAF]  }
0x2d: {  	s3 =	simm.s32 $0x108;
	s8 =	sld [smem:$0x3FB0]  }
0x2e: {  	s3 =	simm.s32 @!p0 $0x1082;
	s9 =	sld [smem:$0x3FB1]  }
0x2f: {  	lr =	sadd.s32 s0, s3;
	s0 =	sld [smem:$0x3FA8]  }
0x30: {  	s3 =	sld [smem:$0x3FAB]  }
0x31: {  	[smem:$0x3FB4] =	sst s10  }
0x32: {  	s10 =	sld [smem:$0x3FB2];
	_ =	sdelay $0x3  }
0x33: {  	p0 =	seq.s32 s10, $0x1;
	s10 =	sld [smem:$0x3FB4];
	_ =	sdelay $0x3  }
0x34: {  	[smem:$0x3FB4] =	sst s10  }
0x35: {  	s10 =	sld [smem:$0x3FB3];
	_ =	sdelay $0x3  }
0x36: {  	p1 =	seq.s32 s10, $0x1;
	s10 =	sld [smem:$0x3FB4];
	_ =	sdelay $0x3  }
0x37: {  	[smem:$0x3FB4] =	sst s10  }
0x38: {  	s10 =	sld [smem:$0x3FB5]  }
0x39: {  	_ = 	snop;
	(pc) =	sbr.ind lr, $3  }
0x3a: {  	_ = 	snop  }
0x3b: {  	_ = 	snop  }
0x3c: {  	p2 =	seq.s32 s10, $0x1;
	s10 =	sld [smem:$0x3FB4]  }
0x3d: {  	_ =	shalt  }
0x3e: {  	_ =	shalt  }
0x3f: {  	_ =	shalt  }
0x40: {  	_ =	shalt  }
0x41: {  	_ =	shalt  }
0x42: {  	_ =	shalt  }
0x43: {  	_ =	shalt  }
0x44: {  	_ =	shalt  }
0x45: {  	_ =	shalt  }
0x46: {  	_ =	shalt  }
0x47: {  	_ =	shalt  }
0x48: {  	_ =	shalt  }
0x49: {  	_ =	shalt  }
0x4a: {  	_ =	shalt  }
0x4b: {  	_ =	shalt  }
0x4c: {  	_ =	shalt  }
0x4d: {  	_ =	shalt  }
0x4e: {  	_ =	shalt  }
0x4f: {  	_ =	shalt  }
0x50: {  	_ =	shalt  }
0x51: {  	_ =	shalt  }
0x52: {  	_ =	shalt  }
0x53: {  	_ =	shalt  }
0x54: {  	_ =	shalt  }
0x55: {  	_ =	shalt  }
0x56: {  	_ =	shalt  }
0x57: {  	_ =	shalt  }
0x58: {  	_ =	shalt  }
0x59: {  	_ =	shalt  }
0x5a: {  	_ =	shalt  }
0x5b: {  	_ =	shalt  }
0x5c: {  	_ =	shalt  }
0x5d: {  	_ =	shalt  }
0x5e: {  	_ =	shalt  }
0x5f: {  	_ =	shalt  }
0x60: {  	_ =	shalt  }
0x61: {  	_ =	shalt  }
0x62: {  	_ =	shalt  }
0x63: {  	_ =	shalt  }
0x64: {  	_ =	shalt  }
0x65: {  	_ =	shalt  }
0x66: {  	_ =	shalt  }
0x67: {  	_ =	shalt  }
0x68: {  	_ =	shalt  }
0x69: {  	_ =	shalt  }
0x6a: {  	_ =	shalt  }
0x6b: {  	_ =	shalt  }
0x6c: {  	_ =	shalt  }
0x6d: {  	_ =	shalt  }
0x6e: {  	_ =	shalt  }
0x6f: {  	_ =	shalt  }
0x70: {  	_ =	shalt  }
0x71: {  	_ =	shalt  }
0x72: {  	_ =	shalt  }
0x73: {  	_ =	shalt  }
0x74: {  	_ =	shalt  }
0x75: {  	_ =	shalt  }
0x76: {  	_ =	shalt  }
0x77: {  	_ =	shalt  }
0x78: {  	_ =	shalt  }
0x79: {  	_ =	shalt  }
0x7a: {  	_ =	shalt  }
0x7b: {  	_ =	shalt  }
0x7c: {  	_ =	shalt  }
0x7d: {  	_ =	shalt  }
0x7e: {  	_ =	shalt  }
0x7f: {  	_ =	shalt  }
0x80: {  	_ =	shalt  }
0x81: {  	_ =	shalt  }
0x82: {  	_ =	shalt  }
0x83: {  	_ =	shalt  }
0x84: {  	_ =	shalt  }
0x85: {  	_ =	shalt  }
0x86: {  	_ =	shalt  }
0x87: {  	_ =	shalt  }
.Lfunc_end0:
.L_simem_size_0:
called_computation.1_lowered:
.L_overlay_start_0:
0x88: {  	s2 =	sld [smem:$0x3FD9]  }
0x89: {  	s3 =	sld [smem:$0x3FFE];
	_ =	sdelay $0x1  }
0x8a: {  	s1 =	srdreg.scid  }
0x8b: {  	s0 =	sand.u32 $0x1, s1  }
0x8c: {  	s16 =	sshll.u32 s0, $0xA;
	s2 =	sadd.s32 s3, s2  }
0x8d: {  	s2 =	sadd.s32 s2, s16  }
0x8e: {  	[smem:$0x3FC0] =	sst s2  }
0x8f: {  	_ = 	snop  }
0x90: {  	(tm) =	ssettm $0x1  }
0x91: {  	s17 =	sld [smem:$0x3FFB];
	_ =	sdelay $0x3  }
0x92: {  	_ =	strace s17  }
0x93: {  	s2 =	sld [smem:$0x3FFC];
	_ =	sdelay $0x3  }
0x94: {  	_ =	strace s2  }
0x95: {  	s2 =	sld [smem:$0x3FFD];
	_ =	sdelay $0x3  }
0x96: {  	_ =	strace s2  }
0x97: {  	_ =	strace $0x8FFFFFFF  }
0x98: {  	s18 =	sld [smem:$0x3FDB];
	_ =	sdelay $0x1  }
0x99: {  	s19 =	simm.s32 $_scs_section_size  }
0x9a: {  	s4 =	simm.s32 $_size__tile_overlayer_lowered;
	s5 =	simm.s32 $_tile_overlayer_lowered  }
0x9b: {  	s22 =	simm.s32 $0x1BFF;
	s21 =	sshll.u32 s5, $0x1;
	s2 =	sadd.s32 s19, s18  }
0x9c: {  	s6 =	simm.s32 $0x0;
	s20 =	sshll.u32 s4, $0x1;
	s4 =	sadd.s32 s21, s2  }
0x9d: {  	[timem:s6], [sflag:s22] =	dma.local [hbm:s4], s20  }
0x9e: {  	_ =	swait.ge [sflag:s22], s20  }
0x9f: {  	s3 =	ssub.s32 $0x0, s20;
	[sflag:s22] =	ssyncset.done $0x0  }
0xa0: {  	[sflag:s22] =	ssyncadd.s32 s3;
	_ =	sdelay $0x1  }
0xa1: {  	s23 =	simm.s32 $0x1B8B  }
0xa2: {  	_ =	swait.ge [sflag:s23], $0x1  }
0xa3: {  	[sflag:s23] =	ssyncset.done $0x0  }
0xa4: {  	s25 =	simm.s32 $0x1B8E;
	s24 =	sld [smem:$0x3FFE];
	[sflag:s23] =	ssyncadd.s32 $0xFFFFFFFF  }
0xa5: {  	s26 =	simm.s32 $execute0_lowered;
	[smem:$0x3FD2] =	sst s25  }
0xa6: {  	s4 =	sshll.u32 s26, $0x1;
	_ =	strace $0x80000049;
	[dreg:$0x1] =	wrdreg $0xFFFFFFFF  }
0xa7: {  	s28 =	simm.s32 $_size_execute0_lowered;
	s2 =	sadd.s32 s2, s4;
	[dreg:$0x0] =	wrdreg $0x0  }
0xa8: {  	s4 =	sshll.u32 s28, $0x1;
	[dreg:$0x2] =	wrdreg s2  }
0xa9: {  	[dreg:$0x3] =	wrdreg s4  }
0xaa: {  	[dreg:$0x4] =	wrdreg $0xC0  }
0xab: {  	_ =	task [dreg:s6], $0x5FFFF  }
0xac: {  	[dreg:$0x1] =	wrdreg $0xFFFFFFFF  }
0xad: {  	[dreg:$0x0] =	wrdreg $0x60  }
0xae: {  	[dreg:$0x2] =	wrdreg s24  }
0xaf: {  	[dreg:$0x3] =	wrdreg $0x60000  }
0xb0: {  	[dreg:$0x4] =	wrdreg $0x9  }
0xb1: {  	_ =	task.clear_ibuf [dreg:s6], $0x5FFFF;
	_ =	strace $0x90000049  }
0xb2: {  	s29 =	simm.s32 $0x9;
	_ =	strace $0x8000004B  }
0xb3: {  	_ =	swait.ge [sflag:s29], $0x1  }
0xb4: {  	[sflag:s29] =	ssyncadd.s32 $0xFFFFFFFF  }
0xb5: {  	_ =	strace $0x9000004B  }
0xb6: {  	_ =	sfence  }
0xb7: {  	s30 =	sld [smem:$0x0];
	_ =	sdelay $0x2  }
0xb8: {  	s31 =	sshll.u32 s1, $0xD;
	s1 =	sshrl.u32 s1, $0x2  }
0xb9: {  	s3 =	sand.u32 $0x4000, s31;
	s1 =	sadd.s32 s1, s30  }
0xba: {  	s0 =	sor.u32 s3, s0;
	s1 =	sshll.u32 s1, $0x11  }
0xbb: {  	s0 =	sor.u32 s1, s0  }
0xbc: {  	s0 =	sadd.s32 $0x8F2B, s0  }
0xbd: {  	[sflag:s0] =	ssyncadd.remote.s32 $0x1  }
0xbe: {  	_ =	sfence.sel $0xFFFF  }
0xbf: {  	[dreg:$0x0] =	wrdreg $0xFFFFFFFF;
	(pc) =	sbr.abs _section_cstart, $3  }
0xc0: {  	[dreg:$0x1] =	wrdreg $0xFFFFFFFF  }
0xc1: {  	_ =	task.clear_ibuf [dreg:s6], $0x2FFFF;
	_ =	strace $0x9FFFFFFF  }
0xc2: {  	(tm) =	ssettm $0x7FFFFFFF  }
0xc3: {  	_ =	shalt  }
tec
execute0_lowered:
.L_overlay_start_1:
0x0: {  	(tag) =	ssettag $0x1  }
0x1: {  	s6 =	rddreg [dreg:$0x0]  }
0x2: {  	s2 =	rddreg [dreg:$0x1];
	s3 =	simm.s32 $0x0  }
0x3: {  	s4 =	srdreg.scid;
	s0 =	stileid.u32;
	s21 =	simm.s32 $0x1000  }
0x4: {  	s22 =	simm.s32 $0x1;
	s23 =	simm.s32 $0x800;
	s28 =	simm.s32 $0x0  }
0x5: {  	[smem:$0x7FF] =	sst s3;
	s7 =	sand.u32 $0x1, s4;
	s8 =	smul.u32 $0x2800, s0  }
0x6: {  	s4 =	sadd.s32 $0xC200, s6;
	s16 =	sadd.s32 $0x5C200, s6;
	s17 =	sadd.s32 $0x2200, s6  }
0x7: {  	s1 =	sadd.s32 $0x34200, s6;
	s11 =	smul.u32 $0x50000, s0;
	s29 =	sshll.u32 s0, $0x6  }
0x8: {  	s9 =	smul.u32 $0x28000, s7;
	s24 =	ssub.s32 $0x2, s7;
	s7 =	sshll.u32 s7, $0x4  }
0x9: {  	_ =	strace $0x8000004A;
	[dreg:$0x3] =	wrdreg s1;
	s7 =	sor.u32 s0, s7  }
0xa: {  	s10 =	sshrl.u32 s24, $0x1;
	s26 =	sshrl.u32 s11, $0x2;
	s25 =	smul.u32 $0x2800, s7  }
0xb: {  	s8 =	sadd.s32 s8, s9;
	s19 =	ssub.s32 s24, s10;
	s30 =	smul.u32 $0x500, s7  }
0xc: {  	s7 =	sor.u32 $0x1C02, s29;
	s24 =	simm.s32 $0x1800;
	s18 =	sadd.s32 s8, s6  }
0xd: {  	s6 =	sadd.s32 s26, s2;
	s19 =	smax.u32 s19, $0x1;
	s26 =	simm.s32 $0x2000  }
0xe: {  	s20 =	sshrl.u32 s25, $0x3;
	s8 =	sadd.s32 s16, s30;
	s9 =	sadd.s32 s17, s30  }
0xf: {  	s18 =	sadd.s32 $0x66200, s18;
	s25 =	simm.s32 $0x80;
	s31 =	sadd.s32 $0x100, s20  }
0x10: {  	s13 =	sadd.s32 $0x200, s20;
	s15 =	sadd.s32 $0x300, s20;
	s20 =	sadd.s32 $0x400, s20  }
0x11: {  	s10 =	sadd.s32 s16, s31;
	s11 =	sadd.s32 s17, s31;
	s12 =	sadd.s32 s16, s13  }
0x12: {  	s13 =	sadd.s32 s17, s13;
	s14 =	sadd.s32 s16, s15;
	s15 =	sadd.s32 s17, s15  }
0x13: {  	s16 =	sadd.s32 s16, s20;
	s17 =	sadd.s32 s17, s20;
	s20 =	simm.s32 $0x2  }
.LBB2_1:
0x14: {  	s29 =	sshrl.u32 s6, $0x3;
	s0 =	rddreg [dreg:$0x3]  }
0x15: {  	[spmem:s29], [sflag:s7] =	dma.local [hbm:s0], $0x2800  }
0x16: {  	_ =	swait.ge [sflag:s20], $0x2800  }
0x17: {  	[sflag:s20] =	ssyncset.done $0x0  }
0x18: {  	[sflag:s20] =	ssyncadd.s32 $0xFFFFD800  }
0x19: {  	[tilespmem:s3], [sflag:$0x1] =	stream.linear.gather [hbm4b:s8+s3], $0x800, $0x38;
	[tilespmem:$0x1A000] =	vst v63  }
0x1a: {  	_ = 	snop  }
0x1b: {  	[tilespmem:s21], [sflag:$0x1] =	stream.linear.gather [hbm4b:s9+s3], $0x800, $0x38;
	[tilespmem:$0x1A000] =	vst v63  }
0x1c: {  	[bflag:$0x0] =	sbarrier.arrive $0xFFFF  }
0x1d: {  	_ =	swait.ge [sflag:s22], $0x800  }
0x1e: {  	[sflag:s22] =	ssyncset.done $0x0  }
0x1f: {  	[sflag:s22] =	ssyncadd.s32 $0xFFFFF800  }
0x20: {  	_ =	swait.ge [sflag:s22], $0x800  }
0x21: {  	[sflag:s22] =	ssyncset.done $0x0  }
0x22: {  	[sflag:s22] =	ssyncadd.s32 $0xFFFFF800  }
0x23: {  	[tilespmem:s23], [sflag:$0x1] =	stream.linear.gather [hbm4b:s10+s3], $0x800, $0x38;
	[tilespmem:$0x1A000] =	vst v63  }
0x24: {  	_ = 	snop  }
0x25: {  	[tilespmem:s24], [sflag:$0x1] =	stream.linear.gather [hbm4b:s11+s3], $0x800, $0x38;
	[tilespmem:$0x1A000] =	vst v63  }
0x26: {  	s30 =	simm.s32 $0x0  }
0x27: {  	[tilespmem:s26], [sflag:$0x2] =	stream.indirect.gather [hbm4b:s4+s25], $0x80, s30, s25, $0xb8;
	[tilespmem:$0x1A000] =	vst v63  }
0x28: {  	_ =	swait.ge [sflag:s20], $0x4000  }
0x29: {  	[sflag:s20] =	ssyncset.done $0x0  }
0x2a: {  	s30 =	simm.s32 $0x1000;
	[sflag:s20] =	ssyncadd.s32 $0xFFFFC000  }
0x2b: {  	[spmem:s2] =	stream.indirect.scatter.add.f32 [tilespmem:s26], [sflag:$0x2], $0x80, s30, s25, $0xb8;
	[tilespmem:$0x1A000] =	vst v63  }
0x2c: {  	_ =	swait.ge [sflag:s20], $0x4000  }
0x2d: {  	s31 =	simm.s32 $0x400;
	s30 =	simm.s32 $0x200;
	[sflag:s20] =	ssyncset.done $0x0  }
.LBB2_2:
0x2e: {  	s0 =	sshra.s32 s30, $0x2  }
0x2f: {  	[sflag:s20] =	ssyncadd.s32 $0xFFFFC000;
	s30 =	smov.u32 s31;
	s1 =	sadd.s32 $0x200, s31  }
0x30: {  	[tilespmem:s26], [sflag:$0x2] =	stream.indirect.gather [hbm4b:s4+s25], $0x80, s0, s25, $0xb8;
	[tilespmem:$0x1A000] =	vst v63  }
0x31: {  	p0 =	sne.s32 s31, $0x1E00;
	_ =	swait.ge [sflag:s20], $0x4000  }
.Ltmp0:
0x32: {  	[sflag:s20] =	ssyncset.done $0x0;
	(pc) =	sbr.rel @p0 .LBB2_2-.Ltmp0, $4  }
0x33: {  	s0 =	sadd.s32 $0x1000, s0;
	[sflag:s20] =	ssyncadd.s32 $0xFFFFC000  }
0x34: {  	[spmem:s2] =	stream.indirect.scatter.add.f32 [tilespmem:s26], [sflag:$0x2], $0x80, s0, s25, $0xb8;
	[tilespmem:$0x1A000] =	vst v63  }
0x35: {  	_ =	swait.ge [sflag:s20], $0x4000  }
0x36: {  	s31 =	smov.u32 s1;
	[sflag:s20] =	ssyncset.done $0x0  }
0x37: {  	s0 =	sshra.s32 s30, $0x2;
	[sflag:s20] =	ssyncadd.s32 $0xFFFFC000  }
0x38: {  	[tilespmem:s26], [sflag:$0x2] =	stream.indirect.gather [hbm4b:s4+s25], $0x80, s0, s25, $0xb8;
	[tilespmem:$0x1A000] =	vst v63  }
0x39: {  	_ =	swait.ge [sflag:s20], $0x4000  }
0x3a: {  	[sflag:s20] =	ssyncset.done $0x0  }
0x3b: {  	s0 =	sadd.s32 $0x1000, s0;
	[sflag:s20] =	ssyncadd.s32 $0xFFFFC000  }
0x3c: {  	[spmem:s2] =	stream.indirect.scatter.add.f32 [tilespmem:s26], [sflag:$0x2], $0x80, s0, s25, $0xb8;
	[tilespmem:$0x1A000] =	vst v63  }
0x3d: {  	_ =	swait.ge [sflag:s20], $0x4000  }
0x3e: {  	[sflag:s20] =	ssyncset.done $0x0  }
0x3f: {  	[sflag:s20] =	ssyncadd.s32 $0xFFFFC000  }
0x40: {  	_ =	swait.ge [sflag:s22], $0x800  }
0x41: {  	[sflag:s22] =	ssyncset.done $0x0  }
0x42: {  	[sflag:s22] =	ssyncadd.s32 $0xFFFFF800  }
0x43: {  	_ =	swait.ge [sflag:s22], $0x800  }
0x44: {  	[sflag:s22] =	ssyncset.done $0x0  }
0x45: {  	s5 =	simm.s32 $0x0;
	[sflag:s22] =	ssyncadd.s32 $0xFFFFF800  }
0x46: {  	[tilespmem:s5], [sflag:$0x1] =	stream.linear.gather [hbm4b:s12+s5], $0x800, $0x38;
	[tilespmem:$0x1A000] =	vst v63  }
0x47: {  	_ = 	snop  }
0x48: {  	[tilespmem:s21], [sflag:$0x1] =	stream.linear.gather [hbm4b:s13+s5], $0x800, $0x38;
	[tilespmem:$0x1A000] =	vst v63  }
0x49: {  	s1 =	simm.s32 $0x800  }
0x4a: {  	[tilespmem:s26], [sflag:$0x2] =	stream.indirect.gather [hbm4b:s4+s25], $0x80, s1, s25, $0xb8;
	[tilespmem:$0x1A000] =	vst v63  }
0x4b: {  	_ =	swait.ge [sflag:s20], $0x4000  }
0x4c: {  	[sflag:s20] =	ssyncset.done $0x0  }
0x4d: {  	s5 =	simm.s32 $0x1800;
	[sflag:s20] =	ssyncadd.s32 $0xFFFFC000  }
0x4e: {  	[spmem:s2] =	stream.indirect.scatter.add.f32 [tilespmem:s26], [sflag:$0x2], $0x80, s5, s25, $0xb8;
	[tilespmem:$0x1A000] =	vst v63  }
0x4f: {  	_ =	swait.ge [sflag:s20], $0x4000  }
0x50: {  	s31 =	simm.s32 $0x400;
	s30 =	simm.s32 $0x80;
	[sflag:s20] =	ssyncset.done $0x0  }
.LBB2_4:
0x51: {  	s0 =	sadd.s32 $0x800, s30  }
0x52: {  	[sflag:s20] =	ssyncadd.s32 $0xFFFFC000;
	s1 =	smov.u32 s31;
	s5 =	sadd.s32 $0x200, s31  }
0x53: {  	[tilespmem:s26], [sflag:$0x2] =	stream.indirect.gather [hbm4b:s4+s25], $0x80, s0, s25, $0xb8;
	[tilespmem:$0x1A000] =	vst v63  }
0x54: {  	p0 =	sne.s32 s31, $0x1E00;
	_ =	swait.ge [sflag:s20], $0x4000  }
.Ltmp1:
0x55: {  	[sflag:s20] =	ssyncset.done $0x0;
	(pc) =	sbr.rel @p0 .LBB2_4-.Ltmp1, $4  }
0x56: {  	s0 =	sadd.s32 $0x1800, s30;
	[sflag:s20] =	ssyncadd.s32 $0xFFFFC000  }
0x57: {  	[spmem:s2] =	stream.indirect.scatter.add.f32 [tilespmem:s26], [sflag:$0x2], $0x80, s0, s25, $0xb8;
	[tilespmem:$0x1A000] =	vst v63  }
0x58: {  	_ =	swait.ge [sflag:s20], $0x4000  }
0x59: {  	s30 =	sshra.s32 s1, $0x2;
	s31 =	smov.u32 s5;
	[sflag:s20] =	ssyncset.done $0x0  }
0x5a: {  	s0 =	sadd.s32 $0x800, s30;
	[sflag:s20] =	ssyncadd.s32 $0xFFFFC000  }
0x5b: {  	[tilespmem:s26], [sflag:$0x2] =	stream.indirect.gather [hbm4b:s4+s25], $0x80, s0, s25, $0xb8;
	[tilespmem:$0x1A000] =	vst v63  }
0x5c: {  	_ =	swait.ge [sflag:s20], $0x4000  }
0x5d: {  	[sflag:s20] =	ssyncset.done $0x0  }
0x5e: {  	s1 =	sadd.s32 $0x1800, s30;
	[sflag:s20] =	ssyncadd.s32 $0xFFFFC000  }
0x5f: {  	[spmem:s2] =	stream.indirect.scatter.add.f32 [tilespmem:s26], [sflag:$0x2], $0x80, s1, s25, $0xb8;
	[tilespmem:$0x1A000] =	vst v63  }
0x60: {  	_ =	swait.ge [sflag:s20], $0x4000  }
0x61: {  	[sflag:s20] =	ssyncset.done $0x0  }
0x62: {  	[sflag:s20] =	ssyncadd.s32 $0xFFFFC000  }
0x63: {  	_ =	swait.ge [sflag:s22], $0x800  }
0x64: {  	[sflag:s22] =	ssyncset.done $0x0  }
0x65: {  	[sflag:s22] =	ssyncadd.s32 $0xFFFFF800  }
0x66: {  	_ =	swait.ge [sflag:s22], $0x800  }
0x67: {  	[sflag:s22] =	ssyncset.done $0x0  }
0x68: {  	s5 =	simm.s32 $0x0;
	[sflag:s22] =	ssyncadd.s32 $0xFFFFF800  }
0x69: {  	[tilespmem:s23], [sflag:$0x1] =	stream.linear.gather [hbm4b:s14+s5], $0x800, $0x38;
	[tilespmem:$0x1A000] =	vst v63  }
0x6a: {  	_ = 	snop  }
0x6b: {  	[tilespmem:s24], [sflag:$0x1] =	stream.linear.gather [hbm4b:s15+s5], $0x800, $0x38;
	[tilespmem:$0x1A000] =	vst v63  }
0x6c: {  	s1 =	simm.s32 $0x0  }
0x6d: {  	[tilespmem:s26], [sflag:$0x2] =	stream.indirect.gather [hbm4b:s4+s25], $0x80, s1, s25, $0xb8;
	[tilespmem:$0x1A000] =	vst v63  }
0x6e: {  	_ =	swait.ge [sflag:s20], $0x4000  }
0x6f: {  	[sflag:s20] =	ssyncset.done $0x0  }
0x70: {  	s5 =	simm.s32 $0x1000;
	[sflag:s20] =	ssyncadd.s32 $0xFFFFC000  }
0x71: {  	[spmem:s2] =	stream.indirect.scatter.add.f32 [tilespmem:s26], [sflag:$0x2], $0x80, s5, s25, $0xb8;
	[tilespmem:$0x1A000] =	vst v63  }
0x72: {  	_ =	swait.ge [sflag:s20], $0x4000  }
0x73: {  	s30 =	simm.s32 $0x200;
	s31 =	simm.s32 $0x400;
	[sflag:s20] =	ssyncset.done $0x0  }
.LBB2_6:
0x74: {  	s0 =	sshra.s32 s30, $0x2  }
0x75: {  	[sflag:s20] =	ssyncadd.s32 $0xFFFFC000;
	s30 =	smov.u32 s31;
	s1 =	sadd.s32 $0x200, s31  }
0x76: {  	[tilespmem:s26], [sflag:$0x2] =	stream.indirect.gather [hbm4b:s4+s25], $0x80, s0, s25, $0xb8;
	[tilespmem:$0x1A000] =	vst v63  }
0x77: {  	p0 =	sne.s32 s31, $0x1E00;
	_ =	swait.ge [sflag:s20], $0x4000  }
.Ltmp2:
0x78: {  	[sflag:s20] =	ssyncset.done $0x0;
	(pc) =	sbr.rel @p0 .LBB2_6-.Ltmp2, $4  }
0x79: {  	s0 =	sadd.s32 $0x1000, s0;
	[sflag:s20] =	ssyncadd.s32 $0xFFFFC000  }
0x7a: {  	[spmem:s2] =	stream.indirect.scatter.add.f32 [tilespmem:s26], [sflag:$0x2], $0x80, s0, s25, $0xb8;
	[tilespmem:$0x1A000] =	vst v63  }
0x7b: {  	_ =	swait.ge [sflag:s20], $0x4000  }
0x7c: {  	s31 =	smov.u32 s1;
	[sflag:s20] =	ssyncset.done $0x0  }
0x7d: {  	s0 =	sshra.s32 s30, $0x2;
	[sflag:s20] =	ssyncadd.s32 $0xFFFFC000  }
0x7e: {  	[tilespmem:s26], [sflag:$0x2] =	stream.indirect.gather [hbm4b:s4+s25], $0x80, s0, s25, $0xb8;
	[tilespmem:$0x1A000] =	vst v63  }
0x7f: {  	_ =	swait.ge [sflag:s20], $0x4000  }
0x80: {  	[sflag:s20] =	ssyncset.done $0x0  }
0x81: {  	s0 =	sadd.s32 $0x1000, s0;
	[sflag:s20] =	ssyncadd.s32 $0xFFFFC000  }
0x82: {  	[spmem:s2] =	stream.indirect.scatter.add.f32 [tilespmem:s26], [sflag:$0x2], $0x80, s0, s25, $0xb8;
	[tilespmem:$0x1A000] =	vst v63  }
0x83: {  	_ =	swait.ge [sflag:s20], $0x4000  }
0x84: {  	[sflag:s20] =	ssyncset.done $0x0  }
0x85: {  	[sflag:s20] =	ssyncadd.s32 $0xFFFFC000  }
0x86: {  	_ =	swait.ge [sflag:s22], $0x800  }
0x87: {  	[sflag:s22] =	ssyncset.done $0x0  }
0x88: {  	[sflag:s22] =	ssyncadd.s32 $0xFFFFF800  }
0x89: {  	_ =	swait.ge [sflag:s22], $0x800  }
0x8a: {  	[sflag:s22] =	ssyncset.done $0x0  }
0x8b: {  	s5 =	simm.s32 $0x0;
	[sflag:s22] =	ssyncadd.s32 $0xFFFFF800  }
0x8c: {  	[tilespmem:s5], [sflag:$0x1] =	stream.linear.gather [hbm4b:s16+s5], $0x800, $0x38;
	[tilespmem:$0x1A000] =	vst v63  }
0x8d: {  	_ = 	snop  }
0x8e: {  	[tilespmem:s21], [sflag:$0x1] =	stream.linear.gather [hbm4b:s17+s5], $0x800, $0x38;
	[tilespmem:$0x1A000] =	vst v63  }
0x8f: {  	s1 =	simm.s32 $0x800  }
0x90: {  	[tilespmem:s26], [sflag:$0x2] =	stream.indirect.gather [hbm4b:s4+s25], $0x80, s1, s25, $0xb8;
	[tilespmem:$0x1A000] =	vst v63  }
0x91: {  	_ =	swait.ge [sflag:s20], $0x4000  }
0x92: {  	[sflag:s20] =	ssyncset.done $0x0  }
0x93: {  	s5 =	simm.s32 $0x1800;
	[sflag:s20] =	ssyncadd.s32 $0xFFFFC000  }
0x94: {  	[spmem:s2] =	stream.indirect.scatter.add.f32 [tilespmem:s26], [sflag:$0x2], $0x80, s5, s25, $0xb8;
	[tilespmem:$0x1A000] =	vst v63  }
0x95: {  	_ =	swait.ge [sflag:s20], $0x4000  }
0x96: {  	s31 =	simm.s32 $0x400;
	s30 =	simm.s32 $0x80;
	[sflag:s20] =	ssyncset.done $0x0  }
.LBB2_8:
0x97: {  	s0 =	sadd.s32 $0x800, s30  }
0x98: {  	[sflag:s20] =	ssyncadd.s32 $0xFFFFC000;
	s1 =	smov.u32 s31;
	s5 =	sadd.s32 $0x200, s31  }
0x99: {  	[tilespmem:s26], [sflag:$0x2] =	stream.indirect.gather [hbm4b:s4+s25], $0x80, s0, s25, $0xb8;
	[tilespmem:$0x1A000] =	vst v63  }
0x9a: {  	p0 =	sne.s32 s31, $0x1E00;
	_ =	swait.ge [sflag:s20], $0x4000  }
.Ltmp3:
0x9b: {  	[sflag:s20] =	ssyncset.done $0x0;
	(pc) =	sbr.rel @p0 .LBB2_8-.Ltmp3, $4  }
0x9c: {  	s0 =	sadd.s32 $0x1800, s30;
	[sflag:s20] =	ssyncadd.s32 $0xFFFFC000  }
0x9d: {  	[spmem:s2] =	stream.indirect.scatter.add.f32 [tilespmem:s26], [sflag:$0x2], $0x80, s0, s25, $0xb8;
	[tilespmem:$0x1A000] =	vst v63  }
0x9e: {  	_ =	swait.ge [sflag:s20], $0x4000  }
0x9f: {  	s30 =	sshra.s32 s1, $0x2;
	s31 =	smov.u32 s5;
	[sflag:s20] =	ssyncset.done $0x0  }
0xa0: {  	s0 =	sadd.s32 $0x800, s30;
	[sflag:s20] =	ssyncadd.s32 $0xFFFFC000  }
0xa1: {  	[tilespmem:s26], [sflag:$0x2] =	stream.indirect.gather [hbm4b:s4+s25], $0x80, s0, s25, $0xb8;
	[tilespmem:$0x1A000] =	vst v63  }
0xa2: {  	_ =	swait.ge [sflag:s20], $0x4000  }
0xa3: {  	[sflag:s20] =	ssyncset.done $0x0  }
0xa4: {  	s5 =	sadd.s32 $0x1800, s30;
	[sflag:s20] =	ssyncadd.s32 $0xFFFFC000  }
0xa5: {  	[spmem:s2] =	stream.indirect.scatter.add.f32 [tilespmem:s26], [sflag:$0x2], $0x80, s5, s25, $0xb8;
	[tilespmem:$0x1A000] =	vst v63  }
0xa6: {  	_ =	swait.ge [sflag:s20], $0x4000  }
0xa7: {  	[sflag:s20] =	ssyncset.done $0x0  }
0xa8: {  	[sflag:s20] =	ssyncadd.s32 $0xFFFFC000  }
0xa9: {  	_ =	swait.ge [sflag:s22], $0x800  }
0xaa: {  	[sflag:s22] =	ssyncset.done $0x0  }
0xab: {  	[sflag:s22] =	ssyncadd.s32 $0xFFFFF800  }
0xac: {  	_ =	swait.ge [sflag:s22], $0x800  }
0xad: {  	[sflag:s22] =	ssyncset.done $0x0  }
0xae: {  	s1 =	simm.s32 $0x0;
	[sflag:s22] =	ssyncadd.s32 $0xFFFFF800  }
0xaf: {  	[tilespmem:s26], [sflag:$0x2] =	stream.indirect.gather [hbm4b:s4+s25], $0x80, s1, s25, $0xb8;
	[tilespmem:$0x1A000] =	vst v63  }
0xb0: {  	_ =	swait.ge [sflag:s20], $0x4000  }
0xb1: {  	[sflag:s20] =	ssyncset.done $0x0  }
0xb2: {  	s5 =	simm.s32 $0x1000;
	[sflag:s20] =	ssyncadd.s32 $0xFFFFC000  }
0xb3: {  	[spmem:s2] =	stream.indirect.scatter.add.f32 [tilespmem:s26], [sflag:$0x2], $0x80, s5, s25, $0xb8;
	[tilespmem:$0x1A000] =	vst v63  }
0xb4: {  	_ =	swait.ge [sflag:s20], $0x4000  }
0xb5: {  	s30 =	simm.s32 $0x200;
	s31 =	simm.s32 $0x400;
	[sflag:s20] =	ssyncset.done $0x0  }
.LBB2_10:
0xb6: {  	s0 =	sshra.s32 s30, $0x2  }
0xb7: {  	[sflag:s20] =	ssyncadd.s32 $0xFFFFC000;
	s30 =	smov.u32 s31;
	s1 =	sadd.s32 $0x200, s31  }
0xb8: {  	[tilespmem:s26], [sflag:$0x2] =	stream.indirect.gather [hbm4b:s4+s25], $0x80, s0, s25, $0xb8;
	[tilespmem:$0x1A000] =	vst v63  }
0xb9: {  	p0 =	sne.s32 s31, $0x1E00;
	_ =	swait.ge [sflag:s20], $0x4000  }
.Ltmp4:
0xba: {  	[sflag:s20] =	ssyncset.done $0x0;
	(pc) =	sbr.rel @p0 .LBB2_10-.Ltmp4, $4  }
0xbb: {  	s0 =	sadd.s32 $0x1000, s0;
	[sflag:s20] =	ssyncadd.s32 $0xFFFFC000  }
0xbc: {  	[spmem:s2] =	stream.indirect.scatter.add.f32 [tilespmem:s26], [sflag:$0x2], $0x80, s0, s25, $0xb8;
	[tilespmem:$0x1A000] =	vst v63  }
0xbd: {  	_ =	swait.ge [sflag:s20], $0x4000  }
0xbe: {  	s31 =	smov.u32 s1;
	[sflag:s20] =	ssyncset.done $0x0  }
0xbf: {  	s0 =	sshra.s32 s30, $0x2;
	[sflag:s20] =	ssyncadd.s32 $0xFFFFC000  }
0xc0: {  	[tilespmem:s26], [sflag:$0x2] =	stream.indirect.gather [hbm4b:s4+s25], $0x80, s0, s25, $0xb8;
	[tilespmem:$0x1A000] =	vst v63  }
0xc1: {  	_ =	swait.ge [sflag:s20], $0x4000  }
0xc2: {  	[sflag:s20] =	ssyncset.done $0x0  }
0xc3: {  	s0 =	sadd.s32 $0x1000, s0;
	[sflag:s20] =	ssyncadd.s32 $0xFFFFC000  }
0xc4: {  	[spmem:s2] =	stream.indirect.scatter.add.f32 [tilespmem:s26], [sflag:$0x2], $0x80, s0, s25, $0xb8;
	[tilespmem:$0x1A000] =	vst v63  }
0xc5: {  	_ =	swait.ge [sflag:s20], $0x4000  }
0xc6: {  	s28 =	sadd.s32 $0x1, s28;
	[sflag:s20] =	ssyncset.done $0x0  }
0xc7: {  	p0 =	sne.s32 s28, s19;
	[sflag:s20] =	ssyncadd.s32 $0xFFFFC000  }
.Ltmp5:
0xc8: {  	[bflag:$0x0] =	sbarrier.arrive $0xFFFF;
	(pc) =	sbr.rel @p0 .LBB2_1-.Ltmp5, $4  }
0xc9: {  	[hbm:s18], [sflag:s7] =	dma.local [spmem:s29], $0x2800  }
0xca: {  	_ =	swait.ge [sflag:s20], $0x2800  }
0xcb: {  	[sflag:s20] =	ssyncset.done $0x0  }
0xcc: {  	[sflag:s20] =	ssyncadd.s32 $0xFFFFD800  }
0xcd: {  	_ =	sfence.sel $0x180000  }
0xce: {  	[bflag:$0x0] =	sbarrier.arrive $0xFFFF  }
0xcf: {  	_ =	strace $0x9000004A  }
0xd0: {  	s0 =	stileid.u32;
	[bflag:$0x2] =	sbarrier.arrive $0xFFFF  }
0xd1: {  	p0 =	sne.s32 s0, $0x0;
	s0 =	rddreg [dreg:$0x2]  }
0xd2: {  	s0 =	sadd.s32 @!p0 $0x100000, s0  }
0xd3: {  	[sflag:s0] =	ssyncadd.tile.s32 @!p0 $0x1;
	_ =	shalt  }
.Lfunc_end2:
_tile_overlayer_lowered:
.L_overlay_start_2:
0xd4: {  	(tag) =	ssettag $0x2  }
0xd5: {  	s0 =	rddreg [dreg:$0x0];
	s2 =	stileid.u32  }
0xd6: {  	s1 =	rddreg [dreg:$0x1];
	p0 =	sne.s32 s2, $0x0  }
0xd7: {  	s3 =	rddreg [dreg:$0x2];
	[bflag:$0x3] =	sbarrier.arrive $0xFFFF;
	s2 =	simm.s32 @!p0 $0x1C02  }
0xd8: {  	[timem:s3], [sflag:s2] =	dma.local @!p0 [hbm:s0], s1  }
0xd9: {  	s0 =	simm.s32 @!p0 $0x2  }
0xda: {  	_ =	swait.ge @!p0 [sflag:s0], s1  }
0xdb: {  	s1 =	ssub.s32 @!p0 $0x0, s1;
	[sflag:s0] =	ssyncset.done @!p0 $0x0  }
0xdc: {  	[sflag:s0] =	ssyncadd.s32 @!p0 s1  }
0xdd: {  	[bflag:$0x3] =	sbarrier.arrive $0xFFFF  }
0xde: {  	_ =	shalt  }

// kernel: kernel.14.cloned.1.call-start
scs
__scs_entry_jumppad:
0x0: {  	(pc) =	sbr.rel $0x88, $3  }
0x1: {  	(tag) =	ssettag $0x0;
	lr =	simm.s32 $0x1  }
0x2: {  	[smem:$0x3F99] =	sst lr;
	_ =	strace $0xD0000000  }
0x3: {  	_ = 	snop  }
0x4: {  	_ = 	snop  }
0x5: {  	_ = 	snop  }
0x6: {  	_ = 	snop  }
0x7: {  	_ = 	snop  }
__scs_overlays_trampoline_lowered:
0x8: {  	[smem:$0x3FA8] =	sst s0  }
0x9: {  	[smem:$0x3FA9] =	sst s1  }
0xa: {  	[smem:$0x3FAA] =	sst s2  }
0xb: {  	[smem:$0x3FAB] =	sst s3  }
0xc: {  	[smem:$0x3FAC] =	sst s4  }
0xd: {  	[smem:$0x3FAD] =	sst s5  }
0xe: {  	[smem:$0x3FAE] =	sst s6  }
0xf: {  	[smem:$0x3FAF] =	sst s7  }
0x10: {  	[smem:$0x3FB0] =	sst s8  }
0x11: {  	[smem:$0x3FB1] =	sst s9;
	s0 =	simm.s32 @!p0 $0x0  }
0x12: {  	s1 =	sld [smem:$0x3F97];
	s0 =	simm.s32 @p0 $0x1  }
0x13: {  	[smem:$0x3FB2] =	sst s0;
	s0 =	simm.s32 @!p1 $0x0  }
0x14: {  	s2 =	sld [smem:$0x3F96];
	s0 =	simm.s32 @p1 $0x1  }
0x15: {  	[smem:$0x3FB3] =	sst s0;
	s0 =	simm.s32 @!p2 $0x0  }
0x16: {  	s3 =	sld [smem:$0x3FDB];
	s0 =	simm.s32 @p2 $0x1  }
0x17: {  	s4 =	simm.s32 $0x1BF5;
	[smem:$0x3FB5] =	sst s0  }
0x18: {  	s0 =	sld [smem:$0x3F98];
	_ =	swait.ge [sflag:s4], $0x0  }
0x19: {  	s7 =	sld [smem:$0x3F99]  }
0x1a: {  	s8 =	sadd.s32 $0xFFFFE003, lr  }
0x1b: {  	s9 =	sadd.s32 $0xFFFFFEF7, lr;
	s5 =	simm.s32 $0xFFFFFFFF;
	p2 =	slt.u32 s8, $0xFFFFF086  }
0x1c: {  	p1 =	slt.u32 s9, $0xF7A;
	s5 =	simm.s32 @!p2 $0x0  }
0x1d: {  	s5 =	simm.s32 @p1 $0x1;
	p0 =	seq.s32 s7, s2  }
0x1e: {  	s7 =	smul.u32 @!p0 $0xF7A, s2;
	p2 =	seq.s32 @!p0 s5, $0x0  }
0x1f: {  	s9 =	smul.u32 $0xF7A, s1;
	s8 =	simm.s32 @!p0 $0x1BF5;
	p2 =	por !p2, p0  }
0x20: {  	[sflag:s8] =	ssyncset.s32 @!p0 $0xFFFFF086;
	s6 =	sadd.s32 @!p0 s3, s7;
	s7 =	simm.s32 @!p0 $0x108  }
0x21: {  	s3 =	sadd.s32 s3, s9;
	s6 =	sadd.s32 @!p0 $0x88, s6;
	s7 =	simm.s32 @p2 $0x1082  }
0x22: {  	[simem:s7], [sflag:s8] =	dma.local @!p0 [hbm:s6], $0xF7A  }
0x23: {  	s9 =	sor.u32 $0xD0000000, s2;
	s6 =	simm.s32 $0x108;
	_ =	swait.ge @!p0 [sflag:s8], $0x0  }
0x24: {  	s3 =	sadd.s32 $0x88, s3;
	s6 =	simm.s32 @!p1 $0x1082;
	[sflag:s4] =	ssyncset.s32 $0xFFFFF086  }
0x25: {  	[simem:s6], [sflag:s4] =	dma.local [hbm:s3], $0xF7A  }
0x26: {  	[smem:$0x3F99] =	sst s1;
	(tag) =	ssettag s2;
	_ =	strace s9  }
0x27: {  	s1 =	sld [smem:$0x3FA9]  }
0x28: {  	s2 =	sld [smem:$0x3FAA]  }
0x29: {  	s4 =	sld [smem:$0x3FAC]  }
0x2a: {  	p0 =	seq.s32 s5, $0x0;
	s5 =	sld [smem:$0x3FAD]  }
0x2b: {  	s6 =	sld [smem:$0x3FAE]  }
0x2c: {  	s7 =	sld [smem:$0x3FAF]  }
0x2d: {  	s3 =	simm.s32 $0x108;
	s8 =	sld [smem:$0x3FB0]  }
0x2e: {  	s3 =	simm.s32 @!p0 $0x1082;
	s9 =	sld [smem:$0x3FB1]  }
0x2f: {  	lr =	sadd.s32 s0, s3;
	s0 =	sld [smem:$0x3FA8]  }
0x30: {  	s3 =	sld [smem:$0x3FAB]  }
0x31: {  	[smem:$0x3FB4] =	sst s10  }
0x32: {  	s10 =	sld [smem:$0x3FB2];
	_ =	sdelay $0x3  }
0x33: {  	p0 =	seq.s32 s10, $0x1;
	s10 =	sld [smem:$0x3FB4];
	_ =	sdelay $0x3  }
0x34: {  	[smem:$0x3FB4] =	sst s10  }
0x35: {  	s10 =	sld [smem:$0x3FB3];
	_ =	sdelay $0x3  }
0x36: {  	p1 =	seq.s32 s10, $0x1;
	s10 =	sld [smem:$0x3FB4];
	_ =	sdelay $0x3  }
0x37: {  	[smem:$0x3FB4] =	sst s10  }
0x38: {  	s10 =	sld [smem:$0x3FB5]  }
0x39: {  	_ = 	snop;
	(pc) =	sbr.ind lr, $3  }
0x3a: {  	_ = 	snop  }
0x3b: {  	_ = 	snop  }
0x3c: {  	p2 =	seq.s32 s10, $0x1;
	s10 =	sld [smem:$0x3FB4]  }
0x3d: {  	_ =	shalt  }
0x3e: {  	_ =	shalt  }
0x3f: {  	_ =	shalt  }
0x40: {  	_ =	shalt  }
0x41: {  	_ =	shalt  }
0x42: {  	_ =	shalt  }
0x43: {  	_ =	shalt  }
0x44: {  	_ =	shalt  }
0x45: {  	_ =	shalt  }
0x46: {  	_ =	shalt  }
0x47: {  	_ =	shalt  }
0x48: {  	_ =	shalt  }
0x49: {  	_ =	shalt  }
0x4a: {  	_ =	shalt  }
0x4b: {  	_ =	shalt  }
0x4c: {  	_ =	shalt  }
0x4d: {  	_ =	shalt  }
0x4e: {  	_ =	shalt  }
0x4f: {  	_ =	shalt  }
0x50: {  	_ =	shalt  }
0x51: {  	_ =	shalt  }
0x52: {  	_ =	shalt  }
0x53: {  	_ =	shalt  }
0x54: {  	_ =	shalt  }
0x55: {  	_ =	shalt  }
0x56: {  	_ =	shalt  }
0x57: {  	_ =	shalt  }
0x58: {  	_ =	shalt  }
0x59: {  	_ =	shalt  }
0x5a: {  	_ =	shalt  }
0x5b: {  	_ =	shalt  }
0x5c: {  	_ =	shalt  }
0x5d: {  	_ =	shalt  }
0x5e: {  	_ =	shalt  }
0x5f: {  	_ =	shalt  }
0x60: {  	_ =	shalt  }
0x61: {  	_ =	shalt  }
0x62: {  	_ =	shalt  }
0x63: {  	_ =	shalt  }
0x64: {  	_ =	shalt  }
0x65: {  	_ =	shalt  }
0x66: {  	_ =	shalt  }
0x67: {  	_ =	shalt  }
0x68: {  	_ =	shalt  }
0x69: {  	_ =	shalt  }
0x6a: {  	_ =	shalt  }
0x6b: {  	_ =	shalt  }
0x6c: {  	_ =	shalt  }
0x6d: {  	_ =	shalt  }
0x6e: {  	_ =	shalt  }
0x6f: {  	_ =	shalt  }
0x70: {  	_ =	shalt  }
0x71: {  	_ =	shalt  }
0x72: {  	_ =	shalt  }
0x73: {  	_ =	shalt  }
0x74: {  	_ =	shalt  }
0x75: {  	_ =	shalt  }
0x76: {  	_ =	shalt  }
0x77: {  	_ =	shalt  }
0x78: {  	_ =	shalt  }
0x79: {  	_ =	shalt  }
0x7a: {  	_ =	shalt  }
0x7b: {  	_ =	shalt  }
0x7c: {  	_ =	shalt  }
0x7d: {  	_ =	shalt  }
0x7e: {  	_ =	shalt  }
0x7f: {  	_ =	shalt  }
0x80: {  	_ =	shalt  }
0x81: {  	_ =	shalt  }
0x82: {  	_ =	shalt  }
0x83: {  	_ =	shalt  }
0x84: {  	_ =	shalt  }
0x85: {  	_ =	shalt  }
0x86: {  	_ =	shalt  }
0x87: {  	_ =	shalt  }
.Lfunc_end0:
.L_simem_size_0:
called_computation.2_lowered:
.L_overlay_start_0:
0x88: {  	s2 =	sld [smem:$0x3FD9]  }
0x89: {  	s3 =	sld [smem:$0x3FFE];
	_ =	sdelay $0x1  }
0x8a: {  	s1 =	srdreg.scid  }
0x8b: {  	s0 =	sand.u32 $0x1, s1  }
0x8c: {  	s16 =	sshll.u32 s0, $0xA;
	s2 =	sadd.s32 s3, s2  }
0x8d: {  	s2 =	sadd.s32 s2, s16  }
0x8e: {  	[smem:$0x3FC0] =	sst s2  }
0x8f: {  	_ = 	snop  }
0x90: {  	(tm) =	ssettm $0x1  }
0x91: {  	s17 =	sld [smem:$0x3FFB];
	_ =	sdelay $0x3  }
0x92: {  	_ =	strace s17  }
0x93: {  	s2 =	sld [smem:$0x3FFC];
	_ =	sdelay $0x3  }
0x94: {  	_ =	strace s2  }
0x95: {  	s2 =	sld [smem:$0x3FFD];
	_ =	sdelay $0x3  }
0x96: {  	_ =	strace s2  }
0x97: {  	_ =	strace $0x8FFFFFFF  }
0x98: {  	s18 =	sld [smem:$0x3FDB];
	_ =	sdelay $0x1  }
0x99: {  	s19 =	simm.s32 $_scs_section_size  }
0x9a: {  	s4 =	simm.s32 $_size__tile_overlayer_lowered;
	s5 =	simm.s32 $_tile_overlayer_lowered  }
0x9b: {  	s22 =	simm.s32 $0x1BFF;
	s21 =	sshll.u32 s5, $0x1;
	s2 =	sadd.s32 s19, s18  }
0x9c: {  	s6 =	simm.s32 $0x0;
	s20 =	sshll.u32 s4, $0x1;
	s4 =	sadd.s32 s21, s2  }
0x9d: {  	[timem:s6], [sflag:s22] =	dma.local [hbm:s4], s20  }
0x9e: {  	_ =	swait.ge [sflag:s22], s20  }
0x9f: {  	s3 =	ssub.s32 $0x0, s20;
	[sflag:s22] =	ssyncset.done $0x0  }
0xa0: {  	[sflag:s22] =	ssyncadd.s32 s3;
	_ =	sdelay $0x1  }
0xa1: {  	s23 =	simm.s32 $0x1B8B  }
0xa2: {  	_ =	swait.ge [sflag:s23], $0x1  }
0xa3: {  	[sflag:s23] =	ssyncset.done $0x0  }
0xa4: {  	s25 =	simm.s32 $0x1B8E;
	s24 =	sld [smem:$0x3FFE];
	[sflag:s23] =	ssyncadd.s32 $0xFFFFFFFF  }
0xa5: {  	s26 =	simm.s32 $execute0_lowered;
	[smem:$0x3FD2] =	sst s25  }
0xa6: {  	s4 =	sshll.u32 s26, $0x1;
	_ =	strace $0x8000004C;
	[dreg:$0x1] =	wrdreg $0xFFFFFFFF  }
0xa7: {  	s28 =	simm.s32 $_size_execute0_lowered;
	s2 =	sadd.s32 s2, s4;
	[dreg:$0x0] =	wrdreg $0x0  }
0xa8: {  	s4 =	sshll.u32 s28, $0x1;
	[dreg:$0x2] =	wrdreg s2  }
0xa9: {  	[dreg:$0x3] =	wrdreg s4  }
0xaa: {  	[dreg:$0x4] =	wrdreg $0xC0  }
0xab: {  	_ =	task [dreg:s6], $0x5FFFF  }
0xac: {  	[dreg:$0x1] =	wrdreg $0xFFFFFFFF  }
0xad: {  	[dreg:$0x0] =	wrdreg $0x60  }
0xae: {  	[dreg:$0x2] =	wrdreg s24  }
0xaf: {  	[dreg:$0x3] =	wrdreg $0x60000  }
0xb0: {  	[dreg:$0x4] =	wrdreg $0x9  }
0xb1: {  	_ =	task.clear_ibuf [dreg:s6], $0x5FFFF;
	_ =	strace $0x9000004C  }
0xb2: {  	s29 =	simm.s32 $0x9;
	_ =	strace $0x8000004E  }
0xb3: {  	_ =	swait.ge [sflag:s29], $0x1  }
0xb4: {  	[sflag:s29] =	ssyncadd.s32 $0xFFFFFFFF  }
0xb5: {  	_ =	strace $0x9000004E  }
0xb6: {  	_ =	sfence  }
0xb7: {  	s30 =	sld [smem:$0x0];
	_ =	sdelay $0x2  }
0xb8: {  	s31 =	sshll.u32 s1, $0xD;
	s1 =	sshrl.u32 s1, $0x2  }
0xb9: {  	s3 =	sand.u32 $0x4000, s31;
	s1 =	sadd.s32 s1, s30  }
0xba: {  	s0 =	sor.u32 s3, s0;
	s1 =	sshll.u32 s1, $0x11  }
0xbb: {  	s0 =	sor.u32 s1, s0  }
0xbc: {  	s0 =	sadd.s32 $0x8F2B, s0  }
0xbd: {  	[sflag:s0] =	ssyncadd.remote.s32 $0x1  }
0xbe: {  	_ =	sfence.sel $0xFFFF  }
0xbf: {  	[dreg:$0x0] =	wrdreg $0xFFFFFFFF;
	(pc) =	sbr.abs _section_cstart, $3  }
0xc0: {  	[dreg:$0x1] =	wrdreg $0xFFFFFFFF  }
0xc1: {  	_ =	task.clear_ibuf [dreg:s6], $0x2FFFF;
	_ =	strace $0x9FFFFFFF  }
0xc2: {  	(tm) =	ssettm $0x7FFFFFFF  }
0xc3: {  	_ =	shalt  }
tec
execute0_lowered:
.L_overlay_start_1:
0x0: {  	(tag) =	ssettag $0x1  }
0x1: {  	s6 =	rddreg [dreg:$0x0]  }
0x2: {  	s2 =	rddreg [dreg:$0x1];
	s3 =	simm.s32 $0x0  }
0x3: {  	s4 =	srdreg.scid;
	s0 =	stileid.u32;
	s21 =	simm.s32 $0x1000  }
0x4: {  	s22 =	simm.s32 $0x1;
	s23 =	simm.s32 $0x800;
	s28 =	simm.s32 $0x0  }
0x5: {  	[smem:$0x7FF] =	sst s3;
	s7 =	sand.u32 $0x1, s4;
	s8 =	smul.u32 $0x2800, s0  }
0x6: {  	s4 =	sadd.s32 $0xC200, s6;
	s16 =	sadd.s32 $0x5C200, s6;
	s17 =	sadd.s32 $0x2200, s6  }
0x7: {  	s1 =	sadd.s32 $0x34200, s6;
	s11 =	smul.u32 $0x50000, s0;
	s29 =	sshll.u32 s0, $0x6  }
0x8: {  	s9 =	smul.u32 $0x28000, s7;
	s24 =	ssub.s32 $0x2, s7;
	s7 =	sshll.u32 s7, $0x4  }
0x9: {  	_ =	strace $0x8000004D;
	[dreg:$0x3] =	wrdreg s1;
	s7 =	sor.u32 s0, s7  }
0xa: {  	s10 =	sshrl.u32 s24, $0x1;
	s26 =	sshrl.u32 s11, $0x2;
	s25 =	smul.u32 $0x2800, s7  }
0xb: {  	s8 =	sadd.s32 s8, s9;
	s19 =	ssub.s32 s24, s10;
	s30 =	smul.u32 $0x500, s7  }
0xc: {  	s7 =	sor.u32 $0x1C02, s29;
	s24 =	simm.s32 $0x1800;
	s18 =	sadd.s32 s8, s6  }
0xd: {  	s6 =	sadd.s32 s26, s2;
	s19 =	smax.u32 s19, $0x1;
	s26 =	simm.s32 $0x2000  }
0xe: {  	s20 =	sshrl.u32 s25, $0x3;
	s8 =	sadd.s32 s16, s30;
	s9 =	sadd.s32 s17, s30  }
0xf: {  	s18 =	sadd.s32 $0x66200, s18;
	s25 =	simm.s32 $0x80;
	s31 =	sadd.s32 $0x100, s20  }
0x10: {  	s13 =	sadd.s32 $0x200, s20;
	s15 =	sadd.s32 $0x300, s20;
	s20 =	sadd.s32 $0x400, s20  }
0x11: {  	s10 =	sadd.s32 s16, s31;
	s11 =	sadd.s32 s17, s31;
	s12 =	sadd.s32 s16, s13  }
0x12: {  	s13 =	sadd.s32 s17, s13;
	s14 =	sadd.s32 s16, s15;
	s15 =	sadd.s32 s17, s15  }
0x13: {  	s16 =	sadd.s32 s16, s20;
	s17 =	sadd.s32 s17, s20;
	s20 =	simm.s32 $0x2  }
.LBB2_1:
0x14: {  	s29 =	sshrl.u32 s6, $0x3;
	s0 =	rddreg [dreg:$0x3]  }
0x15: {  	[spmem:s29], [sflag:s7] =	dma.local [hbm:s0], $0x2800  }
0x16: {  	_ =	swait.ge [sflag:s20], $0x2800  }
0x17: {  	[sflag:s20] =	ssyncset.done $0x0  }
0x18: {  	[sflag:s20] =	ssyncadd.s32 $0xFFFFD800  }
0x19: {  	[tilespmem:s3], [sflag:$0x1] =	stream.linear.gather [hbm4b:s8+s3], $0x800, $0x38;
	[tilespmem:$0x1A000] =	vst v63  }
0x1a: {  	_ = 	snop  }
0x1b: {  	[tilespmem:s21], [sflag:$0x1] =	stream.linear.gather [hbm4b:s9+s3], $0x800, $0x38;
	[tilespmem:$0x1A000] =	vst v63  }
0x1c: {  	[bflag:$0x0] =	sbarrier.arrive $0xFFFF  }
0x1d: {  	_ =	swait.ge [sflag:s22], $0x800  }
0x1e: {  	[sflag:s22] =	ssyncset.done $0x0  }
0x1f: {  	[sflag:s22] =	ssyncadd.s32 $0xFFFFF800  }
0x20: {  	_ =	swait.ge [sflag:s22], $0x800  }
0x21: {  	[sflag:s22] =	ssyncset.done $0x0  }
0x22: {  	[sflag:s22] =	ssyncadd.s32 $0xFFFFF800  }
0x23: {  	[tilespmem:s23], [sflag:$0x1] =	stream.linear.gather [hbm4b:s10+s3], $0x800, $0x38;
	[tilespmem:$0x1A000] =	vst v63  }
0x24: {  	_ = 	snop  }
0x25: {  	[tilespmem:s24], [sflag:$0x1] =	stream.linear.gather [hbm4b:s11+s3], $0x800, $0x38;
	[tilespmem:$0x1A000] =	vst v63  }
0x26: {  	s30 =	simm.s32 $0x0  }
0x27: {  	[tilespmem:s26], [sflag:$0x2] =	stream.indirect.gather [hbm4b:s4+s25], $0x80, s30, s25, $0xb8;
	[tilespmem:$0x1A000] =	vst v63  }
0x28: {  	_ =	swait.ge [sflag:s20], $0x4000  }
0x29: {  	[sflag:s20] =	ssyncset.done $0x0  }
0x2a: {  	s30 =	simm.s32 $0x1000;
	[sflag:s20] =	ssyncadd.s32 $0xFFFFC000  }
0x2b: {  	[spmem:s2] =	stream.indirect.scatter.add.f32 [tilespmem:s26], [sflag:$0x2], $0x80, s30, s25, $0xb8;
	[tilespmem:$0x1A000] =	vst v63  }
0x2c: {  	_ =	swait.ge [sflag:s20], $0x4000  }
0x2d: {  	s31 =	simm.s32 $0x400;
	s30 =	simm.s32 $0x200;
	[sflag:s20] =	ssyncset.done $0x0  }
.LBB2_2:
0x2e: {  	s0 =	sshra.s32 s30, $0x2  }
0x2f: {  	[sflag:s20] =	ssyncadd.s32 $0xFFFFC000;
	s30 =	smov.u32 s31;
	s1 =	sadd.s32 $0x200, s31  }
0x30: {  	[tilespmem:s26], [sflag:$0x2] =	stream.indirect.gather [hbm4b:s4+s25], $0x80, s0, s25, $0xb8;
	[tilespmem:$0x1A000] =	vst v63  }
0x31: {  	p0 =	sne.s32 s31, $0x1E00;
	_ =	swait.ge [sflag:s20], $0x4000  }
.Ltmp0:
0x32: {  	[sflag:s20] =	ssyncset.done $0x0;
	(pc) =	sbr.rel @p0 .LBB2_2-.Ltmp0, $4  }
0x33: {  	s0 =	sadd.s32 $0x1000, s0;
	[sflag:s20] =	ssyncadd.s32 $0xFFFFC000  }
0x34: {  	[spmem:s2] =	stream.indirect.scatter.add.f32 [tilespmem:s26], [sflag:$0x2], $0x80, s0, s25, $0xb8;
	[tilespmem:$0x1A000] =	vst v63  }
0x35: {  	_ =	swait.ge [sflag:s20], $0x4000  }
0x36: {  	s31 =	smov.u32 s1;
	[sflag:s20] =	ssyncset.done $0x0  }
0x37: {  	s0 =	sshra.s32 s30, $0x2;
	[sflag:s20] =	ssyncadd.s32 $0xFFFFC000  }
0x38: {  	[tilespmem:s26], [sflag:$0x2] =	stream.indirect.gather [hbm4b:s4+s25], $0x80, s0, s25, $0xb8;
	[tilespmem:$0x1A000] =	vst v63  }
0x39: {  	_ =	swait.ge [sflag:s20], $0x4000  }
0x3a: {  	[sflag:s20] =	ssyncset.done $0x0  }
0x3b: {  	s0 =	sadd.s32 $0x1000, s0;
	[sflag:s20] =	ssyncadd.s32 $0xFFFFC000  }
0x3c: {  	[spmem:s2] =	stream.indirect.scatter.add.f32 [tilespmem:s26], [sflag:$0x2], $0x80, s0, s25, $0xb8;
	[tilespmem:$0x1A000] =	vst v63  }
0x3d: {  	_ =	swait.ge [sflag:s20], $0x4000  }
0x3e: {  	[sflag:s20] =	ssyncset.done $0x0  }
0x3f: {  	[sflag:s20] =	ssyncadd.s32 $0xFFFFC000  }
0x40: {  	_ =	swait.ge [sflag:s22], $0x800  }
0x41: {  	[sflag:s22] =	ssyncset.done $0x0  }
0x42: {  	[sflag:s22] =	ssyncadd.s32 $0xFFFFF800  }
0x43: {  	_ =	swait.ge [sflag:s22], $0x800  }
0x44: {  	[sflag:s22] =	ssyncset.done $0x0  }
0x45: {  	s5 =	simm.s32 $0x0;
	[sflag:s22] =	ssyncadd.s32 $0xFFFFF800  }
0x46: {  	[tilespmem:s5], [sflag:$0x1] =	stream.linear.gather [hbm4b:s12+s5], $0x800, $0x38;
	[tilespmem:$0x1A000] =	vst v63  }
0x47: {  	_ = 	snop  }
0x48: {  	[tilespmem:s21], [sflag:$0x1] =	stream.linear.gather [hbm4b:s13+s5], $0x800, $0x38;
	[tilespmem:$0x1A000] =	vst v63  }
0x49: {  	s1 =	simm.s32 $0x800  }
0x4a: {  	[tilespmem:s26], [sflag:$0x2] =	stream.indirect.gather [hbm4b:s4+s25], $0x80, s1, s25, $0xb8;
	[tilespmem:$0x1A000] =	vst v63  }
0x4b: {  	_ =	swait.ge [sflag:s20], $0x4000  }
0x4c: {  	[sflag:s20] =	ssyncset.done $0x0  }
0x4d: {  	s5 =	simm.s32 $0x1800;
	[sflag:s20] =	ssyncadd.s32 $0xFFFFC000  }
0x4e: {  	[spmem:s2] =	stream.indirect.scatter.add.f32 [tilespmem:s26], [sflag:$0x2], $0x80, s5, s25, $0xb8;
	[tilespmem:$0x1A000] =	vst v63  }
0x4f: {  	_ =	swait.ge [sflag:s20], $0x4000  }
0x50: {  	s31 =	simm.s32 $0x400;
	s30 =	simm.s32 $0x80;
	[sflag:s20] =	ssyncset.done $0x0  }
.LBB2_4:
0x51: {  	s0 =	sadd.s32 $0x800, s30  }
0x52: {  	[sflag:s20] =	ssyncadd.s32 $0xFFFFC000;
	s1 =	smov.u32 s31;
	s5 =	sadd.s32 $0x200, s31  }
0x53: {  	[tilespmem:s26], [sflag:$0x2] =	stream.indirect.gather [hbm4b:s4+s25], $0x80, s0, s25, $0xb8;
	[tilespmem:$0x1A000] =	vst v63  }
0x54: {  	p0 =	sne.s32 s31, $0x1E00;
	_ =	swait.ge [sflag:s20], $0x4000  }
.Ltmp1:
0x55: {  	[sflag:s20] =	ssyncset.done $0x0;
	(pc) =	sbr.rel @p0 .LBB2_4-.Ltmp1, $4  }
0x56: {  	s0 =	sadd.s32 $0x1800, s30;
	[sflag:s20] =	ssyncadd.s32 $0xFFFFC000  }
0x57: {  	[spmem:s2] =	stream.indirect.scatter.add.f32 [tilespmem:s26], [sflag:$0x2], $0x80, s0, s25, $0xb8;
	[tilespmem:$0x1A000] =	vst v63  }
0x58: {  	_ =	swait.ge [sflag:s20], $0x4000  }
0x59: {  	s30 =	sshra.s32 s1, $0x2;
	s31 =	smov.u32 s5;
	[sflag:s20] =	ssyncset.done $0x0  }
0x5a: {  	s0 =	sadd.s32 $0x800, s30;
	[sflag:s20] =	ssyncadd.s32 $0xFFFFC000  }
0x5b: {  	[tilespmem:s26], [sflag:$0x2] =	stream.indirect.gather [hbm4b:s4+s25], $0x80, s0, s25, $0xb8;
	[tilespmem:$0x1A000] =	vst v63  }
0x5c: {  	_ =	swait.ge [sflag:s20], $0x4000  }
0x5d: {  	[sflag:s20] =	ssyncset.done $0x0  }
0x5e: {  	s1 =	sadd.s32 $0x1800, s30;
	[sflag:s20] =	ssyncadd.s32 $0xFFFFC000  }
0x5f: {  	[spmem:s2] =	stream.indirect.scatter.add.f32 [tilespmem:s26], [sflag:$0x2], $0x80, s1, s25, $0xb8;
	[tilespmem:$0x1A000] =	vst v63  }
0x60: {  	_ =	swait.ge [sflag:s20], $0x4000  }
0x61: {  	[sflag:s20] =	ssyncset.done $0x0  }
0x62: {  	[sflag:s20] =	ssyncadd.s32 $0xFFFFC000  }
0x63: {  	_ =	swait.ge [sflag:s22], $0x800  }
0x64: {  	[sflag:s22] =	ssyncset.done $0x0  }
0x65: {  	[sflag:s22] =	ssyncadd.s32 $0xFFFFF800  }
0x66: {  	_ =	swait.ge [sflag:s22], $0x800  }
0x67: {  	[sflag:s22] =	ssyncset.done $0x0  }
0x68: {  	s5 =	simm.s32 $0x0;
	[sflag:s22] =	ssyncadd.s32 $0xFFFFF800  }
0x69: {  	[tilespmem:s23], [sflag:$0x1] =	stream.linear.gather [hbm4b:s14+s5], $0x800, $0x38;
	[tilespmem:$0x1A000] =	vst v63  }
0x6a: {  	_ = 	snop  }
0x6b: {  	[tilespmem:s24], [sflag:$0x1] =	stream.linear.gather [hbm4b:s15+s5], $0x800, $0x38;
	[tilespmem:$0x1A000] =	vst v63  }
0x6c: {  	s1 =	simm.s32 $0x0  }
0x6d: {  	[tilespmem:s26], [sflag:$0x2] =	stream.indirect.gather [hbm4b:s4+s25], $0x80, s1, s25, $0xb8;
	[tilespmem:$0x1A000] =	vst v63  }
0x6e: {  	_ =	swait.ge [sflag:s20], $0x4000  }
0x6f: {  	[sflag:s20] =	ssyncset.done $0x0  }
0x70: {  	s5 =	simm.s32 $0x1000;
	[sflag:s20] =	ssyncadd.s32 $0xFFFFC000  }
0x71: {  	[spmem:s2] =	stream.indirect.scatter.add.f32 [tilespmem:s26], [sflag:$0x2], $0x80, s5, s25, $0xb8;
	[tilespmem:$0x1A000] =	vst v63  }
0x72: {  	_ =	swait.ge [sflag:s20], $0x4000  }
0x73: {  	s30 =	simm.s32 $0x200;
	s31 =	simm.s32 $0x400;
	[sflag:s20] =	ssyncset.done $0x0  }
.LBB2_6:
0x74: {  	s0 =	sshra.s32 s30, $0x2  }
0x75: {  	[sflag:s20] =	ssyncadd.s32 $0xFFFFC000;
	s30 =	smov.u32 s31;
	s1 =	sadd.s32 $0x200, s31  }
0x76: {  	[tilespmem:s26], [sflag:$0x2] =	stream.indirect.gather [hbm4b:s4+s25], $0x80, s0, s25, $0xb8;
	[tilespmem:$0x1A000] =	vst v63  }
0x77: {  	p0 =	sne.s32 s31, $0x1E00;
	_ =	swait.ge [sflag:s20], $0x4000  }
.Ltmp2:
0x78: {  	[sflag:s20] =	ssyncset.done $0x0;
	(pc) =	sbr.rel @p0 .LBB2_6-.Ltmp2, $4  }
0x79: {  	s0 =	sadd.s32 $0x1000, s0;
	[sflag:s20] =	ssyncadd.s32 $0xFFFFC000  }
0x7a: {  	[spmem:s2] =	stream.indirect.scatter.add.f32 [tilespmem:s26], [sflag:$0x2], $0x80, s0, s25, $0xb8;
	[tilespmem:$0x1A000] =	vst v63  }
0x7b: {  	_ =	swait.ge [sflag:s20], $0x4000  }
0x7c: {  	s31 =	smov.u32 s1;
	[sflag:s20] =	ssyncset.done $0x0  }
0x7d: {  	s0 =	sshra.s32 s30, $0x2;
	[sflag:s20] =	ssyncadd.s32 $0xFFFFC000  }
0x7e: {  	[tilespmem:s26], [sflag:$0x2] =	stream.indirect.gather [hbm4b:s4+s25], $0x80, s0, s25, $0xb8;
	[tilespmem:$0x1A000] =	vst v63  }
0x7f: {  	_ =	swait.ge [sflag:s20], $0x4000  }
0x80: {  	[sflag:s20] =	ssyncset.done $0x0  }
0x81: {  	s0 =	sadd.s32 $0x1000, s0;
	[sflag:s20] =	ssyncadd.s32 $0xFFFFC000  }
0x82: {  	[spmem:s2] =	stream.indirect.scatter.add.f32 [tilespmem:s26], [sflag:$0x2], $0x80, s0, s25, $0xb8;
	[tilespmem:$0x1A000] =	vst v63  }
0x83: {  	_ =	swait.ge [sflag:s20], $0x4000  }
0x84: {  	[sflag:s20] =	ssyncset.done $0x0  }
0x85: {  	[sflag:s20] =	ssyncadd.s32 $0xFFFFC000  }
0x86: {  	_ =	swait.ge [sflag:s22], $0x800  }
0x87: {  	[sflag:s22] =	ssyncset.done $0x0  }
0x88: {  	[sflag:s22] =	ssyncadd.s32 $0xFFFFF800  }
0x89: {  	_ =	swait.ge [sflag:s22], $0x800  }
0x8a: {  	[sflag:s22] =	ssyncset.done $0x0  }
0x8b: {  	s5 =	simm.s32 $0x0;
	[sflag:s22] =	ssyncadd.s32 $0xFFFFF800  }
0x8c: {  	[tilespmem:s5], [sflag:$0x1] =	stream.linear.gather [hbm4b:s16+s5], $0x800, $0x38;
	[tilespmem:$0x1A000] =	vst v63  }
0x8d: {  	_ = 	snop  }
0x8e: {  	[tilespmem:s21], [sflag:$0x1] =	stream.linear.gather [hbm4b:s17+s5], $0x800, $0x38;
	[tilespmem:$0x1A000] =	vst v63  }
0x8f: {  	s1 =	simm.s32 $0x800  }
0x90: {  	[tilespmem:s26], [sflag:$0x2] =	stream.indirect.gather [hbm4b:s4+s25], $0x80, s1, s25, $0xb8;
	[tilespmem:$0x1A000] =	vst v63  }
0x91: {  	_ =	swait.ge [sflag:s20], $0x4000  }
0x92: {  	[sflag:s20] =	ssyncset.done $0x0  }
0x93: {  	s5 =	simm.s32 $0x1800;
	[sflag:s20] =	ssyncadd.s32 $0xFFFFC000  }
0x94: {  	[spmem:s2] =	stream.indirect.scatter.add.f32 [tilespmem:s26], [sflag:$0x2], $0x80, s5, s25, $0xb8;
	[tilespmem:$0x1A000] =	vst v63  }
0x95: {  	_ =	swait.ge [sflag:s20], $0x4000  }
0x96: {  	s31 =	simm.s32 $0x400;
	s30 =	simm.s32 $0x80;
	[sflag:s20] =	ssyncset.done $0x0  }
.LBB2_8:
0x97: {  	s0 =	sadd.s32 $0x800, s30  }
0x98: {  	[sflag:s20] =	ssyncadd.s32 $0xFFFFC000;
	s1 =	smov.u32 s31;
	s5 =	sadd.s32 $0x200, s31  }
0x99: {  	[tilespmem:s26], [sflag:$0x2] =	stream.indirect.gather [hbm4b:s4+s25], $0x80, s0, s25, $0xb8;
	[tilespmem:$0x1A000] =	vst v63  }
0x9a: {  	p0 =	sne.s32 s31, $0x1E00;
	_ =	swait.ge [sflag:s20], $0x4000  }
.Ltmp3:
0x9b: {  	[sflag:s20] =	ssyncset.done $0x0;
	(pc) =	sbr.rel @p0 .LBB2_8-.Ltmp3, $4  }
0x9c: {  	s0 =	sadd.s32 $0x1800, s30;
	[sflag:s20] =	ssyncadd.s32 $0xFFFFC000  }
0x9d: {  	[spmem:s2] =	stream.indirect.scatter.add.f32 [tilespmem:s26], [sflag:$0x2], $0x80, s0, s25, $0xb8;
	[tilespmem:$0x1A000] =	vst v63  }
0x9e: {  	_ =	swait.ge [sflag:s20], $0x4000  }
0x9f: {  	s30 =	sshra.s32 s1, $0x2;
	s31 =	smov.u32 s5;
	[sflag:s20] =	ssyncset.done $0x0  }
0xa0: {  	s0 =	sadd.s32 $0x800, s30;
	[sflag:s20] =	ssyncadd.s32 $0xFFFFC000  }
0xa1: {  	[tilespmem:s26], [sflag:$0x2] =	stream.indirect.gather [hbm4b:s4+s25], $0x80, s0, s25, $0xb8;
	[tilespmem:$0x1A000] =	vst v63  }
0xa2: {  	_ =	swait.ge [sflag:s20], $0x4000  }
0xa3: {  	[sflag:s20] =	ssyncset.done $0x0  }
0xa4: {  	s5 =	sadd.s32 $0x1800, s30;
	[sflag:s20] =	ssyncadd.s32 $0xFFFFC000  }
0xa5: {  	[spmem:s2] =	stream.indirect.scatter.add.f32 [tilespmem:s26], [sflag:$0x2], $0x80, s5, s25, $0xb8;
	[tilespmem:$0x1A000] =	vst v63  }
0xa6: {  	_ =	swait.ge [sflag:s20], $0x4000  }
0xa7: {  	[sflag:s20] =	ssyncset.done $0x0  }
0xa8: {  	[sflag:s20] =	ssyncadd.s32 $0xFFFFC000  }
0xa9: {  	_ =	swait.ge [sflag:s22], $0x800  }
0xaa: {  	[sflag:s22] =	ssyncset.done $0x0  }
0xab: {  	[sflag:s22] =	ssyncadd.s32 $0xFFFFF800  }
0xac: {  	_ =	swait.ge [sflag:s22], $0x800  }
0xad: {  	[sflag:s22] =	ssyncset.done $0x0  }
0xae: {  	s1 =	simm.s32 $0x0;
	[sflag:s22] =	ssyncadd.s32 $0xFFFFF800  }
0xaf: {  	[tilespmem:s26], [sflag:$0x2] =	stream.indirect.gather [hbm4b:s4+s25], $0x80, s1, s25, $0xb8;
	[tilespmem:$0x1A000] =	vst v63  }
0xb0: {  	_ =	swait.ge [sflag:s20], $0x4000  }
0xb1: {  	[sflag:s20] =	ssyncset.done $0x0  }
0xb2: {  	s5 =	simm.s32 $0x1000;
	[sflag:s20] =	ssyncadd.s32 $0xFFFFC000  }
0xb3: {  	[spmem:s2] =	stream.indirect.scatter.add.f32 [tilespmem:s26], [sflag:$0x2], $0x80, s5, s25, $0xb8;
	[tilespmem:$0x1A000] =	vst v63  }
0xb4: {  	_ =	swait.ge [sflag:s20], $0x4000  }
0xb5: {  	s30 =	simm.s32 $0x200;
	s31 =	simm.s32 $0x400;
	[sflag:s20] =	ssyncset.done $0x0  }
.LBB2_10:
0xb6: {  	s0 =	sshra.s32 s30, $0x2  }
0xb7: {  	[sflag:s20] =	ssyncadd.s32 $0xFFFFC000;
	s30 =	smov.u32 s31;
	s1 =	sadd.s32 $0x200, s31  }
0xb8: {  	[tilespmem:s26], [sflag:$0x2] =	stream.indirect.gather [hbm4b:s4+s25], $0x80, s0, s25, $0xb8;
	[tilespmem:$0x1A000] =	vst v63  }
0xb9: {  	p0 =	sne.s32 s31, $0x1E00;
	_ =	swait.ge [sflag:s20], $0x4000  }
.Ltmp4:
0xba: {  	[sflag:s20] =	ssyncset.done $0x0;
	(pc) =	sbr.rel @p0 .LBB2_10-.Ltmp4, $4  }
0xbb: {  	s0 =	sadd.s32 $0x1000, s0;
	[sflag:s20] =	ssyncadd.s32 $0xFFFFC000  }
0xbc: {  	[spmem:s2] =	stream.indirect.scatter.add.f32 [tilespmem:s26], [sflag:$0x2], $0x80, s0, s25, $0xb8;
	[tilespmem:$0x1A000] =	vst v63  }
0xbd: {  	_ =	swait.ge [sflag:s20], $0x4000  }
0xbe: {  	s31 =	smov.u32 s1;
	[sflag:s20] =	ssyncset.done $0x0  }
0xbf: {  	s0 =	sshra.s32 s30, $0x2;
	[sflag:s20] =	ssyncadd.s32 $0xFFFFC000  }
0xc0: {  	[tilespmem:s26], [sflag:$0x2] =	stream.indirect.gather [hbm4b:s4+s25], $0x80, s0, s25, $0xb8;
	[tilespmem:$0x1A000] =	vst v63  }
0xc1: {  	_ =	swait.ge [sflag:s20], $0x4000  }
0xc2: {  	[sflag:s20] =	ssyncset.done $0x0  }
0xc3: {  	s0 =	sadd.s32 $0x1000, s0;
	[sflag:s20] =	ssyncadd.s32 $0xFFFFC000  }
0xc4: {  	[spmem:s2] =	stream.indirect.scatter.add.f32 [tilespmem:s26], [sflag:$0x2], $0x80, s0, s25, $0xb8;
	[tilespmem:$0x1A000] =	vst v63  }
0xc5: {  	_ =	swait.ge [sflag:s20], $0x4000  }
0xc6: {  	s28 =	sadd.s32 $0x1, s28;
	[sflag:s20] =	ssyncset.done $0x0  }
0xc7: {  	p0 =	sne.s32 s28, s19;
	[sflag:s20] =	ssyncadd.s32 $0xFFFFC000  }
.Ltmp5:
0xc8: {  	[bflag:$0x0] =	sbarrier.arrive $0xFFFF;
	(pc) =	sbr.rel @p0 .LBB2_1-.Ltmp5, $4  }
0xc9: {  	[hbm:s18], [sflag:s7] =	dma.local [spmem:s29], $0x2800  }
0xca: {  	_ =	swait.ge [sflag:s20], $0x2800  }
0xcb: {  	[sflag:s20] =	ssyncset.done $0x0  }
0xcc: {  	[sflag:s20] =	ssyncadd.s32 $0xFFFFD800  }
0xcd: {  	_ =	sfence.sel $0x180000  }
0xce: {  	[bflag:$0x0] =	sbarrier.arrive $0xFFFF  }
0xcf: {  	_ =	strace $0x9000004D  }
0xd0: {  	s0 =	stileid.u32;
	[bflag:$0x2] =	sbarrier.arrive $0xFFFF  }
0xd1: {  	p0 =	sne.s32 s0, $0x0;
	s0 =	rddreg [dreg:$0x2]  }
0xd2: {  	s0 =	sadd.s32 @!p0 $0x100000, s0  }
0xd3: {  	[sflag:s0] =	ssyncadd.tile.s32 @!p0 $0x1;
	_ =	shalt  }
.Lfunc_end2:
_tile_overlayer_lowered:
.L_overlay_start_2:
0xd4: {  	(tag) =	ssettag $0x2  }
0xd5: {  	s0 =	rddreg [dreg:$0x0];
	s2 =	stileid.u32  }
0xd6: {  	s1 =	rddreg [dreg:$0x1];
	p0 =	sne.s32 s2, $0x0  }
0xd7: {  	s3 =	rddreg [dreg:$0x2];
	[bflag:$0x3] =	sbarrier.arrive $0xFFFF;
	s2 =	simm.s32 @!p0 $0x1C02  }
0xd8: {  	[timem:s3], [sflag:s2] =	dma.local @!p0 [hbm:s0], s1  }
0xd9: {  	s0 =	simm.s32 @!p0 $0x2  }
0xda: {  	_ =	swait.ge @!p0 [sflag:s0], s1  }
0xdb: {  	s1 =	ssub.s32 @!p0 $0x0, s1;
	[sflag:s0] =	ssyncset.done @!p0 $0x0  }
0xdc: {  	[sflag:s0] =	ssyncadd.s32 @!p0 s1  }
0xdd: {  	[bflag:$0x3] =	sbarrier.arrive $0xFFFF  }
0xde: {  	_ =	shalt  }

// kernel: kernel.8.cloned.1.call-start
scs
__scs_entry_jumppad:
0x0: {  	(pc) =	sbr.rel $0x88, $3  }
0x1: {  	(tag) =	ssettag $0x0;
	lr =	simm.s32 $0x1  }
0x2: {  	[smem:$0x3F99] =	sst lr;
	_ =	strace $0xD0000000  }
0x3: {  	_ = 	snop  }
0x4: {  	_ = 	snop  }
0x5: {  	_ = 	snop  }
0x6: {  	_ = 	snop  }
0x7: {  	_ = 	snop  }
__scs_overlays_trampoline_lowered:
0x8: {  	[smem:$0x3FA8] =	sst s0  }
0x9: {  	[smem:$0x3FA9] =	sst s1  }
0xa: {  	[smem:$0x3FAA] =	sst s2  }
0xb: {  	[smem:$0x3FAB] =	sst s3  }
0xc: {  	[smem:$0x3FAC] =	sst s4  }
0xd: {  	[smem:$0x3FAD] =	sst s5  }
0xe: {  	[smem:$0x3FAE] =	sst s6  }
0xf: {  	[smem:$0x3FAF] =	sst s7  }
0x10: {  	[smem:$0x3FB0] =	sst s8  }
0x11: {  	[smem:$0x3FB1] =	sst s9;
	s0 =	simm.s32 @!p0 $0x0  }
0x12: {  	s1 =	sld [smem:$0x3F97];
	s0 =	simm.s32 @p0 $0x1  }
0x13: {  	[smem:$0x3FB2] =	sst s0;
	s0 =	simm.s32 @!p1 $0x0  }
0x14: {  	s2 =	sld [smem:$0x3F96];
	s0 =	simm.s32 @p1 $0x1  }
0x15: {  	[smem:$0x3FB3] =	sst s0;
	s0 =	simm.s32 @!p2 $0x0  }
0x16: {  	s3 =	sld [smem:$0x3FDB];
	s0 =	simm.s32 @p2 $0x1  }
0x17: {  	s4 =	simm.s32 $0x1BF5;
	[smem:$0x3FB5] =	sst s0  }
0x18: {  	s0 =	sld [smem:$0x3F98];
	_ =	swait.ge [sflag:s4], $0x0  }
0x19: {  	s7 =	sld [smem:$0x3F99]  }
0x1a: {  	s8 =	sadd.s32 $0xFFFFE003, lr  }
0x1b: {  	s9 =	sadd.s32 $0xFFFFFEF7, lr;
	s5 =	simm.s32 $0xFFFFFFFF;
	p2 =	slt.u32 s8, $0xFFFFF086  }
0x1c: {  	p1 =	slt.u32 s9, $0xF7A;
	s5 =	simm.s32 @!p2 $0x0  }
0x1d: {  	s5 =	simm.s32 @p1 $0x1;
	p0 =	seq.s32 s7, s2  }
0x1e: {  	s7 =	smul.u32 @!p0 $0xF7A, s2;
	p2 =	seq.s32 @!p0 s5, $0x0  }
0x1f: {  	s9 =	smul.u32 $0xF7A, s1;
	s8 =	simm.s32 @!p0 $0x1BF5;
	p2 =	por !p2, p0  }
0x20: {  	[sflag:s8] =	ssyncset.s32 @!p0 $0xFFFFF086;
	s6 =	sadd.s32 @!p0 s3, s7;
	s7 =	simm.s32 @!p0 $0x108  }
0x21: {  	s3 =	sadd.s32 s3, s9;
	s6 =	sadd.s32 @!p0 $0x88, s6;
	s7 =	simm.s32 @p2 $0x1082  }
0x22: {  	[simem:s7], [sflag:s8] =	dma.local @!p0 [hbm:s6], $0xF7A  }
0x23: {  	s9 =	sor.u32 $0xD0000000, s2;
	s6 =	simm.s32 $0x108;
	_ =	swait.ge @!p0 [sflag:s8], $0x0  }
0x24: {  	s3 =	sadd.s32 $0x88, s3;
	s6 =	simm.s32 @!p1 $0x1082;
	[sflag:s4] =	ssyncset.s32 $0xFFFFF086  }
0x25: {  	[simem:s6], [sflag:s4] =	dma.local [hbm:s3], $0xF7A  }
0x26: {  	[smem:$0x3F99] =	sst s1;
	(tag) =	ssettag s2;
	_ =	strace s9  }
0x27: {  	s1 =	sld [smem:$0x3FA9]  }
0x28: {  	s2 =	sld [smem:$0x3FAA]  }
0x29: {  	s4 =	sld [smem:$0x3FAC]  }
0x2a: {  	p0 =	seq.s32 s5, $0x0;
	s5 =	sld [smem:$0x3FAD]  }
0x2b: {  	s6 =	sld [smem:$0x3FAE]  }
0x2c: {  	s7 =	sld [smem:$0x3FAF]  }
0x2d: {  	s3 =	simm.s32 $0x108;
	s8 =	sld [smem:$0x3FB0]  }
0x2e: {  	s3 =	simm.s32 @!p0 $0x1082;
	s9 =	sld [smem:$0x3FB1]  }
0x2f: {  	lr =	sadd.s32 s0, s3;
	s0 =	sld [smem:$0x3FA8]  }
0x30: {  	s3 =	sld [smem:$0x3FAB]  }
0x31: {  	[smem:$0x3FB4] =	sst s10  }
0x32: {  	s10 =	sld [smem:$0x3FB2];
	_ =	sdelay $0x3  }
0x33: {  	p0 =	seq.s32 s10, $0x1;
	s10 =	sld [smem:$0x3FB4];
	_ =	sdelay $0x3  }
0x34: {  	[smem:$0x3FB4] =	sst s10  }
0x35: {  	s10 =	sld [smem:$0x3FB3];
	_ =	sdelay $0x3  }
0x36: {  	p1 =	seq.s32 s10, $0x1;
	s10 =	sld [smem:$0x3FB4];
	_ =	sdelay $0x3  }
0x37: {  	[smem:$0x3FB4] =	sst s10  }
0x38: {  	s10 =	sld [smem:$0x3FB5]  }
0x39: {  	_ = 	snop;
	(pc) =	sbr.ind lr, $3  }
0x3a: {  	_ = 	snop  }
0x3b: {  	_ = 	snop  }
0x3c: {  	p2 =	seq.s32 s10, $0x1;
	s10 =	sld [smem:$0x3FB4]  }
0x3d: {  	_ =	shalt  }
0x3e: {  	_ =	shalt  }
0x3f: {  	_ =	shalt  }
0x40: {  	_ =	shalt  }
0x41: {  	_ =	shalt  }
0x42: {  	_ =	shalt  }
0x43: {  	_ =	shalt  }
0x44: {  	_ =	shalt  }
0x45: {  	_ =	shalt  }
0x46: {  	_ =	shalt  }
0x47: {  	_ =	shalt  }
0x48: {  	_ =	shalt  }
0x49: {  	_ =	shalt  }
0x4a: {  	_ =	shalt  }
0x4b: {  	_ =	shalt  }
0x4c: {  	_ =	shalt  }
0x4d: {  	_ =	shalt  }
0x4e: {  	_ =	shalt  }
0x4f: {  	_ =	shalt  }
0x50: {  	_ =	shalt  }
0x51: {  	_ =	shalt  }
0x52: {  	_ =	shalt  }
0x53: {  	_ =	shalt  }
0x54: {  	_ =	shalt  }
0x55: {  	_ =	shalt  }
0x56: {  	_ =	shalt  }
0x57: {  	_ =	shalt  }
0x58: {  	_ =	shalt  }
0x59: {  	_ =	shalt  }
0x5a: {  	_ =	shalt  }
0x5b: {  	_ =	shalt  }
0x5c: {  	_ =	shalt  }
0x5d: {  	_ =	shalt  }
0x5e: {  	_ =	shalt  }
0x5f: {  	_ =	shalt  }
0x60: {  	_ =	shalt  }
0x61: {  	_ =	shalt  }
0x62: {  	_ =	shalt  }
0x63: {  	_ =	shalt  }
0x64: {  	_ =	shalt  }
0x65: {  	_ =	shalt  }
0x66: {  	_ =	shalt  }
0x67: {  	_ =	shalt  }
0x68: {  	_ =	shalt  }
0x69: {  	_ =	shalt  }
0x6a: {  	_ =	shalt  }
0x6b: {  	_ =	shalt  }
0x6c: {  	_ =	shalt  }
0x6d: {  	_ =	shalt  }
0x6e: {  	_ =	shalt  }
0x6f: {  	_ =	shalt  }
0x70: {  	_ =	shalt  }
0x71: {  	_ =	shalt  }
0x72: {  	_ =	shalt  }
0x73: {  	_ =	shalt  }
0x74: {  	_ =	shalt  }
0x75: {  	_ =	shalt  }
0x76: {  	_ =	shalt  }
0x77: {  	_ =	shalt  }
0x78: {  	_ =	shalt  }
0x79: {  	_ =	shalt  }
0x7a: {  	_ =	shalt  }
0x7b: {  	_ =	shalt  }
0x7c: {  	_ =	shalt  }
0x7d: {  	_ =	shalt  }
0x7e: {  	_ =	shalt  }
0x7f: {  	_ =	shalt  }
0x80: {  	_ =	shalt  }
0x81: {  	_ =	shalt  }
0x82: {  	_ =	shalt  }
0x83: {  	_ =	shalt  }
0x84: {  	_ =	shalt  }
0x85: {  	_ =	shalt  }
0x86: {  	_ =	shalt  }
0x87: {  	_ =	shalt  }
.Lfunc_end0:
.L_simem_size_0:
called_computation_lowered:
.L_overlay_start_0:
0x88: {  	s2 =	sld [smem:$0x3FD9]  }
0x89: {  	s3 =	sld [smem:$0x3FFE];
	_ =	sdelay $0x1  }
0x8a: {  	s1 =	srdreg.scid  }
0x8b: {  	s0 =	sand.u32 $0x1, s1  }
0x8c: {  	s16 =	sshll.u32 s0, $0xA;
	s2 =	sadd.s32 s3, s2  }
0x8d: {  	s2 =	sadd.s32 s2, s16  }
0x8e: {  	[smem:$0x3FC0] =	sst s2  }
0x8f: {  	_ = 	snop  }
0x90: {  	(tm) =	ssettm $0x1  }
0x91: {  	s17 =	sld [smem:$0x3FFB];
	_ =	sdelay $0x3  }
0x92: {  	_ =	strace s17  }
0x93: {  	s2 =	sld [smem:$0x3FFC];
	_ =	sdelay $0x3  }
0x94: {  	_ =	strace s2  }
0x95: {  	s2 =	sld [smem:$0x3FFD];
	_ =	sdelay $0x3  }
0x96: {  	_ =	strace s2  }
0x97: {  	_ =	strace $0x8FFFFFFF  }
0x98: {  	s18 =	sld [smem:$0x3FDB];
	_ =	sdelay $0x1  }
0x99: {  	s19 =	simm.s32 $_scs_section_size  }
0x9a: {  	s4 =	simm.s32 $_size__tile_overlayer_lowered;
	s5 =	simm.s32 $_tile_overlayer_lowered  }
0x9b: {  	s22 =	simm.s32 $0x1BFF;
	s21 =	sshll.u32 s5, $0x1;
	s2 =	sadd.s32 s19, s18  }
0x9c: {  	s6 =	simm.s32 $0x0;
	s20 =	sshll.u32 s4, $0x1;
	s4 =	sadd.s32 s21, s2  }
0x9d: {  	[timem:s6], [sflag:s22] =	dma.local [hbm:s4], s20  }
0x9e: {  	_ =	swait.ge [sflag:s22], s20  }
0x9f: {  	s3 =	ssub.s32 $0x0, s20;
	[sflag:s22] =	ssyncset.done $0x0  }
0xa0: {  	[sflag:s22] =	ssyncadd.s32 s3;
	_ =	sdelay $0x1  }
0xa1: {  	s23 =	simm.s32 $0x1B8B  }
0xa2: {  	_ =	swait.ge [sflag:s23], $0x1  }
0xa3: {  	[sflag:s23] =	ssyncset.done $0x0  }
0xa4: {  	s25 =	simm.s32 $0x1B8E;
	s24 =	sld [smem:$0x3FFE];
	[sflag:s23] =	ssyncadd.s32 $0xFFFFFFFF  }
0xa5: {  	s26 =	simm.s32 $execute0_lowered;
	[smem:$0x3FD2] =	sst s25  }
0xa6: {  	s4 =	sshll.u32 s26, $0x1;
	_ =	strace $0x80000046;
	[dreg:$0x1] =	wrdreg $0xFFFFFFFF  }
0xa7: {  	s28 =	simm.s32 $_size_execute0_lowered;
	s2 =	sadd.s32 s2, s4;
	[dreg:$0x0] =	wrdreg $0x0  }
0xa8: {  	s4 =	sshll.u32 s28, $0x1;
	[dreg:$0x2] =	wrdreg s2  }
0xa9: {  	[dreg:$0x3] =	wrdreg s4  }
0xaa: {  	[dreg:$0x4] =	wrdreg $0xC0  }
0xab: {  	_ =	task [dreg:s6], $0x5FFFF  }
0xac: {  	[dreg:$0x1] =	wrdreg $0xFFFFFFFF  }
0xad: {  	[dreg:$0x0] =	wrdreg $0x60  }
0xae: {  	[dreg:$0x2] =	wrdreg s24  }
0xaf: {  	[dreg:$0x3] =	wrdreg $0x198000  }
0xb0: {  	[dreg:$0x4] =	wrdreg $0x9  }
0xb1: {  	_ =	task.clear_ibuf [dreg:s6], $0x5FFFF;
	_ =	strace $0x90000046  }
0xb2: {  	s29 =	simm.s32 $0x9;
	_ =	strace $0x80000048  }
0xb3: {  	_ =	swait.ge [sflag:s29], $0x1  }
0xb4: {  	[sflag:s29] =	ssyncadd.s32 $0xFFFFFFFF  }
0xb5: {  	_ =	strace $0x90000048  }
0xb6: {  	_ =	sfence  }
0xb7: {  	s30 =	sld [smem:$0x0];
	_ =	sdelay $0x2  }
0xb8: {  	s31 =	sshll.u32 s1, $0xD;
	s1 =	sshrl.u32 s1, $0x2  }
0xb9: {  	s3 =	sand.u32 $0x4000, s31;
	s1 =	sadd.s32 s1, s30  }
0xba: {  	s0 =	sor.u32 s3, s0;
	s1 =	sshll.u32 s1, $0x11  }
0xbb: {  	s0 =	sor.u32 s1, s0  }
0xbc: {  	s0 =	sadd.s32 $0x8F2B, s0  }
0xbd: {  	[sflag:s0] =	ssyncadd.remote.s32 $0x1  }
0xbe: {  	_ =	sfence.sel $0xFFFF  }
0xbf: {  	[dreg:$0x0] =	wrdreg $0xFFFFFFFF;
	(pc) =	sbr.abs _section_cstart, $3  }
0xc0: {  	[dreg:$0x1] =	wrdreg $0xFFFFFFFF  }
0xc1: {  	_ =	task.clear_ibuf [dreg:s6], $0x2FFFF;
	_ =	strace $0x9FFFFFFF  }
0xc2: {  	(tm) =	ssettm $0x7FFFFFFF  }
0xc3: {  	_ =	shalt  }
tec
execute0_lowered:
.L_overlay_start_1:
0x0: {  	(tag) =	ssettag $0x1  }
0x1: {  	s4 =	rddreg [dreg:$0x0]  }
0x2: {  	s6 =	rddreg [dreg:$0x1];
	s1 =	srdreg.scid  }
0x3: {  	s0 =	rddreg [dreg:$0x2];
	s5 =	sand.u32 $0x1, s1  }
0x4: {  	s2 =	simm.s32 $0x0;
	s1 =	stileid.u32;
	s7 =	smul.u32 $0x28000, s5  }
0x5: {  	s12 =	simm.s32 $0x0;
	[smem:$0x7FF] =	sst s2;
	s8 =	smul.u32 $0x2800, s1  }
0x6: {  	s3 =	sadd.s32 $0x2200, s4;
	s9 =	ssub.s32 $0x2, s5;
	s10 =	smul.u32 $0xA000, s1  }
0x7: {  	_ =	strace $0x80000047;
	s11 =	smul.u32 $0xA00, s1;
	s28 =	sshrl.u32 s9, $0x1  }
0x8: {  	s29 =	sshll.u32 s5, $0x4;
	s7 =	sadd.s32 s8, s7;
	s8 =	ssub.s32 s9, s28  }
0x9: {  	s30 =	sshrl.u32 s10, $0x2;
	s31 =	sshrl.u32 s11, $0x2;
	s9 =	simm.s32 $0x1  }
0xa: {  	s10 =	simm.s32 $0x800;
	s11 =	simm.s32 $0x5800;
	s7 =	sadd.s32 s7, s4  }
0xb: {  	v2 =	vlaneseq.u32;
	s4 =	sor.u32 s1, s29;
	s5 =	sadd.s32 s30, s6;
	s6 =	sadd.s32 s31, s6  }
0xc: {  	v0 =	vimm.f32 $0.0e+00;
	v1 =	vimm.f32 $1.000000000e+00;
	v2 =	vmul.u32 $0x80, v2;
	s8 =	smax.u32 s8, $0x1;
	s4 =	smul.u32 $0x5, s4;
	s7 =	sadd.s32 $0xC200, s7  }
.LBB2_1:
0xd: {  	s13 =	simm.s32 $0x40;
	s14 =	simm.s32 $0x0  }
.LBB2_2:
0xe: {  	p0 =	sne.s32 s13, $0x9FC0;
	[tilespmem:s14+$0x800] =	vst v0;
	s14 =	smov.u32 s13;
	s13 =	sadd.s32 $0x40, s13  }
.Ltmp0:
0xf: {  	(pc) =	sbr.rel @p0 .LBB2_2-.Ltmp0, $2  }
0x10: {  	_ =	sdelay $0x2  }
0x11: {  	s14 =	sshra.s32 s14, $0x2  }
0x12: {  	[tilespmem:s14+$0x800] =	vst v0;
	s13 =	simm.s32 $0x0;
	s14 =	simm.s32 $0x0  }
.LBB2_4:
0x13: {  	s15 =	sadd.s32 s4, s14  }
0x14: {  	s15 =	sshll.u32 s15, $0x8  }
0x15: {  	s15 =	sadd.s32 s3, s15  }
0x16: {  	[tilespmem:s13], [sflag:$0x1] =	stream.linear.gather [hbm4b:s15+s13], $0x800, $0x38;
	[tilespmem:$0x1C000] =	vst v63  }
0x17: {  	_ =	swait.ge [sflag:s9], $0x800  }
0x18: {  	[sflag:s9] =	ssyncset.done $0x0  }
0x19: {  	s15 =	simm.s32 $0x0;
	[sflag:s9] =	ssyncadd.s32 $0xFFFFF800  }
.LBB2_5:
0x1a: {  	s16 =	sshra.s32 s15, $0x2  }
0x1b: {  	v3 =	vld [tilespmem:s16+$0x0];
	_ =	sdelay $0x7  }
0x1c: {  	[tilespmem:v3+s10+$0x0] =	vst.idx.add.f32.msk $0xffff, v1  }
0x1d: {  	v3 =	vld [tilespmem:s16+$0x10];
	_ =	sdelay $0x7  }
0x1e: {  	[tilespmem:v3+s10+$0x0] =	vst.idx.add.f32.msk $0xffff, v1  }
0x1f: {  	v3 =	vld [tilespmem:s16+$0x20];
	_ =	sdelay $0x7  }
0x20: {  	[tilespmem:v3+s10+$0x0] =	vst.idx.add.f32.msk $0xffff, v1  }
0x21: {  	v3 =	vld [tilespmem:s16+$0x30];
	_ =	sdelay $0x7  }
0x22: {  	[tilespmem:v3+s10+$0x0] =	vst.idx.add.f32.msk $0xffff, v1  }
0x23: {  	v3 =	vld [tilespmem:s16+$0x40];
	_ =	sdelay $0x7  }
0x24: {  	[tilespmem:v3+s10+$0x0] =	vst.idx.add.f32.msk $0xffff, v1  }
0x25: {  	v3 =	vld [tilespmem:s16+$0x50];
	_ =	sdelay $0x7  }
0x26: {  	[tilespmem:v3+s10+$0x0] =	vst.idx.add.f32.msk $0xffff, v1  }
0x27: {  	v3 =	vld [tilespmem:s16+$0x60];
	_ =	sdelay $0x7  }
0x28: {  	[tilespmem:v3+s10+$0x0] =	vst.idx.add.f32.msk $0xffff, v1  }
0x29: {  	v3 =	vld [tilespmem:s16+$0x70];
	_ =	sdelay $0x2  }
0x2a: {  	p0 =	sne.s32 s15, $0x1E00  }
.Ltmp1:
0x2b: {  	_ = 	snop;
	(pc) =	sbr.rel @p0 .LBB2_5-.Ltmp1, $2  }
0x2c: {  	_ =	sdelay $0x2  }
0x2d: {  	s15 =	sadd.s32 $0x200, s15;
	[tilespmem:v3+s10+$0x0] =	vst.idx.add.f32.msk $0xffff, v1  }
0x2e: {  	s14 =	sadd.s32 $0x1, s14  }
0x2f: {  	p0 =	sne.s32 s14, $0x5  }
.Ltmp2:
0x30: {  	_ = 	snop;
	(pc) =	sbr.rel @p0 .LBB2_4-.Ltmp2, $1  }
0x31: {  	_ =	sdelay $0x3  }
0x32: {  	[spmem:s5] =	stream.linear.scatter [tilespmem:s10], [sflag:$0x1], $0x2800, $0x38;
	[tilespmem:$0x1C000] =	vst v63  }
0x33: {  	s13 =	simm.s32 $0x0  }
0x34: {  	s13 =	smul.u32 $0x5000, s13  }
0x35: {  	s14 =	simm.s32 $0x0;
	_ =	swait.ge [sflag:s9], $0x2800  }
0x36: {  	s15 =	sand.u32 $0x380, s14;
	[sflag:s9] =	ssyncset.done $0x0;
	s13 =	sshra.s32 s13, $0x2  }
0x37: {  	[sflag:s9] =	ssyncadd.s32 $0xFFFFD800;
	s17 =	sor.u32 s15, s13  }
0x38: {  	s19 =	sadd.s32 $0x0, s6;
	[bflag:$0x0] =	sbarrier.arrive $0xFFFF;
	s13 =	sadd.s32 $0x3000, s17  }
0x39: {  	[tilespmem:s13], [sflag:$0x1] =	stream.linear.gather [spmem:s19], $0x80, $0x38;
	[tilespmem:$0x1C000] =	vst v63  }
0x3a: {  	s16 =	simm.s32 $0xA000;
	s28 =	sadd.s32 $0x80, s19;
	s15 =	sadd.s32 $0x3400, s17  }
0x3b: {  	[tilespmem:s15], [sflag:$0x1] =	stream.linear.gather [spmem:s28], $0x80, $0x38;
	[tilespmem:$0x1C000] =	vst v63  }
0x3c: {  	s31 =	simm.s32 $0x0;
	s29 =	sadd.s32 $0x100, s19;
	s18 =	sadd.s32 $0x3800, s17  }
0x3d: {  	[tilespmem:s18], [sflag:$0x1] =	stream.linear.gather [spmem:s29], $0x80, $0x38;
	[tilespmem:$0x1C000] =	vst v63  }
0x3e: {  	s30 =	sadd.s32 $0x180, s19;
	s20 =	sadd.s32 $0x3C00, s17;
	s17 =	sadd.s32 $0x4000, s17  }
0x3f: {  	[tilespmem:s20], [sflag:$0x1] =	stream.linear.gather [spmem:s30], $0x80, $0x38;
	[tilespmem:$0x1C000] =	vst v63  }
0x40: {  	s13 =	simm.s32 $0x80;
	s19 =	sadd.s32 $0x200, s19;
	s15 =	simm.s32 $0x14000  }
0x41: {  	[tilespmem:s17], [sflag:$0x1] =	stream.linear.gather [spmem:s19], $0x80, $0x38;
	[tilespmem:$0x1C000] =	vst v63  }
0x42: {  	s18 =	sand.u32 $0x380, s13;
	s20 =	smul.u32 $0x5000, s31;
	_ =	swait.ge [sflag:s9], $0x280  }
0x43: {  	s17 =	simm.s32 $0x1;
	s19 =	simm.s32 $0x100;
	[sflag:s9] =	ssyncset.done $0x0  }
.LBB2_8:
0x44: {  	s21 =	sand.u32 $0x380, s19  }
0x45: {  	s20 =	sshra.s32 s20, $0x2;
	[sflag:s9] =	ssyncadd.s32 $0xFFFFFD80;
	s22 =	smov.u32 s15  }
0x46: {  	p0 =	sne.s32 s15, $0x96000;
	s16 =	sshra.s32 s16, $0x2;
	s20 =	sor.u32 s18, s20  }
0x47: {  	s15 =	sadd.s32 $0xA000, s15;
	s23 =	sadd.s32 s16, s6;
	s18 =	sadd.s32 $0x3000, s20  }
0x48: {  	[tilespmem:s18], [sflag:$0x1] =	stream.linear.gather [spmem:s23], $0x80, $0x38;
	[tilespmem:$0x1C000] =	vst v63  }
0x49: {  	s16 =	sadd.s32 $0x80, s23;
	s24 =	sadd.s32 $0x3400, s20;
	s18 =	smov.u32 s21  }
0x4a: {  	[tilespmem:s24], [sflag:$0x1] =	stream.linear.gather [spmem:s16], $0x80, $0x38;
	[tilespmem:$0x1C000] =	vst v63  }
0x4b: {  	s21 =	sadd.s32 $0x100, s23;
	s24 =	sadd.s32 $0x3800, s20;
	s16 =	smov.u32 s22  }
0x4c: {  	[tilespmem:s24], [sflag:$0x1] =	stream.linear.gather [spmem:s21], $0x80, $0x38;
	[tilespmem:$0x1C000] =	vst v63  }
0x4d: {  	s17 =	sadd.s32 $0x1, s17;
	s22 =	sadd.s32 $0x3C00, s20;
	s21 =	sadd.s32 $0x180, s23  }
0x4e: {  	[tilespmem:s22], [sflag:$0x1] =	stream.linear.gather [spmem:s21], $0x80, $0x38;
	[tilespmem:$0x1C000] =	vst v63  }
.Ltmp3:
0x4f: {  	_ = 	snop;
	(pc) =	sbr.rel @p0 .LBB2_8-.Ltmp3, $4  }
0x50: {  	s20 =	sadd.s32 $0x4000, s20;
	s21 =	sshrl.u32 s17, $0x3;
	s22 =	sadd.s32 $0x200, s23  }
0x51: {  	[tilespmem:s20], [sflag:$0x1] =	stream.linear.gather [spmem:s22], $0x80, $0x38;
	[tilespmem:$0x1C000] =	vst v63  }
0x52: {  	s20 =	smul.u32 $0x5000, s21;
	_ =	swait.ge [sflag:s9], $0x280  }
0x53: {  	s19 =	sadd.s32 $0x80, s19;
	[sflag:s9] =	ssyncset.done $0x0  }
0x54: {  	s15 =	sshra.s32 s20, $0x2  }
0x55: {  	s16 =	sshra.s32 s16, $0x2;
	s15 =	sor.u32 s18, s15  }
0x56: {  	[sflag:s9] =	ssyncadd.s32 $0xFFFFFD80;
	s16 =	sadd.s32 s16, s6;
	s17 =	sadd.s32 $0x3000, s15  }
0x57: {  	[tilespmem:s17], [sflag:$0x1] =	stream.linear.gather [spmem:s16], $0x80, $0x38;
	[tilespmem:$0x1C000] =	vst v63  }
0x58: {  	s23 =	sadd.s32 $0x80, s16;
	s18 =	sadd.s32 $0x3400, s15  }
0x59: {  	[tilespmem:s18], [sflag:$0x1] =	stream.linear.gather [spmem:s23], $0x80, $0x38;
	[tilespmem:$0x1C000] =	vst v63  }
0x5a: {  	s24 =	sadd.s32 $0x100, s16;
	s25 =	sadd.s32 $0x3800, s15  }
0x5b: {  	[tilespmem:s25], [sflag:$0x1] =	stream.linear.gather [spmem:s24], $0x80, $0x38;
	[tilespmem:$0x1C000] =	vst v63  }
0x5c: {  	s26 =	sadd.s32 $0x180, s16;
	s28 =	sadd.s32 $0x3C00, s15  }
0x5d: {  	[tilespmem:s28], [sflag:$0x1] =	stream.linear.gather [spmem:s26], $0x80, $0x38;
	[tilespmem:$0x1C000] =	vst v63  }
0x5e: {  	s15 =	sadd.s32 $0x4000, s15;
	s16 =	sadd.s32 $0x200, s16  }
0x5f: {  	[tilespmem:s15], [sflag:$0x1] =	stream.linear.gather [spmem:s16], $0x80, $0x38;
	[tilespmem:$0x1C000] =	vst v63  }
0x60: {  	_ =	swait.ge [sflag:s9], $0x280  }
0x61: {  	s29 =	sand.u32 $0x70, s14;
	s30 =	sand.u32 $0x1C00, s14;
	[sflag:s9] =	ssyncset.done $0x0  }
0x62: {  	s15 =	sor.u32 s29, s30;
	[sflag:s9] =	ssyncadd.s32 $0xFFFFFD80  }
0x63: {  	v3 =	vld [tilespmem:s15+$0x3000];
	_ =	sdelay $0x1  }
0x64: {  	v4 =	vld [tilespmem:s15+$0x3080];
	_ =	sdelay $0x1  }
0x65: {  	v5 =	vld [tilespmem:s15+$0x3100]  }
0x66: {  	v3 =	vadd.f32 $0.0e+00, v3  }
0x67: {  	v6 =	vld [tilespmem:s15+$0x3180]  }
0x68: {  	v3 =	vadd.f32 v4, v3  }
0x69: {  	v4 =	vld [tilespmem:s15+$0x3200]  }
0x6a: {  	v3 =	vadd.f32 v5, v3  }
0x6b: {  	v5 =	vld [tilespmem:s15+$0x3280]  }
0x6c: {  	v3 =	vadd.f32 v6, v3  }
0x6d: {  	s31 =	sor.u32 s14, s14;
	v6 =	vld [tilespmem:s15+$0x3300]  }
0x6e: {  	s16 =	sor.u32 $0x380, s31;
	v3 =	vadd.f32 v4, v3  }
0x6f: {  	v4 =	vld [tilespmem:s16+$0x3000]  }
0x70: {  	v3 =	vadd.f32 v5, v3  }
0x71: {  	v5 =	vld [tilespmem:s15+$0x4400]  }
0x72: {  	v3 =	vadd.f32 v6, v3  }
0x73: {  	v6 =	vld [tilespmem:s15+$0x4480]  }
0x74: {  	v3 =	vadd.f32 v4, v3  }
0x75: {  	v4 =	vld [tilespmem:s15+$0x4500]  }
0x76: {  	v3 =	vadd.f32 v5, v3  }
0x77: {  	v5 =	vld [tilespmem:s15+$0x4580]  }
0x78: {  	v3 =	vadd.f32 v6, v3  }
0x79: {  	v6 =	vld [tilespmem:s15+$0x4600]  }
0x7a: {  	v3 =	vadd.f32 v4, v3  }
0x7b: {  	v4 =	vld [tilespmem:s15+$0x4680]  }
0x7c: {  	v3 =	vadd.f32 v5, v3  }
0x7d: {  	v5 =	vld [tilespmem:s15+$0x4700]  }
0x7e: {  	v3 =	vadd.f32 v6, v3;
	_ =	sdelay $0x1  }
0x7f: {  	v3 =	vadd.f32 v4, v3  }
0x80: {  	v6 =	vld [tilespmem:s15+$0x4780];
	v4 =	vmov s14  }
0x81: {  	v5 =	vadd.f32 v5, v3;
	v3 =	vshll.u32 v4, $0x7  }
0x82: {  	v3 =	vor.u32 v2, v3;
	_ =	sdelay $0x2  }
0x83: {  	s14 =	simm.s32 $0x10;
	v4 =	vadd.f32 v6, v5  }
0x84: {  	s17 =	sand.u32 $0x1C00, s13;
	s15 =	simm.s32 $0x20;
	s16 =	sand.u32 $0x70, s14  }
.LBB2_10:
0x85: {  	p0 =	sne.s32 s15, $0x270;
	s16 =	sor.u32 s16, s17;
	[tilespmem:v3+s11+$0x0] =	vst.idx.msk $0xffff, v4  }
0x86: {  	v3 =	vld [tilespmem:s16+$0x3000];
	_ =	sdelay $0x1  }
0x87: {  	v4 =	vld [tilespmem:s16+$0x3080];
	_ =	sdelay $0x1  }
0x88: {  	v5 =	vld [tilespmem:s16+$0x3100]  }
0x89: {  	v3 =	vadd.f32 $0.0e+00, v3  }
0x8a: {  	v6 =	vld [tilespmem:s16+$0x3180]  }
0x8b: {  	v3 =	vadd.f32 v4, v3  }
0x8c: {  	v4 =	vld [tilespmem:s16+$0x3200]  }
0x8d: {  	v3 =	vadd.f32 v5, v3  }
0x8e: {  	v5 =	vld [tilespmem:s16+$0x3280]  }
0x8f: {  	v3 =	vadd.f32 v6, v3  }
0x90: {  	s17 =	sor.u32 s13, s14;
	v6 =	vld [tilespmem:s16+$0x3300]  }
0x91: {  	s17 =	sor.u32 $0x380, s17;
	v3 =	vadd.f32 v4, v3  }
0x92: {  	v4 =	vld [tilespmem:s17+$0x3000]  }
0x93: {  	v3 =	vadd.f32 v5, v3  }
0x94: {  	v5 =	vld [tilespmem:s16+$0x4400]  }
0x95: {  	v3 =	vadd.f32 v6, v3  }
0x96: {  	v6 =	vld [tilespmem:s16+$0x4480]  }
0x97: {  	v3 =	vadd.f32 v4, v3  }
0x98: {  	v4 =	vld [tilespmem:s16+$0x4500]  }
0x99: {  	v3 =	vadd.f32 v5, v3  }
0x9a: {  	v5 =	vld [tilespmem:s16+$0x4580]  }
0x9b: {  	v3 =	vadd.f32 v6, v3  }
0x9c: {  	v6 =	vld [tilespmem:s16+$0x4600]  }
0x9d: {  	v3 =	vadd.f32 v4, v3  }
0x9e: {  	v4 =	vld [tilespmem:s16+$0x4680]  }
0x9f: {  	v3 =	vadd.f32 v5, v3  }
0xa0: {  	v5 =	vld [tilespmem:s16+$0x4700]  }
0xa1: {  	v3 =	vadd.f32 v6, v3  }
0xa2: {  	v7 =	vmov s14;
	s14 =	smov.u32 s15;
	v6 =	vld [tilespmem:s16+$0x4780]  }
0xa3: {  	v4 =	vadd.f32 v4, v3;
	v3 =	vshll.u32 v7, $0x7  }
.Ltmp4:
0xa4: {  	v3 =	vor.u32 v2, v3;
	(pc) =	sbr.rel @p0 .LBB2_10-.Ltmp4, $3  }
0xa5: {  	v4 =	vadd.f32 v5, v4;
	_ =	sdelay $0x1  }
0xa6: {  	s13 =	sadd.s32 $0x80, s13;
	v4 =	vadd.f32 v6, v4  }
0xa7: {  	s15 =	sadd.s32 $0x10, s15;
	s17 =	sand.u32 $0x1C00, s13;
	s16 =	sand.u32 $0x70, s14  }
0xa8: {  	_ =	sdelay $0x3  }
0xa9: {  	s15 =	sor.u32 s16, s17;
	[tilespmem:v3+s11+$0x0] =	vst.idx.msk $0xffff, v4  }
0xaa: {  	v3 =	vld [tilespmem:s15+$0x3000];
	_ =	sdelay $0x1  }
0xab: {  	v4 =	vld [tilespmem:s15+$0x3080];
	_ =	sdelay $0x1  }
0xac: {  	v5 =	vld [tilespmem:s15+$0x3100]  }
0xad: {  	v3 =	vadd.f32 $0.0e+00, v3  }
0xae: {  	v6 =	vld [tilespmem:s15+$0x3180]  }
0xaf: {  	v3 =	vadd.f32 v4, v3  }
0xb0: {  	v51 =	vld [tilespmem:s15+$0x3200]  }
0xb1: {  	v3 =	vadd.f32 v5, v3  }
0xb2: {  	v52 =	vld [tilespmem:s15+$0x3280]  }
0xb3: {  	v3 =	vadd.f32 v6, v3  }
0xb4: {  	s13 =	sor.u32 s13, s14;
	v53 =	vld [tilespmem:s15+$0x3300]  }
0xb5: {  	s13 =	sor.u32 $0x380, s13;
	v3 =	vadd.f32 v51, v3  }
0xb6: {  	v54 =	vld [tilespmem:s13+$0x3000]  }
0xb7: {  	v3 =	vadd.f32 v52, v3  }
0xb8: {  	v55 =	vld [tilespmem:s15+$0x4400]  }
0xb9: {  	v3 =	vadd.f32 v53, v3  }
0xba: {  	v56 =	vld [tilespmem:s15+$0x4480]  }
0xbb: {  	v3 =	vadd.f32 v54, v3  }
0xbc: {  	v57 =	vld [tilespmem:s15+$0x4500]  }
0xbd: {  	v3 =	vadd.f32 v55, v3  }
0xbe: {  	v58 =	vld [tilespmem:s15+$0x4580]  }
0xbf: {  	v3 =	vadd.f32 v56, v3  }
0xc0: {  	v59 =	vld [tilespmem:s15+$0x4600]  }
0xc1: {  	v3 =	vadd.f32 v57, v3  }
0xc2: {  	v60 =	vld [tilespmem:s15+$0x4680]  }
0xc3: {  	v3 =	vadd.f32 v58, v3  }
0xc4: {  	v61 =	vld [tilespmem:s15+$0x4700]  }
0xc5: {  	v3 =	vadd.f32 v59, v3  }
0xc6: {  	v7 =	vmov s14;
	v62 =	vld [tilespmem:s15+$0x4780]  }
0xc7: {  	v63 =	vshll.u32 v7, $0x7;
	v3 =	vadd.f32 v60, v3  }
0xc8: {  	v4 =	vor.u32 v2, v63  }
0xc9: {  	v3 =	vadd.f32 v61, v3;
	_ =	sdelay $0x1  }
0xca: {  	s12 =	sadd.s32 $0x1, s12;
	v3 =	vadd.f32 v62, v3  }
0xcb: {  	p0 =	sne.s32 s12, s8  }
.Ltmp5:
0xcc: {  	[tilespmem:v4+s11+$0x0] =	vst.idx.msk $0xffff, v3;
	(pc) =	sbr.rel @p0 .LBB2_1-.Ltmp5, $4  }
0xcd: {  	[hbm4b:s7+s2] =	stream.linear.scatter [tilespmem:s11], [sflag:$0x1], $0x14000, $0x38;
	[tilespmem:$0x1C000] =	vst v63  }
0xce: {  	_ =	swait.ge [sflag:s9], $0x14000  }
0xcf: {  	[sflag:s9] =	ssyncset.done $0x0  }
0xd0: {  	[sflag:s9] =	ssyncadd.s32 $0xFFFEC000  }
0xd1: {  	_ =	sfence.sel $0x180000  }
0xd2: {  	[bflag:$0x0] =	sbarrier.arrive $0xFFFF  }
0xd3: {  	p0 =	sne.s32 s1, $0x0;
	_ =	strace $0x90000047  }
0xd4: {  	s0 =	sadd.s32 @!p0 $0x100000, s0;
	[bflag:$0x2] =	sbarrier.arrive $0xFFFF  }
0xd5: {  	[sflag:s0] =	ssyncadd.tile.s32 @!p0 $0x1;
	_ =	shalt  }
.Lfunc_end2:
_tile_overlayer_lowered:
.L_overlay_start_2:
0xd6: {  	(tag) =	ssettag $0x2  }
0xd7: {  	s0 =	rddreg [dreg:$0x0];
	s2 =	stileid.u32  }
0xd8: {  	s1 =	rddreg [dreg:$0x1];
	p0 =	sne.s32 s2, $0x0  }
0xd9: {  	s3 =	rddreg [dreg:$0x2];
	[bflag:$0x3] =	sbarrier.arrive $0xFFFF;
	s2 =	simm.s32 @!p0 $0x1C01  }
0xda: {  	[timem:s3], [sflag:s2] =	dma.local @!p0 [hbm:s0], s1  }
0xdb: {  	s0 =	simm.s32 @!p0 $0x1  }
0xdc: {  	_ =	swait.ge @!p0 [sflag:s0], s1  }
0xdd: {  	s1 =	ssub.s32 @!p0 $0x0, s1;
	[sflag:s0] =	ssyncset.done @!p0 $0x0  }
0xde: {  	[sflag:s0] =	ssyncadd.s32 @!p0 s1  }
0xdf: {  	[bflag:$0x3] =	sbarrier.arrive $0xFFFF  }
0xe0: {  	_ =	shalt  }

</sc_bundles>
